<compile_context>
chip_gen: v7x
topology: tpu7x:2x2x1
jax: 0.10.2.dev20260603
libtpu: 0.0.44.dev20260713+nightly
codegen_flags: <defaults>
</compile_context>

<pallas_src>
import functools

import jax
import jax.numpy as jnp
from jax import lax
from jax.experimental import pallas as pl
from jax.experimental.pallas import tpu as pltpu
from jax.experimental.pallas import tpu_sc as plsc

_DEG = 16
_CHUNK = 128
_NWORKERS = 32


def _h_body(ef_ref, w1_ref, b1_ref, h_ref):
    h = jnp.dot(ef_ref[...], w1_ref[...], preferred_element_type=jnp.float32)
    h_ref[...] = jnp.maximum(h + b1_ref[...], 0.0)


def _gather_body(nchunk, inp_hbm, h_hbm, idxn_hbm, idxe_hbm, sel_hbm, hsel_hbm,
                 idxn_v, idxe_v, rows_n, rows_h,
                 sgn0, sgn1, sgh0, sgh1, swn0, swn1, swh0, swh1):
    wid = lax.axis_index("s") * 2 + lax.axis_index("c")
    base0 = wid * (nchunk * _CHUNK)
    sgn, sgh, swn, swh = (sgn0, sgn1), (sgh0, sgh1), (swn0, swn1), (swh0, swh1)

    def idx_load(i, b):
        base = base0 + i * _CHUNK
        pltpu.sync_copy(idxn_hbm.at[pl.ds(base, _CHUNK)], idxn_v.at[b])
        pltpu.sync_copy(idxe_hbm.at[pl.ds(base, _CHUNK)], idxe_v.at[b])

    def gather_issue(b):
        pltpu.async_copy(inp_hbm.at[idxn_v.at[b]], rows_n.at[b], sgn[b])
        pltpu.async_copy(h_hbm.at[idxe_v.at[b]], rows_h.at[b], sgh[b])

    def gather_wait(b):
        pltpu.make_async_copy(inp_hbm.at[idxn_v.at[b]], rows_n.at[b], sgn[b]).wait()
        pltpu.make_async_copy(h_hbm.at[idxe_v.at[b]], rows_h.at[b], sgh[b]).wait()

    def wb_issue(i, b):
        base = base0 + i * _CHUNK
        pltpu.async_copy(rows_n.at[b], sel_hbm.at[pl.ds(base, _CHUNK)], swn[b])
        pltpu.async_copy(rows_h.at[b], hsel_hbm.at[pl.ds(base, _CHUNK)], swh[b])

    def wb_wait(b):
        pltpu.make_async_copy(rows_n.at[b], sel_hbm.at[pl.ds(base0, _CHUNK)], swn[b]).wait()
        pltpu.make_async_copy(rows_h.at[b], hsel_hbm.at[pl.ds(base0, _CHUNK)], swh[b]).wait()

    idx_load(0, 0)
    gather_issue(0)
    idx_load(1, 1)
    gather_issue(1)

    def body(g, carry):
        for b in (0, 1):
            i = 2 * g + b
            gather_wait(b)
            wb_issue(i, b)
            wb_wait(b)
            idx_load(i + 2, b)
            gather_issue(b)
        return carry

    lax.fori_loop(0, nchunk // 2 - 1, body, 0)
    for b in (0, 1):
        gather_wait(b)
        wb_issue(nchunk - 2 + b, b)
    for b in (0, 1):
        wb_wait(b)


def _conv_body(nb, deg, fin, hid, sel_ref, hsel_ref, c2_ref, b2r_ref, degs_ref, out_ref):
    sel3 = sel_ref[...].reshape(nb, deg, fin)
    hsel3 = hsel_ref[...].reshape(nb, deg, hid)
    f = lax.dot_general(sel3, hsel3, (((1,), (1,)), ((0,), (0,))),
                        preferred_element_type=jnp.float32)
    acc = jnp.dot(f.reshape(nb, fin * hid), c2_ref[...],
                  preferred_element_type=jnp.float32)
    acc = acc + jnp.dot(jnp.sum(sel3, axis=1), b2r_ref[...],
                        preferred_element_type=jnp.float32)
    d = degs_ref[...]
    out_ref[...] = jnp.where(d > 0.0, acc / jnp.maximum(d, 1.0), 0.0)


def kernel(input, idxn, idxe, degs, edgefeats, W1, b1, W2, b2):
    n, fin = input.shape
    u, hid = edgefeats.shape[0], W1.shape[1]
    out = W2.shape[1] // fin
    e = idxn.shape[0]

    h = pl.pallas_call(
        _h_body,
        out_shape=jax.ShapeDtypeStruct((u, hid), jnp.float32),
    )(edgefeats, W1, b1.reshape(1, hid))

    c2 = W2.reshape(hid, fin, out).transpose(1, 0, 2).reshape(fin * hid, out)
    b2r = b2.reshape(fin, out)
    degs_f = degs.astype(jnp.float32).reshape(n, 1)
    nsplit = 2
    nh = n // nsplit
    eh = nh * _DEG
    outs = []
    for s in range(nsplit):
        idxn_h = lax.slice(idxn, (s * eh,), ((s + 1) * eh,))
        idxe_h = lax.slice(idxe, (s * eh,), ((s + 1) * eh,))
        epad = ((eh + _NWORKERS * _CHUNK - 1) // (_NWORKERS * _CHUNK)) * _NWORKERS * _CHUNK
        nchunk = epad // (_NWORKERS * _CHUNK)
        idxn_p = jnp.concatenate([idxn_h, jnp.zeros((epad - eh,), jnp.int32)])
        idxe_p = jnp.concatenate([idxe_h, jnp.zeros((epad - eh,), jnp.int32)])

        gfn = pl.kernel(
            functools.partial(_gather_body, nchunk),
            out_type=[jax.ShapeDtypeStruct((epad, fin), jnp.float32),
                      jax.ShapeDtypeStruct((epad, hid), jnp.float32)],
            mesh=plsc.VectorSubcoreMesh(core_axis_name="c", subcore_axis_name="s"),
            scratch_types=[pltpu.VMEM((2, _CHUNK), jnp.int32),
                           pltpu.VMEM((2, _CHUNK), jnp.int32),
                           pltpu.VMEM((2, _CHUNK, fin), jnp.float32),
                           pltpu.VMEM((2, _CHUNK, hid), jnp.float32)]
                          + [pltpu.SemaphoreType.DMA] * 8,
            compiler_params=pltpu.CompilerParams(use_tc_tiling_on_sc=False),
        )
        sel, hsel = gfn(input, h, idxn_p, idxe_p)

        nb = 200
        nblocks = nh // nb
        degs_h = lax.slice(degs_f, (s * nh, 0), ((s + 1) * nh, 1))
        conv = pl.pallas_call(
            functools.partial(_conv_body, nb, _DEG, fin, hid),
            grid=(nblocks,),
            in_specs=[
                pl.BlockSpec((nb * _DEG, fin), lambda b: (b, 0)),
                pl.BlockSpec((nb * _DEG, hid), lambda b: (b, 0)),
                pl.BlockSpec((fin * hid, out), lambda b: (0, 0)),
                pl.BlockSpec((fin, out), lambda b: (0, 0)),
                pl.BlockSpec((nb, 1), lambda b: (b, 0)),
            ],
            out_specs=pl.BlockSpec((nb, out), lambda b: (b, 0)),
            out_shape=jax.ShapeDtypeStruct((nh, out), jnp.float32),
        )
        outs.append(conv(sel, hsel, c2, b2r, degs_h))
    return jnp.concatenate(outs, axis=0)

# --- scband reference (transcript-rebuilt; emitter-appended) ---
"""Pipeline reference for scband-graph-conv-module-pure-autograd-39642548142691 (READ-ONLY COPY).

The authoritative reference and input builder live on the scoring server;
editing this copy changes nothing except your own understanding.
"""

import jax, jax.numpy as jnp
import numpy as np

N = 10000      # nodes
DEG = 16       # uniform degree
E = N * DEG    # 160000 edges
IN = 64
OUT = 32
DEDGE = 4
U = 4096       # unique edge-feature rows (idxe targets)
HID = 64


def setup_inputs(seed: int = 0) -> dict:
    key = jax.random.key(seed)
    ks = jax.random.split(key, 8)
    inp = jax.random.normal(ks[0], (N, IN), dtype=jnp.float32)
    idxn = jax.random.randint(ks[1], (E,), 0, N, dtype=jnp.int32)
    idxe = jax.random.randint(ks[2], (E,), 0, U, dtype=jnp.int32)
    degs = jnp.full((N,), DEG, dtype=jnp.int32)
    edgefeats = jax.random.normal(ks[3], (U, DEDGE), dtype=jnp.float32)
    # filter_net params: Linear(DEDGE,HID) -> ReLU -> Linear(HID, IN*OUT)
    W1 = jax.random.normal(ks[4], (DEDGE, HID), dtype=jnp.float32) * (1.0 / np.sqrt(DEDGE))
    b1 = jnp.zeros((HID,), dtype=jnp.float32)
    W2 = jax.random.normal(ks[5], (HID, IN * OUT), dtype=jnp.float32) * (1.0 / np.sqrt(HID))
    b2 = jnp.zeros((IN * OUT,), dtype=jnp.float32)
    return {"input": inp, "idxn": idxn, "idxe": idxe, "degs": degs,
            "edgefeats": edgefeats, "W1": W1, "b1": b1, "W2": W2, "b2": b2}


def reference(input, idxn, idxe, degs, edgefeats, W1, b1, W2, b2):
    # filter_net: edge features -> flattened [IN, OUT] weight per unique edge type
    h = jax.nn.relu(edgefeats @ W1 + b1)
    weights = (h @ W2 + b2).reshape(-1, IN, OUT)          # [U, IN, OUT]
    # weights = torch.index_select(weights, 0, idxe)
    wsel = jnp.take(weights, idxe, axis=0)                # [E, IN, OUT]
    # sel_input = torch.index_select(input, 0, idxn)
    sel = jnp.take(input, idxn, axis=0)                   # [E, IN]
    # torch.bmm(sel_input.view(-1,1,IN), weights) -> [E, 1, OUT]
    products = jnp.einsum('ei,eio->eo', sel, wsel)        # [E, OUT]
    # per-node mean over contiguous runs of degs[i] edges (index_copy_ loop)
    nseg = degs.shape[0]
    seg = jnp.repeat(jnp.arange(nseg, dtype=jnp.int32), degs, total_repeat_length=products.shape[0])
    sums = jax.ops.segment_sum(products, seg, num_segments=nseg)  # [N, OUT]
    d = degs.astype(jnp.float32)[:, None]
    out = jnp.where(d > 0, sums / jnp.maximum(d, 1.0), 0.0)
    return out

if __name__ == "__main__":
    import jax
    _d = setup_inputs()
    print(jax.jit(kernel)(*tuple(_d.values())))

</pallas_src>

<mosaic_0001>
#map = affine_map<(d0, d1) -> (0, 0)>
#map1 = affine_map<(d0, d1) -> (0)>
module attributes {stable_mosaic.version = 14 : i64} {
  func.func @_gather_body(%arg0: i32, %arg1: i32, %arg2: memref<10000x64xf32, #tpu.memory_space<hbm>>, %arg3: memref<4096x64xf32, #tpu.memory_space<hbm>>, %arg4: memref<81920xi32, #tpu.memory_space<hbm>>, %arg5: memref<81920xi32, #tpu.memory_space<hbm>>, %arg6: memref<81920x64xf32, #tpu.memory_space<hbm>>, %arg7: memref<81920x64xf32, #tpu.memory_space<hbm>>, %arg8: memref<2x128xi32, #tpu.memory_space<vmem>>, %arg9: memref<2x128xi32, #tpu.memory_space<vmem>>, %arg10: memref<2x128x64xf32, #tpu.memory_space<vmem>>, %arg11: memref<2x128x64xf32, #tpu.memory_space<vmem>>, %arg12: memref<!tpu.dma_semaphore, #tpu.memory_space<semaphore_mem>>, %arg13: memref<!tpu.dma_semaphore, #tpu.memory_space<semaphore_mem>>, %arg14: memref<!tpu.dma_semaphore, #tpu.memory_space<semaphore_mem>>, %arg15: memref<!tpu.dma_semaphore, #tpu.memory_space<semaphore_mem>>, %arg16: memref<!tpu.dma_semaphore, #tpu.memory_space<semaphore_mem>>, %arg17: memref<!tpu.dma_semaphore, #tpu.memory_space<semaphore_mem>>, %arg18: memref<!tpu.dma_semaphore, #tpu.memory_space<semaphore_mem>>, %arg19: memref<!tpu.dma_semaphore, #tpu.memory_space<semaphore_mem>>) attributes {dimension_semantics = [#tpu.dimension_semantics<core_parallel>, #tpu.dimension_semantics<subcore_parallel>], iteration_bounds = array<i64: 2, 16>, scalar_prefetch = 0 : i64, scratch_operands = 12 : i64, tpu.core_type = #tpu.core_type<sc_vector_subcore>, window_params = [{transform_indices = #map}, {transform_indices = #map}, {transform_indices = #map1}, {transform_indices = #map1}, {transform_indices = #map}, {transform_indices = #map}]} {
    %mul3A = arith.constant 2 : i32
    %mul3A_0 = arith.muli %arg1, %mul3A : i32
    %add3A = arith.addi %mul3A_0, %arg0 : i32
    %mul3A_1 = arith.constant 2560 : i32
    %mul3A_2 = arith.muli %add3A, %mul3A_1 : i32
    %add3A_3 = arith.constant 0 : i32
    %add3A_4 = arith.addi %mul3A_2, %add3A_3 : i32
    %run_scoped3A = arith.constant 0 : i32
    "tpu.region"() ({
      %run_scoped3A_217 = tpu.sem_alloc : memref<!tpu.dma_semaphore, #tpu.memory_space<semaphore_mem>>
      %dma_start3A_218 = arith.constant 0 : i32
      %dma_start3A_219 = tpu.memref_slice %arg8[%run_scoped3A, %dma_start3A_218] : memref<2x128xi32, #tpu.memory_space<vmem>> -> memref<1x128xi32, #tpu.memory_space<vmem>>
      %dma_start3A_220 = tpu.memref_squeeze %dma_start3A_219 : memref<1x128xi32, #tpu.memory_space<vmem>> -> memref<128xi32, #tpu.memory_space<vmem>>
      %dma_start3A_221 = tpu.memref_slice %arg4[%add3A_4] : memref<81920xi32, #tpu.memory_space<hbm>> -> memref<128xi32, #tpu.memory_space<hbm>>
      %dma_start3A_222 = arith.constant 0 : i32
      %dma_start3A_223 = tpu.memref_slice %arg8[%run_scoped3A, %dma_start3A_222] : memref<2x128xi32, #tpu.memory_space<vmem>> -> memref<1x128xi32, #tpu.memory_space<vmem>>
      %dma_start3A_224 = tpu.memref_squeeze %dma_start3A_223 : memref<1x128xi32, #tpu.memory_space<vmem>> -> memref<128xi32, #tpu.memory_space<vmem>>
      %dma_start3A_225 = tpu.memref_slice %arg4[%add3A_4] : memref<81920xi32, #tpu.memory_space<hbm>> -> memref<128xi32, #tpu.memory_space<hbm>>
      tpu.enqueue_dma source(%dma_start3A_225 : memref<128xi32, #tpu.memory_space<hbm>>) target(%dma_start3A_224 : memref<128xi32, #tpu.memory_space<vmem>>) target_semaphore(%run_scoped3A_217 : memref<!tpu.dma_semaphore, #tpu.memory_space<semaphore_mem>>)
      %dma_wait3A_226 = arith.constant 0 : i32
      %dma_wait3A_227 = tpu.memref_slice %arg8[%run_scoped3A, %dma_wait3A_226] : memref<2x128xi32, #tpu.memory_space<vmem>> -> memref<1x128xi32, #tpu.memory_space<vmem>>
      %dma_wait3A_228 = tpu.memref_squeeze %dma_wait3A_227 : memref<1x128xi32, #tpu.memory_space<vmem>> -> memref<128xi32, #tpu.memory_space<vmem>>
      %dma_wait3A_229 = tpu.memref_slice %arg4[%add3A_4] : memref<81920xi32, #tpu.memory_space<hbm>> -> memref<128xi32, #tpu.memory_space<hbm>>
      %dma_wait3A_230 = arith.constant 0 : i32
      %dma_wait3A_231 = tpu.memref_slice %arg8[%run_scoped3A, %dma_wait3A_230] : memref<2x128xi32, #tpu.memory_space<vmem>> -> memref<1x128xi32, #tpu.memory_space<vmem>>
      %dma_wait3A_232 = tpu.memref_squeeze %dma_wait3A_231 : memref<1x128xi32, #tpu.memory_space<vmem>> -> memref<128xi32, #tpu.memory_space<vmem>>
      %dma_wait3A_233 = tpu.memref_slice %arg4[%add3A_4] : memref<81920xi32, #tpu.memory_space<hbm>> -> memref<128xi32, #tpu.memory_space<hbm>>
      tpu.wait_dma2 semaphore(%run_scoped3A_217 : memref<!tpu.dma_semaphore, #tpu.memory_space<semaphore_mem>>) src(%dma_wait3A_233 : memref<128xi32, #tpu.memory_space<hbm>>) dst(%dma_wait3A_232 : memref<128xi32, #tpu.memory_space<vmem>>)
      tpu.yield
    }) : () -> ()
    %run_scoped3A_5 = arith.constant 0 : i32
    "tpu.region"() ({
      %run_scoped3A_217 = tpu.sem_alloc : memref<!tpu.dma_semaphore, #tpu.memory_space<semaphore_mem>>
      %dma_start3A_218 = arith.constant 0 : i32
      %dma_start3A_219 = tpu.memref_slice %arg9[%run_scoped3A_5, %dma_start3A_218] : memref<2x128xi32, #tpu.memory_space<vmem>> -> memref<1x128xi32, #tpu.memory_space<vmem>>
      %dma_start3A_220 = tpu.memref_squeeze %dma_start3A_219 : memref<1x128xi32, #tpu.memory_space<vmem>> -> memref<128xi32, #tpu.memory_space<vmem>>
      %dma_start3A_221 = tpu.memref_slice %arg5[%add3A_4] : memref<81920xi32, #tpu.memory_space<hbm>> -> memref<128xi32, #tpu.memory_space<hbm>>
      %dma_start3A_222 = arith.constant 0 : i32
      %dma_start3A_223 = tpu.memref_slice %arg9[%run_scoped3A_5, %dma_start3A_222] : memref<2x128xi32, #tpu.memory_space<vmem>> -> memref<1x128xi32, #tpu.memory_space<vmem>>
      %dma_start3A_224 = tpu.memref_squeeze %dma_start3A_223 : memref<1x128xi32, #tpu.memory_space<vmem>> -> memref<128xi32, #tpu.memory_space<vmem>>
      %dma_start3A_225 = tpu.memref_slice %arg5[%add3A_4] : memref<81920xi32, #tpu.memory_space<hbm>> -> memref<128xi32, #tpu.memory_space<hbm>>
      tpu.enqueue_dma source(%dma_start3A_225 : memref<128xi32, #tpu.memory_space<hbm>>) target(%dma_start3A_224 : memref<128xi32, #tpu.memory_space<vmem>>) target_semaphore(%run_scoped3A_217 : memref<!tpu.dma_semaphore, #tpu.memory_space<semaphore_mem>>)
      %dma_wait3A_226 = arith.constant 0 : i32
      %dma_wait3A_227 = tpu.memref_slice %arg9[%run_scoped3A_5, %dma_wait3A_226] : memref<2x128xi32, #tpu.memory_space<vmem>> -> memref<1x128xi32, #tpu.memory_space<vmem>>
      %dma_wait3A_228 = tpu.memref_squeeze %dma_wait3A_227 : memref<1x128xi32, #tpu.memory_space<vmem>> -> memref<128xi32, #tpu.memory_space<vmem>>
      %dma_wait3A_229 = tpu.memref_slice %arg5[%add3A_4] : memref<81920xi32, #tpu.memory_space<hbm>> -> memref<128xi32, #tpu.memory_space<hbm>>
      %dma_wait3A_230 = arith.constant 0 : i32
      %dma_wait3A_231 = tpu.memref_slice %arg9[%run_scoped3A_5, %dma_wait3A_230] : memref<2x128xi32, #tpu.memory_space<vmem>> -> memref<1x128xi32, #tpu.memory_space<vmem>>
      %dma_wait3A_232 = tpu.memref_squeeze %dma_wait3A_231 : memref<1x128xi32, #tpu.memory_space<vmem>> -> memref<128xi32, #tpu.memory_space<vmem>>
      %dma_wait3A_233 = tpu.memref_slice %arg5[%add3A_4] : memref<81920xi32, #tpu.memory_space<hbm>> -> memref<128xi32, #tpu.memory_space<hbm>>
      tpu.wait_dma2 semaphore(%run_scoped3A_217 : memref<!tpu.dma_semaphore, #tpu.memory_space<semaphore_mem>>) src(%dma_wait3A_233 : memref<128xi32, #tpu.memory_space<hbm>>) dst(%dma_wait3A_232 : memref<128xi32, #tpu.memory_space<vmem>>)
      tpu.yield
    }) : () -> ()
    %dma_start3A = arith.constant 0 : i32
    %dma_start3A_6 = arith.constant 0 : i32
    %dma_start3A_7 = arith.constant 0 : i32
    %dma_start3A_8 = arith.constant 0 : i32
    %dma_start3A_9 = tpu.memref_slice %arg10[%dma_start3A_6, %dma_start3A_7, %dma_start3A_8] : memref<2x128x64xf32, #tpu.memory_space<vmem>> -> memref<1x128x64xf32, #tpu.memory_space<vmem>>
    %dma_start3A_10 = tpu.memref_squeeze %dma_start3A_9 : memref<1x128x64xf32, #tpu.memory_space<vmem>> -> memref<128x64xf32, #tpu.memory_space<vmem>>
    %dma_start3A_11 = arith.constant 0 : i32
    %dma_start3A_12 = tpu.memref_slice %arg8[%dma_start3A, %dma_start3A_11] : memref<2x128xi32, #tpu.memory_space<vmem>> -> memref<1x128xi32, #tpu.memory_space<vmem>>
    %dma_start3A_13 = tpu.memref_squeeze %dma_start3A_12 : memref<1x128xi32, #tpu.memory_space<vmem>> -> memref<128xi32, #tpu.memory_space<vmem>>
    %dma_start3A_14 = arith.constant 0 : i32
    %dma_start3A_15 = arith.constant 0 : i32
    %dma_start3A_16 = tpu.memref_slice %arg2[%dma_start3A_14, %dma_start3A_15] : memref<10000x64xf32, #tpu.memory_space<hbm>> -> memref<10000x64xf32, #tpu.memory_space<hbm>>
    tpu.enqueue_indirect_dma source(%dma_start3A_16 : memref<10000x64xf32, #tpu.memory_space<hbm>>) target(%dma_start3A_10 : memref<128x64xf32, #tpu.memory_space<vmem>>) offsets(%dma_start3A_13 : memref<128xi32, #tpu.memory_space<vmem>>) semaphore(%arg12 : memref<!tpu.dma_semaphore, #tpu.memory_space<semaphore_mem>>)
    %dma_start3A_17 = arith.constant 0 : i32
    %dma_start3A_18 = arith.constant 0 : i32
    %dma_start3A_19 = arith.constant 0 : i32
    %dma_start3A_20 = arith.constant 0 : i32
    %dma_start3A_21 = tpu.memref_slice %arg11[%dma_start3A_18, %dma_start3A_19, %dma_start3A_20] : memref<2x128x64xf32, #tpu.memory_space<vmem>> -> memref<1x128x64xf32, #tpu.memory_space<vmem>>
    %dma_start3A_22 = tpu.memref_squeeze %dma_start3A_21 : memref<1x128x64xf32, #tpu.memory_space<vmem>> -> memref<128x64xf32, #tpu.memory_space<vmem>>
    %dma_start3A_23 = arith.constant 0 : i32
    %dma_start3A_24 = tpu.memref_slice %arg9[%dma_start3A_17, %dma_start3A_23] : memref<2x128xi32, #tpu.memory_space<vmem>> -> memref<1x128xi32, #tpu.memory_space<vmem>>
    %dma_start3A_25 = tpu.memref_squeeze %dma_start3A_24 : memref<1x128xi32, #tpu.memory_space<vmem>> -> memref<128xi32, #tpu.memory_space<vmem>>
    %dma_start3A_26 = arith.constant 0 : i32
    %dma_start3A_27 = arith.constant 0 : i32
    %dma_start3A_28 = tpu.memref_slice %arg3[%dma_start3A_26, %dma_start3A_27] : memref<4096x64xf32, #tpu.memory_space<hbm>> -> memref<4096x64xf32, #tpu.memory_space<hbm>>
    tpu.enqueue_indirect_dma source(%dma_start3A_28 : memref<4096x64xf32, #tpu.memory_space<hbm>>) target(%dma_start3A_22 : memref<128x64xf32, #tpu.memory_space<vmem>>) offsets(%dma_start3A_25 : memref<128xi32, #tpu.memory_space<vmem>>) semaphore(%arg14 : memref<!tpu.dma_semaphore, #tpu.memory_space<semaphore_mem>>)
    %add3A_29 = arith.constant 128 : i32
    %add3A_30 = arith.addi %mul3A_2, %add3A_29 : i32
    %run_scoped3A_31 = arith.constant 1 : i32
    "tpu.region"() ({
      %run_scoped3A_217 = tpu.sem_alloc : memref<!tpu.dma_semaphore, #tpu.memory_space<semaphore_mem>>
      %dma_start3A_218 = arith.constant 0 : i32
      %dma_start3A_219 = tpu.memref_slice %arg8[%run_scoped3A_31, %dma_start3A_218] : memref<2x128xi32, #tpu.memory_space<vmem>> -> memref<1x128xi32, #tpu.memory_space<vmem>>
      %dma_start3A_220 = tpu.memref_squeeze %dma_start3A_219 : memref<1x128xi32, #tpu.memory_space<vmem>> -> memref<128xi32, #tpu.memory_space<vmem>>
      %dma_start3A_221 = tpu.memref_slice %arg4[%add3A_30] : memref<81920xi32, #tpu.memory_space<hbm>> -> memref<128xi32, #tpu.memory_space<hbm>>
      %dma_start3A_222 = arith.constant 0 : i32
      %dma_start3A_223 = tpu.memref_slice %arg8[%run_scoped3A_31, %dma_start3A_222] : memref<2x128xi32, #tpu.memory_space<vmem>> -> memref<1x128xi32, #tpu.memory_space<vmem>>
      %dma_start3A_224 = tpu.memref_squeeze %dma_start3A_223 : memref<1x128xi32, #tpu.memory_space<vmem>> -> memref<128xi32, #tpu.memory_space<vmem>>
      %dma_start3A_225 = tpu.memref_slice %arg4[%add3A_30] : memref<81920xi32, #tpu.memory_space<hbm>> -> memref<128xi32, #tpu.memory_space<hbm>>
      tpu.enqueue_dma source(%dma_start3A_225 : memref<128xi32, #tpu.memory_space<hbm>>) target(%dma_start3A_224 : memref<128xi32, #tpu.memory_space<vmem>>) target_semaphore(%run_scoped3A_217 : memref<!tpu.dma_semaphore, #tpu.memory_space<semaphore_mem>>)
      %dma_wait3A_226 = arith.constant 0 : i32
      %dma_wait3A_227 = tpu.memref_slice %arg8[%run_scoped3A_31, %dma_wait3A_226] : memref<2x128xi32, #tpu.memory_space<vmem>> -> memref<1x128xi32, #tpu.memory_space<vmem>>
      %dma_wait3A_228 = tpu.memref_squeeze %dma_wait3A_227 : memref<1x128xi32, #tpu.memory_space<vmem>> -> memref<128xi32, #tpu.memory_space<vmem>>
      %dma_wait3A_229 = tpu.memref_slice %arg4[%add3A_30] : memref<81920xi32, #tpu.memory_space<hbm>> -> memref<128xi32, #tpu.memory_space<hbm>>
      %dma_wait3A_230 = arith.constant 0 : i32
      %dma_wait3A_231 = tpu.memref_slice %arg8[%run_scoped3A_31, %dma_wait3A_230] : memref<2x128xi32, #tpu.memory_space<vmem>> -> memref<1x128xi32, #tpu.memory_space<vmem>>
      %dma_wait3A_232 = tpu.memref_squeeze %dma_wait3A_231 : memref<1x128xi32, #tpu.memory_space<vmem>> -> memref<128xi32, #tpu.memory_space<vmem>>
      %dma_wait3A_233 = tpu.memref_slice %arg4[%add3A_30] : memref<81920xi32, #tpu.memory_space<hbm>> -> memref<128xi32, #tpu.memory_space<hbm>>
      tpu.wait_dma2 semaphore(%run_scoped3A_217 : memref<!tpu.dma_semaphore, #tpu.memory_space<semaphore_mem>>) src(%dma_wait3A_233 : memref<128xi32, #tpu.memory_space<hbm>>) dst(%dma_wait3A_232 : memref<128xi32, #tpu.memory_space<vmem>>)
      tpu.yield
    }) : () -> ()
    %run_scoped3A_32 = arith.constant 1 : i32
    "tpu.region"() ({
      %run_scoped3A_217 = tpu.sem_alloc : memref<!tpu.dma_semaphore, #tpu.memory_space<semaphore_mem>>
      %dma_start3A_218 = arith.constant 0 : i32
      %dma_start3A_219 = tpu.memref_slice %arg9[%run_scoped3A_32, %dma_start3A_218] : memref<2x128xi32, #tpu.memory_space<vmem>> -> memref<1x128xi32, #tpu.memory_space<vmem>>
      %dma_start3A_220 = tpu.memref_squeeze %dma_start3A_219 : memref<1x128xi32, #tpu.memory_space<vmem>> -> memref<128xi32, #tpu.memory_space<vmem>>
      %dma_start3A_221 = tpu.memref_slice %arg5[%add3A_30] : memref<81920xi32, #tpu.memory_space<hbm>> -> memref<128xi32, #tpu.memory_space<hbm>>
      %dma_start3A_222 = arith.constant 0 : i32
      %dma_start3A_223 = tpu.memref_slice %arg9[%run_scoped3A_32, %dma_start3A_222] : memref<2x128xi32, #tpu.memory_space<vmem>> -> memref<1x128xi32, #tpu.memory_space<vmem>>
      %dma_start3A_224 = tpu.memref_squeeze %dma_start3A_223 : memref<1x128xi32, #tpu.memory_space<vmem>> -> memref<128xi32, #tpu.memory_space<vmem>>
      %dma_start3A_225 = tpu.memref_slice %arg5[%add3A_30] : memref<81920xi32, #tpu.memory_space<hbm>> -> memref<128xi32, #tpu.memory_space<hbm>>
      tpu.enqueue_dma source(%dma_start3A_225 : memref<128xi32, #tpu.memory_space<hbm>>) target(%dma_start3A_224 : memref<128xi32, #tpu.memory_space<vmem>>) target_semaphore(%run_scoped3A_217 : memref<!tpu.dma_semaphore, #tpu.memory_space<semaphore_mem>>)
      %dma_wait3A_226 = arith.constant 0 : i32
      %dma_wait3A_227 = tpu.memref_slice %arg9[%run_scoped3A_32, %dma_wait3A_226] : memref<2x128xi32, #tpu.memory_space<vmem>> -> memref<1x128xi32, #tpu.memory_space<vmem>>
      %dma_wait3A_228 = tpu.memref_squeeze %dma_wait3A_227 : memref<1x128xi32, #tpu.memory_space<vmem>> -> memref<128xi32, #tpu.memory_space<vmem>>
      %dma_wait3A_229 = tpu.memref_slice %arg5[%add3A_30] : memref<81920xi32, #tpu.memory_space<hbm>> -> memref<128xi32, #tpu.memory_space<hbm>>
      %dma_wait3A_230 = arith.constant 0 : i32
      %dma_wait3A_231 = tpu.memref_slice %arg9[%run_scoped3A_32, %dma_wait3A_230] : memref<2x128xi32, #tpu.memory_space<vmem>> -> memref<1x128xi32, #tpu.memory_space<vmem>>
      %dma_wait3A_232 = tpu.memref_squeeze %dma_wait3A_231 : memref<1x128xi32, #tpu.memory_space<vmem>> -> memref<128xi32, #tpu.memory_space<vmem>>
      %dma_wait3A_233 = tpu.memref_slice %arg5[%add3A_30] : memref<81920xi32, #tpu.memory_space<hbm>> -> memref<128xi32, #tpu.memory_space<hbm>>
      tpu.wait_dma2 semaphore(%run_scoped3A_217 : memref<!tpu.dma_semaphore, #tpu.memory_space<semaphore_mem>>) src(%dma_wait3A_233 : memref<128xi32, #tpu.memory_space<hbm>>) dst(%dma_wait3A_232 : memref<128xi32, #tpu.memory_space<vmem>>)
      tpu.yield
    }) : () -> ()
    %dma_start3A_33 = arith.constant 1 : i32
    %dma_start3A_34 = arith.constant 1 : i32
    %dma_start3A_35 = arith.constant 0 : i32
    %dma_start3A_36 = arith.constant 0 : i32
    %dma_start3A_37 = tpu.memref_slice %arg10[%dma_start3A_34, %dma_start3A_35, %dma_start3A_36] : memref<2x128x64xf32, #tpu.memory_space<vmem>> -> memref<1x128x64xf32, #tpu.memory_space<vmem>>
    %dma_start3A_38 = tpu.memref_squeeze %dma_start3A_37 : memref<1x128x64xf32, #tpu.memory_space<vmem>> -> memref<128x64xf32, #tpu.memory_space<vmem>>
    %dma_start3A_39 = arith.constant 0 : i32
    %dma_start3A_40 = tpu.memref_slice %arg8[%dma_start3A_33, %dma_start3A_39] : memref<2x128xi32, #tpu.memory_space<vmem>> -> memref<1x128xi32, #tpu.memory_space<vmem>>
    %dma_start3A_41 = tpu.memref_squeeze %dma_start3A_40 : memref<1x128xi32, #tpu.memory_space<vmem>> -> memref<128xi32, #tpu.memory_space<vmem>>
    %dma_start3A_42 = arith.constant 0 : i32
    %dma_start3A_43 = arith.constant 0 : i32
    %dma_start3A_44 = tpu.memref_slice %arg2[%dma_start3A_42, %dma_start3A_43] : memref<10000x64xf32, #tpu.memory_space<hbm>> -> memref<10000x64xf32, #tpu.memory_space<hbm>>
    tpu.enqueue_indirect_dma source(%dma_start3A_44 : memref<10000x64xf32, #tpu.memory_space<hbm>>) target(%dma_start3A_38 : memref<128x64xf32, #tpu.memory_space<vmem>>) offsets(%dma_start3A_41 : memref<128xi32, #tpu.memory_space<vmem>>) semaphore(%arg13 : memref<!tpu.dma_semaphore, #tpu.memory_space<semaphore_mem>>)
    %dma_start3A_45 = arith.constant 1 : i32
    %dma_start3A_46 = arith.constant 1 : i32
    %dma_start3A_47 = arith.constant 0 : i32
    %dma_start3A_48 = arith.constant 0 : i32
    %dma_start3A_49 = tpu.memref_slice %arg11[%dma_start3A_46, %dma_start3A_47, %dma_start3A_48] : memref<2x128x64xf32, #tpu.memory_space<vmem>> -> memref<1x128x64xf32, #tpu.memory_space<vmem>>
    %dma_start3A_50 = tpu.memref_squeeze %dma_start3A_49 : memref<1x128x64xf32, #tpu.memory_space<vmem>> -> memref<128x64xf32, #tpu.memory_space<vmem>>
    %dma_start3A_51 = arith.constant 0 : i32
    %dma_start3A_52 = tpu.memref_slice %arg9[%dma_start3A_45, %dma_start3A_51] : memref<2x128xi32, #tpu.memory_space<vmem>> -> memref<1x128xi32, #tpu.memory_space<vmem>>
    %dma_start3A_53 = tpu.memref_squeeze %dma_start3A_52 : memref<1x128xi32, #tpu.memory_space<vmem>> -> memref<128xi32, #tpu.memory_space<vmem>>
    %dma_start3A_54 = arith.constant 0 : i32
    %dma_start3A_55 = arith.constant 0 : i32
    %dma_start3A_56 = tpu.memref_slice %arg3[%dma_start3A_54, %dma_start3A_55] : memref<4096x64xf32, #tpu.memory_space<hbm>> -> memref<4096x64xf32, #tpu.memory_space<hbm>>
    tpu.enqueue_indirect_dma source(%dma_start3A_56 : memref<4096x64xf32, #tpu.memory_space<hbm>>) target(%dma_start3A_50 : memref<128x64xf32, #tpu.memory_space<vmem>>) offsets(%dma_start3A_53 : memref<128xi32, #tpu.memory_space<vmem>>) semaphore(%arg15 : memref<!tpu.dma_semaphore, #tpu.memory_space<semaphore_mem>>)
    %scan3A = arith.constant 0 : i32
    %scan3A_57 = arith.constant 0 : i32
    %scan3A_58 = arith.constant 9 : i32
    %scan3A_59 = arith.addi %scan3A_57, %scan3A_58 : i32
    %scan3A_60 = arith.constant 1 : i32
    scf.for %scan3A_217 = %scan3A_57 to %scan3A_59 step %scan3A_60  : i32 {
      %mul3A_218 = arith.constant 2 : i32
      %mul3A_219 = arith.muli %mul3A_218, %scan3A_217 : i32
      %add3A_220 = arith.constant 0 : i32
      %add3A_221 = arith.addi %mul3A_219, %add3A_220 : i32
      %dma_wait3A_222 = arith.constant 0 : i32
      %dma_wait3A_223 = arith.constant 0 : i32
      %dma_wait3A_224 = arith.constant 0 : i32
      %dma_wait3A_225 = arith.constant 0 : i32
      %dma_wait3A_226 = tpu.memref_slice %arg10[%dma_wait3A_223, %dma_wait3A_224, %dma_wait3A_225] : memref<2x128x64xf32, #tpu.memory_space<vmem>> -> memref<1x128x64xf32, #tpu.memory_space<vmem>>
      %dma_wait3A_227 = tpu.memref_squeeze %dma_wait3A_226 : memref<1x128x64xf32, #tpu.memory_space<vmem>> -> memref<128x64xf32, #tpu.memory_space<vmem>>
      %dma_wait3A_228 = arith.constant 0 : i32
      %dma_wait3A_229 = tpu.memref_slice %arg8[%dma_wait3A_222, %dma_wait3A_228] : memref<2x128xi32, #tpu.memory_space<vmem>> -> memref<1x128xi32, #tpu.memory_space<vmem>>
      %dma_wait3A_230 = tpu.memref_squeeze %dma_wait3A_229 : memref<1x128xi32, #tpu.memory_space<vmem>> -> memref<128xi32, #tpu.memory_space<vmem>>
      %dma_wait3A_231 = arith.constant 0 : i32
      %dma_wait3A_232 = arith.constant 0 : i32
      %dma_wait3A_233 = tpu.memref_slice %arg2[%dma_wait3A_231, %dma_wait3A_232] : memref<10000x64xf32, #tpu.memory_space<hbm>> -> memref<10000x64xf32, #tpu.memory_space<hbm>>
      tpu.wait_indirect_dma semaphore(%arg12 : memref<!tpu.dma_semaphore, #tpu.memory_space<semaphore_mem>>) src(%dma_wait3A_233 : memref<10000x64xf32, #tpu.memory_space<hbm>>) dst(%dma_wait3A_227 : memref<128x64xf32, #tpu.memory_space<vmem>>)
      %dma_wait3A_234 = arith.constant 0 : i32
      %dma_wait3A_235 = arith.constant 0 : i32
      %dma_wait3A_236 = arith.constant 0 : i32
      %dma_wait3A_237 = arith.constant 0 : i32
      %dma_wait3A_238 = tpu.memref_slice %arg11[%dma_wait3A_235, %dma_wait3A_236, %dma_wait3A_237] : memref<2x128x64xf32, #tpu.memory_space<vmem>> -> memref<1x128x64xf32, #tpu.memory_space<vmem>>
      %dma_wait3A_239 = tpu.memref_squeeze %dma_wait3A_238 : memref<1x128x64xf32, #tpu.memory_space<vmem>> -> memref<128x64xf32, #tpu.memory_space<vmem>>
      %dma_wait3A_240 = arith.constant 0 : i32
      %dma_wait3A_241 = tpu.memref_slice %arg9[%dma_wait3A_234, %dma_wait3A_240] : memref<2x128xi32, #tpu.memory_space<vmem>> -> memref<1x128xi32, #tpu.memory_space<vmem>>
      %dma_wait3A_242 = tpu.memref_squeeze %dma_wait3A_241 : memref<1x128xi32, #tpu.memory_space<vmem>> -> memref<128xi32, #tpu.memory_space<vmem>>
      %dma_wait3A_243 = arith.constant 0 : i32
      %dma_wait3A_244 = arith.constant 0 : i32
      %dma_wait3A_245 = tpu.memref_slice %arg3[%dma_wait3A_243, %dma_wait3A_244] : memref<4096x64xf32, #tpu.memory_space<hbm>> -> memref<4096x64xf32, #tpu.memory_space<hbm>>
      tpu.wait_indirect_dma semaphore(%arg14 : memref<!tpu.dma_semaphore, #tpu.memory_space<semaphore_mem>>) src(%dma_wait3A_245 : memref<4096x64xf32, #tpu.memory_space<hbm>>) dst(%dma_wait3A_239 : memref<128x64xf32, #tpu.memory_space<vmem>>)
      %mul3A_246 = arith.constant 128 : i32
      %mul3A_247 = arith.muli %add3A_221, %mul3A_246 : i32
      %add3A_248 = arith.addi %mul3A_2, %mul3A_247 : i32
      %dma_start3A_249 = arith.constant 0 : i32
      %dma_start3A_250 = arith.constant 0 : i32
      %dma_start3A_251 = arith.constant 0 : i32
      %dma_start3A_252 = tpu.memref_slice %arg10[%dma_start3A_249, %dma_start3A_250, %dma_start3A_251] : memref<2x128x64xf32, #tpu.memory_space<vmem>> -> memref<1x128x64xf32, #tpu.memory_space<vmem>>
      %dma_start3A_253 = tpu.memref_squeeze %dma_start3A_252 : memref<1x128x64xf32, #tpu.memory_space<vmem>> -> memref<128x64xf32, #tpu.memory_space<vmem>>
      %dma_start3A_254 = arith.constant 0 : i32
      %dma_start3A_255 = tpu.memref_slice %arg6[%add3A_248, %dma_start3A_254] : memref<81920x64xf32, #tpu.memory_space<hbm>> -> memref<128x64xf32, #tpu.memory_space<hbm>>
      %dma_start3A_256 = arith.constant 0 : i32
      %dma_start3A_257 = tpu.memref_slice %arg6[%add3A_248, %dma_start3A_256] : memref<81920x64xf32, #tpu.memory_space<hbm>> -> memref<128x64xf32, #tpu.memory_space<hbm>>
      %dma_start3A_258 = arith.constant 0 : i32
      %dma_start3A_259 = arith.constant 0 : i32
      %dma_start3A_260 = tpu.memref_slice %arg10[%dma_start3A_249, %dma_start3A_258, %dma_start3A_259] : memref<2x128x64xf32, #tpu.memory_space<vmem>> -> memref<1x128x64xf32, #tpu.memory_space<vmem>>
      %dma_start3A_261 = tpu.memref_squeeze %dma_start3A_260 : memref<1x128x64xf32, #tpu.memory_space<vmem>> -> memref<128x64xf32, #tpu.memory_space<vmem>>
      tpu.enqueue_dma source(%dma_start3A_261 : memref<128x64xf32, #tpu.memory_space<vmem>>) target(%dma_start3A_257 : memref<128x64xf32, #tpu.memory_space<hbm>>) target_semaphore(%arg16 : memref<!tpu.dma_semaphore, #tpu.memory_space<semaphore_mem>>)
      %dma_start3A_262 = arith.constant 0 : i32
      %dma_start3A_263 = arith.constant 0 : i32
      %dma_start3A_264 = arith.constant 0 : i32
      %dma_start3A_265 = tpu.memref_slice %arg11[%dma_start3A_262, %dma_start3A_263, %dma_start3A_264] : memref<2x128x64xf32, #tpu.memory_space<vmem>> -> memref<1x128x64xf32, #tpu.memory_space<vmem>>
      %dma_start3A_266 = tpu.memref_squeeze %dma_start3A_265 : memref<1x128x64xf32, #tpu.memory_space<vmem>> -> memref<128x64xf32, #tpu.memory_space<vmem>>
      %dma_start3A_267 = arith.constant 0 : i32
      %dma_start3A_268 = tpu.memref_slice %arg7[%add3A_248, %dma_start3A_267] : memref<81920x64xf32, #tpu.memory_space<hbm>> -> memref<128x64xf32, #tpu.memory_space<hbm>>
      %dma_start3A_269 = arith.constant 0 : i32
      %dma_start3A_270 = tpu.memref_slice %arg7[%add3A_248, %dma_start3A_269] : memref<81920x64xf32, #tpu.memory_space<hbm>> -> memref<128x64xf32, #tpu.memory_space<hbm>>
      %dma_start3A_271 = arith.constant 0 : i32
      %dma_start3A_272 = arith.constant 0 : i32
      %dma_start3A_273 = tpu.memref_slice %arg11[%dma_start3A_262, %dma_start3A_271, %dma_start3A_272] : memref<2x128x64xf32, #tpu.memory_space<vmem>> -> memref<1x128x64xf32, #tpu.memory_space<vmem>>
      %dma_start3A_274 = tpu.memref_squeeze %dma_start3A_273 : memref<1x128x64xf32, #tpu.memory_space<vmem>> -> memref<128x64xf32, #tpu.memory_space<vmem>>
      tpu.enqueue_dma source(%dma_start3A_274 : memref<128x64xf32, #tpu.memory_space<vmem>>) target(%dma_start3A_270 : memref<128x64xf32, #tpu.memory_space<hbm>>) target_semaphore(%arg18 : memref<!tpu.dma_semaphore, #tpu.memory_space<semaphore_mem>>)
      %dma_wait3A_275 = arith.constant 0 : i32
      %dma_wait3A_276 = arith.constant 0 : i32
      %dma_wait3A_277 = arith.constant 0 : i32
      %dma_wait3A_278 = tpu.memref_slice %arg10[%dma_wait3A_275, %dma_wait3A_276, %dma_wait3A_277] : memref<2x128x64xf32, #tpu.memory_space<vmem>> -> memref<1x128x64xf32, #tpu.memory_space<vmem>>
      %dma_wait3A_279 = tpu.memref_squeeze %dma_wait3A_278 : memref<1x128x64xf32, #tpu.memory_space<vmem>> -> memref<128x64xf32, #tpu.memory_space<vmem>>
      %dma_wait3A_280 = arith.constant 0 : i32
      %dma_wait3A_281 = tpu.memref_slice %arg6[%mul3A_2, %dma_wait3A_280] : memref<81920x64xf32, #tpu.memory_space<hbm>> -> memref<128x64xf32, #tpu.memory_space<hbm>>
      %dma_wait3A_282 = arith.constant 0 : i32
      %dma_wait3A_283 = tpu.memref_slice %arg6[%mul3A_2, %dma_wait3A_282] : memref<81920x64xf32, #tpu.memory_space<hbm>> -> memref<128x64xf32, #tpu.memory_space<hbm>>
      %dma_wait3A_284 = arith.constant 0 : i32
      %dma_wait3A_285 = arith.constant 0 : i32
      %dma_wait3A_286 = tpu.memref_slice %arg10[%dma_wait3A_275, %dma_wait3A_284, %dma_wait3A_285] : memref<2x128x64xf32, #tpu.memory_space<vmem>> -> memref<1x128x64xf32, #tpu.memory_space<vmem>>
      %dma_wait3A_287 = tpu.memref_squeeze %dma_wait3A_286 : memref<1x128x64xf32, #tpu.memory_space<vmem>> -> memref<128x64xf32, #tpu.memory_space<vmem>>
      tpu.wait_dma2 semaphore(%arg16 : memref<!tpu.dma_semaphore, #tpu.memory_space<semaphore_mem>>) src(%dma_wait3A_287 : memref<128x64xf32, #tpu.memory_space<vmem>>) dst(%dma_wait3A_283 : memref<128x64xf32, #tpu.memory_space<hbm>>)
      %dma_wait3A_288 = arith.constant 0 : i32
      %dma_wait3A_289 = arith.constant 0 : i32
      %dma_wait3A_290 = arith.constant 0 : i32
      %dma_wait3A_291 = tpu.memref_slice %arg11[%dma_wait3A_288, %dma_wait3A_289, %dma_wait3A_290] : memref<2x128x64xf32, #tpu.memory_space<vmem>> -> memref<1x128x64xf32, #tpu.memory_space<vmem>>
      %dma_wait3A_292 = tpu.memref_squeeze %dma_wait3A_291 : memref<1x128x64xf32, #tpu.memory_space<vmem>> -> memref<128x64xf32, #tpu.memory_space<vmem>>
      %dma_wait3A_293 = arith.constant 0 : i32
      %dma_wait3A_294 = tpu.memref_slice %arg7[%mul3A_2, %dma_wait3A_293] : memref<81920x64xf32, #tpu.memory_space<hbm>> -> memref<128x64xf32, #tpu.memory_space<hbm>>
      %dma_wait3A_295 = arith.constant 0 : i32
      %dma_wait3A_296 = tpu.memref_slice %arg7[%mul3A_2, %dma_wait3A_295] : memref<81920x64xf32, #tpu.memory_space<hbm>> -> memref<128x64xf32, #tpu.memory_space<hbm>>
      %dma_wait3A_297 = arith.constant 0 : i32
      %dma_wait3A_298 = arith.constant 0 : i32
      %dma_wait3A_299 = tpu.memref_slice %arg11[%dma_wait3A_288, %dma_wait3A_297, %dma_wait3A_298] : memref<2x128x64xf32, #tpu.memory_space<vmem>> -> memref<1x128x64xf32, #tpu.memory_space<vmem>>
      %dma_wait3A_300 = tpu.memref_squeeze %dma_wait3A_299 : memref<1x128x64xf32, #tpu.memory_space<vmem>> -> memref<128x64xf32, #tpu.memory_space<vmem>>
      tpu.wait_dma2 semaphore(%arg18 : memref<!tpu.dma_semaphore, #tpu.memory_space<semaphore_mem>>) src(%dma_wait3A_300 : memref<128x64xf32, #tpu.memory_space<vmem>>) dst(%dma_wait3A_296 : memref<128x64xf32, #tpu.memory_space<hbm>>)
      %add3A_301 = arith.constant 2 : i32
      %add3A_302 = arith.addi %add3A_221, %add3A_301 : i32
      %mul3A_303 = arith.constant 128 : i32
      %mul3A_304 = arith.muli %add3A_302, %mul3A_303 : i32
      %add3A_305 = arith.addi %mul3A_2, %mul3A_304 : i32
      %run_scoped3A_306 = arith.constant 0 : i32
      "tpu.region"() ({
        %run_scoped3A_446 = tpu.sem_alloc : memref<!tpu.dma_semaphore, #tpu.memory_space<semaphore_mem>>
        %dma_start3A_447 = arith.constant 0 : i32
        %dma_start3A_448 = tpu.memref_slice %arg8[%run_scoped3A_306, %dma_start3A_447] : memref<2x128xi32, #tpu.memory_space<vmem>> -> memref<1x128xi32, #tpu.memory_space<vmem>>
        %dma_start3A_449 = tpu.memref_squeeze %dma_start3A_448 : memref<1x128xi32, #tpu.memory_space<vmem>> -> memref<128xi32, #tpu.memory_space<vmem>>
        %dma_start3A_450 = tpu.memref_slice %arg4[%add3A_305] : memref<81920xi32, #tpu.memory_space<hbm>> -> memref<128xi32, #tpu.memory_space<hbm>>
        %dma_start3A_451 = arith.constant 0 : i32
        %dma_start3A_452 = tpu.memref_slice %arg8[%run_scoped3A_306, %dma_start3A_451] : memref<2x128xi32, #tpu.memory_space<vmem>> -> memref<1x128xi32, #tpu.memory_space<vmem>>
        %dma_start3A_453 = tpu.memref_squeeze %dma_start3A_452 : memref<1x128xi32, #tpu.memory_space<vmem>> -> memref<128xi32, #tpu.memory_space<vmem>>
        %dma_start3A_454 = tpu.memref_slice %arg4[%add3A_305] : memref<81920xi32, #tpu.memory_space<hbm>> -> memref<128xi32, #tpu.memory_space<hbm>>
        tpu.enqueue_dma source(%dma_start3A_454 : memref<128xi32, #tpu.memory_space<hbm>>) target(%dma_start3A_453 : memref<128xi32, #tpu.memory_space<vmem>>) target_semaphore(%run_scoped3A_446 : memref<!tpu.dma_semaphore, #tpu.memory_space<semaphore_mem>>)
        %dma_wait3A_455 = arith.constant 0 : i32
        %dma_wait3A_456 = tpu.memref_slice %arg8[%run_scoped3A_306, %dma_wait3A_455] : memref<2x128xi32, #tpu.memory_space<vmem>> -> memref<1x128xi32, #tpu.memory_space<vmem>>
        %dma_wait3A_457 = tpu.memref_squeeze %dma_wait3A_456 : memref<1x128xi32, #tpu.memory_space<vmem>> -> memref<128xi32, #tpu.memory_space<vmem>>
        %dma_wait3A_458 = tpu.memref_slice %arg4[%add3A_305] : memref<81920xi32, #tpu.memory_space<hbm>> -> memref<128xi32, #tpu.memory_space<hbm>>
        %dma_wait3A_459 = arith.constant 0 : i32
        %dma_wait3A_460 = tpu.memref_slice %arg8[%run_scoped3A_306, %dma_wait3A_459] : memref<2x128xi32, #tpu.memory_space<vmem>> -> memref<1x128xi32, #tpu.memory_space<vmem>>
        %dma_wait3A_461 = tpu.memref_squeeze %dma_wait3A_460 : memref<1x128xi32, #tpu.memory_space<vmem>> -> memref<128xi32, #tpu.memory_space<vmem>>
        %dma_wait3A_462 = tpu.memref_slice %arg4[%add3A_305] : memref<81920xi32, #tpu.memory_space<hbm>> -> memref<128xi32, #tpu.memory_space<hbm>>
        tpu.wait_dma2 semaphore(%run_scoped3A_446 : memref<!tpu.dma_semaphore, #tpu.memory_space<semaphore_mem>>) src(%dma_wait3A_462 : memref<128xi32, #tpu.memory_space<hbm>>) dst(%dma_wait3A_461 : memref<128xi32, #tpu.memory_space<vmem>>)
        tpu.yield
      }) : () -> ()
      %run_scoped3A_307 = arith.constant 0 : i32
      "tpu.region"() ({
        %run_scoped3A_446 = tpu.sem_alloc : memref<!tpu.dma_semaphore, #tpu.memory_space<semaphore_mem>>
        %dma_start3A_447 = arith.constant 0 : i32
        %dma_start3A_448 = tpu.memref_slice %arg9[%run_scoped3A_307, %dma_start3A_447] : memref<2x128xi32, #tpu.memory_space<vmem>> -> memref<1x128xi32, #tpu.memory_space<vmem>>
        %dma_start3A_449 = tpu.memref_squeeze %dma_start3A_448 : memref<1x128xi32, #tpu.memory_space<vmem>> -> memref<128xi32, #tpu.memory_space<vmem>>
        %dma_start3A_450 = tpu.memref_slice %arg5[%add3A_305] : memref<81920xi32, #tpu.memory_space<hbm>> -> memref<128xi32, #tpu.memory_space<hbm>>
        %dma_start3A_451 = arith.constant 0 : i32
        %dma_start3A_452 = tpu.memref_slice %arg9[%run_scoped3A_307, %dma_start3A_451] : memref<2x128xi32, #tpu.memory_space<vmem>> -> memref<1x128xi32, #tpu.memory_space<vmem>>
        %dma_start3A_453 = tpu.memref_squeeze %dma_start3A_452 : memref<1x128xi32, #tpu.memory_space<vmem>> -> memref<128xi32, #tpu.memory_space<vmem>>
        %dma_start3A_454 = tpu.memref_slice %arg5[%add3A_305] : memref<81920xi32, #tpu.memory_space<hbm>> -> memref<128xi32, #tpu.memory_space<hbm>>
        tpu.enqueue_dma source(%dma_start3A_454 : memref<128xi32, #tpu.memory_space<hbm>>) target(%dma_start3A_453 : memref<128xi32, #tpu.memory_space<vmem>>) target_semaphore(%run_scoped3A_446 : memref<!tpu.dma_semaphore, #tpu.memory_space<semaphore_mem>>)
        %dma_wait3A_455 = arith.constant 0 : i32
        %dma_wait3A_456 = tpu.memref_slice %arg9[%run_scoped3A_307, %dma_wait3A_455] : memref<2x128xi32, #tpu.memory_space<vmem>> -> memref<1x128xi32, #tpu.memory_space<vmem>>
        %dma_wait3A_457 = tpu.memref_squeeze %dma_wait3A_456 : memref<1x128xi32, #tpu.memory_space<vmem>> -> memref<128xi32, #tpu.memory_space<vmem>>
        %dma_wait3A_458 = tpu.memref_slice %arg5[%add3A_305] : memref<81920xi32, #tpu.memory_space<hbm>> -> memref<128xi32, #tpu.memory_space<hbm>>
        %dma_wait3A_459 = arith.constant 0 : i32
        %dma_wait3A_460 = tpu.memref_slice %arg9[%run_scoped3A_307, %dma_wait3A_459] : memref<2x128xi32, #tpu.memory_space<vmem>> -> memref<1x128xi32, #tpu.memory_space<vmem>>
        %dma_wait3A_461 = tpu.memref_squeeze %dma_wait3A_460 : memref<1x128xi32, #tpu.memory_space<vmem>> -> memref<128xi32, #tpu.memory_space<vmem>>
        %dma_wait3A_462 = tpu.memref_slice %arg5[%add3A_305] : memref<81920xi32, #tpu.memory_space<hbm>> -> memref<128xi32, #tpu.memory_space<hbm>>
        tpu.wait_dma2 semaphore(%run_scoped3A_446 : memref<!tpu.dma_semaphore, #tpu.memory_space<semaphore_mem>>) src(%dma_wait3A_462 : memref<128xi32, #tpu.memory_space<hbm>>) dst(%dma_wait3A_461 : memref<128xi32, #tpu.memory_space<vmem>>)
        tpu.yield
      }) : () -> ()
      %dma_start3A_308 = arith.constant 0 : i32
      %dma_start3A_309 = arith.constant 0 : i32
      %dma_start3A_310 = arith.constant 0 : i32
      %dma_start3A_311 = arith.constant 0 : i32
      %dma_start3A_312 = tpu.memref_slice %arg10[%dma_start3A_309, %dma_start3A_310, %dma_start3A_311] : memref<2x128x64xf32, #tpu.memory_space<vmem>> -> memref<1x128x64xf32, #tpu.memory_space<vmem>>
      %dma_start3A_313 = tpu.memref_squeeze %dma_start3A_312 : memref<1x128x64xf32, #tpu.memory_space<vmem>> -> memref<128x64xf32, #tpu.memory_space<vmem>>
      %dma_start3A_314 = arith.constant 0 : i32
      %dma_start3A_315 = tpu.memref_slice %arg8[%dma_start3A_308, %dma_start3A_314] : memref<2x128xi32, #tpu.memory_space<vmem>> -> memref<1x128xi32, #tpu.memory_space<vmem>>
      %dma_start3A_316 = tpu.memref_squeeze %dma_start3A_315 : memref<1x128xi32, #tpu.memory_space<vmem>> -> memref<128xi32, #tpu.memory_space<vmem>>
      %dma_start3A_317 = arith.constant 0 : i32
      %dma_start3A_318 = arith.constant 0 : i32
      %dma_start3A_319 = tpu.memref_slice %arg2[%dma_start3A_317, %dma_start3A_318] : memref<10000x64xf32, #tpu.memory_space<hbm>> -> memref<10000x64xf32, #tpu.memory_space<hbm>>
      tpu.enqueue_indirect_dma source(%dma_start3A_319 : memref<10000x64xf32, #tpu.memory_space<hbm>>) target(%dma_start3A_313 : memref<128x64xf32, #tpu.memory_space<vmem>>) offsets(%dma_start3A_316 : memref<128xi32, #tpu.memory_space<vmem>>) semaphore(%arg12 : memref<!tpu.dma_semaphore, #tpu.memory_space<semaphore_mem>>)
      %dma_start3A_320 = arith.constant 0 : i32
      %dma_start3A_321 = arith.constant 0 : i32
      %dma_start3A_322 = arith.constant 0 : i32
      %dma_start3A_323 = arith.constant 0 : i32
      %dma_start3A_324 = tpu.memref_slice %arg11[%dma_start3A_321, %dma_start3A_322, %dma_start3A_323] : memref<2x128x64xf32, #tpu.memory_space<vmem>> -> memref<1x128x64xf32, #tpu.memory_space<vmem>>
      %dma_start3A_325 = tpu.memref_squeeze %dma_start3A_324 : memref<1x128x64xf32, #tpu.memory_space<vmem>> -> memref<128x64xf32, #tpu.memory_space<vmem>>
      %dma_start3A_326 = arith.constant 0 : i32
      %dma_start3A_327 = tpu.memref_slice %arg9[%dma_start3A_320, %dma_start3A_326] : memref<2x128xi32, #tpu.memory_space<vmem>> -> memref<1x128xi32, #tpu.memory_space<vmem>>
      %dma_start3A_328 = tpu.memref_squeeze %dma_start3A_327 : memref<1x128xi32, #tpu.memory_space<vmem>> -> memref<128xi32, #tpu.memory_space<vmem>>
      %dma_start3A_329 = arith.constant 0 : i32
      %dma_start3A_330 = arith.constant 0 : i32
      %dma_start3A_331 = tpu.memref_slice %arg3[%dma_start3A_329, %dma_start3A_330] : memref<4096x64xf32, #tpu.memory_space<hbm>> -> memref<4096x64xf32, #tpu.memory_space<hbm>>
      tpu.enqueue_indirect_dma source(%dma_start3A_331 : memref<4096x64xf32, #tpu.memory_space<hbm>>) target(%dma_start3A_325 : memref<128x64xf32, #tpu.memory_space<vmem>>) offsets(%dma_start3A_328 : memref<128xi32, #tpu.memory_space<vmem>>) semaphore(%arg14 : memref<!tpu.dma_semaphore, #tpu.memory_space<semaphore_mem>>)
      %mul3A_332 = arith.constant 2 : i32
      %mul3A_333 = arith.muli %mul3A_332, %scan3A_217 : i32
      %add3A_334 = arith.constant 1 : i32
      %add3A_335 = arith.addi %mul3A_333, %add3A_334 : i32
      %dma_wait3A_336 = arith.constant 1 : i32
      %dma_wait3A_337 = arith.constant 1 : i32
      %dma_wait3A_338 = arith.constant 0 : i32
      %dma_wait3A_339 = arith.constant 0 : i32
      %dma_wait3A_340 = tpu.memref_slice %arg10[%dma_wait3A_337, %dma_wait3A_338, %dma_wait3A_339] : memref<2x128x64xf32, #tpu.memory_space<vmem>> -> memref<1x128x64xf32, #tpu.memory_space<vmem>>
      %dma_wait3A_341 = tpu.memref_squeeze %dma_wait3A_340 : memref<1x128x64xf32, #tpu.memory_space<vmem>> -> memref<128x64xf32, #tpu.memory_space<vmem>>
      %dma_wait3A_342 = arith.constant 0 : i32
      %dma_wait3A_343 = tpu.memref_slice %arg8[%dma_wait3A_336, %dma_wait3A_342] : memref<2x128xi32, #tpu.memory_space<vmem>> -> memref<1x128xi32, #tpu.memory_space<vmem>>
      %dma_wait3A_344 = tpu.memref_squeeze %dma_wait3A_343 : memref<1x128xi32, #tpu.memory_space<vmem>> -> memref<128xi32, #tpu.memory_space<vmem>>
      %dma_wait3A_345 = arith.constant 0 : i32
      %dma_wait3A_346 = arith.constant 0 : i32
      %dma_wait3A_347 = tpu.memref_slice %arg2[%dma_wait3A_345, %dma_wait3A_346] : memref<10000x64xf32, #tpu.memory_space<hbm>> -> memref<10000x64xf32, #tpu.memory_space<hbm>>
      tpu.wait_indirect_dma semaphore(%arg13 : memref<!tpu.dma_semaphore, #tpu.memory_space<semaphore_mem>>) src(%dma_wait3A_347 : memref<10000x64xf32, #tpu.memory_space<hbm>>) dst(%dma_wait3A_341 : memref<128x64xf32, #tpu.memory_space<vmem>>)
      %dma_wait3A_348 = arith.constant 1 : i32
      %dma_wait3A_349 = arith.constant 1 : i32
      %dma_wait3A_350 = arith.constant 0 : i32
      %dma_wait3A_351 = arith.constant 0 : i32
      %dma_wait3A_352 = tpu.memref_slice %arg11[%dma_wait3A_349, %dma_wait3A_350, %dma_wait3A_351] : memref<2x128x64xf32, #tpu.memory_space<vmem>> -> memref<1x128x64xf32, #tpu.memory_space<vmem>>
      %dma_wait3A_353 = tpu.memref_squeeze %dma_wait3A_352 : memref<1x128x64xf32, #tpu.memory_space<vmem>> -> memref<128x64xf32, #tpu.memory_space<vmem>>
      %dma_wait3A_354 = arith.constant 0 : i32
      %dma_wait3A_355 = tpu.memref_slice %arg9[%dma_wait3A_348, %dma_wait3A_354] : memref<2x128xi32, #tpu.memory_space<vmem>> -> memref<1x128xi32, #tpu.memory_space<vmem>>
      %dma_wait3A_356 = tpu.memref_squeeze %dma_wait3A_355 : memref<1x128xi32, #tpu.memory_space<vmem>> -> memref<128xi32, #tpu.memory_space<vmem>>
      %dma_wait3A_357 = arith.constant 0 : i32
      %dma_wait3A_358 = arith.constant 0 : i32
      %dma_wait3A_359 = tpu.memref_slice %arg3[%dma_wait3A_357, %dma_wait3A_358] : memref<4096x64xf32, #tpu.memory_space<hbm>> -> memref<4096x64xf32, #tpu.memory_space<hbm>>
      tpu.wait_indirect_dma semaphore(%arg15 : memref<!tpu.dma_semaphore, #tpu.memory_space<semaphore_mem>>) src(%dma_wait3A_359 : memref<4096x64xf32, #tpu.memory_space<hbm>>) dst(%dma_wait3A_353 : memref<128x64xf32, #tpu.memory_space<vmem>>)
      %mul3A_360 = arith.constant 128 : i32
      %mul3A_361 = arith.muli %add3A_335, %mul3A_360 : i32
      %add3A_362 = arith.addi %mul3A_2, %mul3A_361 : i32
      %dma_start3A_363 = arith.constant 1 : i32
      %dma_start3A_364 = arith.constant 0 : i32
      %dma_start3A_365 = arith.constant 0 : i32
      %dma_start3A_366 = tpu.memref_slice %arg10[%dma_start3A_363, %dma_start3A_364, %dma_start3A_365] : memref<2x128x64xf32, #tpu.memory_space<vmem>> -> memref<1x128x64xf32, #tpu.memory_space<vmem>>
      %dma_start3A_367 = tpu.memref_squeeze %dma_start3A_366 : memref<1x128x64xf32, #tpu.memory_space<vmem>> -> memref<128x64xf32, #tpu.memory_space<vmem>>
      %dma_start3A_368 = arith.constant 0 : i32
      %dma_start3A_369 = tpu.memref_slice %arg6[%add3A_362, %dma_start3A_368] : memref<81920x64xf32, #tpu.memory_space<hbm>> -> memref<128x64xf32, #tpu.memory_space<hbm>>
      %dma_start3A_370 = arith.constant 0 : i32
      %dma_start3A_371 = tpu.memref_slice %arg6[%add3A_362, %dma_start3A_370] : memref<81920x64xf32, #tpu.memory_space<hbm>> -> memref<128x64xf32, #tpu.memory_space<hbm>>
      %dma_start3A_372 = arith.constant 0 : i32
      %dma_start3A_373 = arith.constant 0 : i32
      %dma_start3A_374 = tpu.memref_slice %arg10[%dma_start3A_363, %dma_start3A_372, %dma_start3A_373] : memref<2x128x64xf32, #tpu.memory_space<vmem>> -> memref<1x128x64xf32, #tpu.memory_space<vmem>>
      %dma_start3A_375 = tpu.memref_squeeze %dma_start3A_374 : memref<1x128x64xf32, #tpu.memory_space<vmem>> -> memref<128x64xf32, #tpu.memory_space<vmem>>
      tpu.enqueue_dma source(%dma_start3A_375 : memref<128x64xf32, #tpu.memory_space<vmem>>) target(%dma_start3A_371 : memref<128x64xf32, #tpu.memory_space<hbm>>) target_semaphore(%arg17 : memref<!tpu.dma_semaphore, #tpu.memory_space<semaphore_mem>>)
      %dma_start3A_376 = arith.constant 1 : i32
      %dma_start3A_377 = arith.constant 0 : i32
      %dma_start3A_378 = arith.constant 0 : i32
      %dma_start3A_379 = tpu.memref_slice %arg11[%dma_start3A_376, %dma_start3A_377, %dma_start3A_378] : memref<2x128x64xf32, #tpu.memory_space<vmem>> -> memref<1x128x64xf32, #tpu.memory_space<vmem>>
      %dma_start3A_380 = tpu.memref_squeeze %dma_start3A_379 : memref<1x128x64xf32, #tpu.memory_space<vmem>> -> memref<128x64xf32, #tpu.memory_space<vmem>>
      %dma_start3A_381 = arith.constant 0 : i32
      %dma_start3A_382 = tpu.memref_slice %arg7[%add3A_362, %dma_start3A_381] : memref<81920x64xf32, #tpu.memory_space<hbm>> -> memref<128x64xf32, #tpu.memory_space<hbm>>
      %dma_start3A_383 = arith.constant 0 : i32
      %dma_start3A_384 = tpu.memref_slice %arg7[%add3A_362, %dma_start3A_383] : memref<81920x64xf32, #tpu.memory_space<hbm>> -> memref<128x64xf32, #tpu.memory_space<hbm>>
      %dma_start3A_385 = arith.constant 0 : i32
      %dma_start3A_386 = arith.constant 0 : i32
      %dma_start3A_387 = tpu.memref_slice %arg11[%dma_start3A_376, %dma_start3A_385, %dma_start3A_386] : memref<2x128x64xf32, #tpu.memory_space<vmem>> -> memref<1x128x64xf32, #tpu.memory_space<vmem>>
      %dma_start3A_388 = tpu.memref_squeeze %dma_start3A_387 : memref<1x128x64xf32, #tpu.memory_space<vmem>> -> memref<128x64xf32, #tpu.memory_space<vmem>>
      tpu.enqueue_dma source(%dma_start3A_388 : memref<128x64xf32, #tpu.memory_space<vmem>>) target(%dma_start3A_384 : memref<128x64xf32, #tpu.memory_space<hbm>>) target_semaphore(%arg19 : memref<!tpu.dma_semaphore, #tpu.memory_space<semaphore_mem>>)
      %dma_wait3A_389 = arith.constant 1 : i32
      %dma_wait3A_390 = arith.constant 0 : i32
      %dma_wait3A_391 = arith.constant 0 : i32
      %dma_wait3A_392 = tpu.memref_slice %arg10[%dma_wait3A_389, %dma_wait3A_390, %dma_wait3A_391] : memref<2x128x64xf32, #tpu.memory_space<vmem>> -> memref<1x128x64xf32, #tpu.memory_space<vmem>>
      %dma_wait3A_393 = tpu.memref_squeeze %dma_wait3A_392 : memref<1x128x64xf32, #tpu.memory_space<vmem>> -> memref<128x64xf32, #tpu.memory_space<vmem>>
      %dma_wait3A_394 = arith.constant 0 : i32
      %dma_wait3A_395 = tpu.memref_slice %arg6[%mul3A_2, %dma_wait3A_394] : memref<81920x64xf32, #tpu.memory_space<hbm>> -> memref<128x64xf32, #tpu.memory_space<hbm>>
      %dma_wait3A_396 = arith.constant 0 : i32
      %dma_wait3A_397 = tpu.memref_slice %arg6[%mul3A_2, %dma_wait3A_396] : memref<81920x64xf32, #tpu.memory_space<hbm>> -> memref<128x64xf32, #tpu.memory_space<hbm>>
      %dma_wait3A_398 = arith.constant 0 : i32
      %dma_wait3A_399 = arith.constant 0 : i32
      %dma_wait3A_400 = tpu.memref_slice %arg10[%dma_wait3A_389, %dma_wait3A_398, %dma_wait3A_399] : memref<2x128x64xf32, #tpu.memory_space<vmem>> -> memref<1x128x64xf32, #tpu.memory_space<vmem>>
      %dma_wait3A_401 = tpu.memref_squeeze %dma_wait3A_400 : memref<1x128x64xf32, #tpu.memory_space<vmem>> -> memref<128x64xf32, #tpu.memory_space<vmem>>
      tpu.wait_dma2 semaphore(%arg17 : memref<!tpu.dma_semaphore, #tpu.memory_space<semaphore_mem>>) src(%dma_wait3A_401 : memref<128x64xf32, #tpu.memory_space<vmem>>) dst(%dma_wait3A_397 : memref<128x64xf32, #tpu.memory_space<hbm>>)
      %dma_wait3A_402 = arith.constant 1 : i32
      %dma_wait3A_403 = arith.constant 0 : i32
      %dma_wait3A_404 = arith.constant 0 : i32
      %dma_wait3A_405 = tpu.memref_slice %arg11[%dma_wait3A_402, %dma_wait3A_403, %dma_wait3A_404] : memref<2x128x64xf32, #tpu.memory_space<vmem>> -> memref<1x128x64xf32, #tpu.memory_space<vmem>>
      %dma_wait3A_406 = tpu.memref_squeeze %dma_wait3A_405 : memref<1x128x64xf32, #tpu.memory_space<vmem>> -> memref<128x64xf32, #tpu.memory_space<vmem>>
      %dma_wait3A_407 = arith.constant 0 : i32
      %dma_wait3A_408 = tpu.memref_slice %arg7[%mul3A_2, %dma_wait3A_407] : memref<81920x64xf32, #tpu.memory_space<hbm>> -> memref<128x64xf32, #tpu.memory_space<hbm>>
      %dma_wait3A_409 = arith.constant 0 : i32
      %dma_wait3A_410 = tpu.memref_slice %arg7[%mul3A_2, %dma_wait3A_409] : memref<81920x64xf32, #tpu.memory_space<hbm>> -> memref<128x64xf32, #tpu.memory_space<hbm>>
      %dma_wait3A_411 = arith.constant 0 : i32
      %dma_wait3A_412 = arith.constant 0 : i32
      %dma_wait3A_413 = tpu.memref_slice %arg11[%dma_wait3A_402, %dma_wait3A_411, %dma_wait3A_412] : memref<2x128x64xf32, #tpu.memory_space<vmem>> -> memref<1x128x64xf32, #tpu.memory_space<vmem>>
      %dma_wait3A_414 = tpu.memref_squeeze %dma_wait3A_413 : memref<1x128x64xf32, #tpu.memory_space<vmem>> -> memref<128x64xf32, #tpu.memory_space<vmem>>
      tpu.wait_dma2 semaphore(%arg19 : memref<!tpu.dma_semaphore, #tpu.memory_space<semaphore_mem>>) src(%dma_wait3A_414 : memref<128x64xf32, #tpu.memory_space<vmem>>) dst(%dma_wait3A_410 : memref<128x64xf32, #tpu.memory_space<hbm>>)
      %add3A_415 = arith.constant 2 : i32
      %add3A_416 = arith.addi %add3A_335, %add3A_415 : i32
      %mul3A_417 = arith.constant 128 : i32
      %mul3A_418 = arith.muli %add3A_416, %mul3A_417 : i32
      %add3A_419 = arith.addi %mul3A_2, %mul3A_418 : i32
      %run_scoped3A_420 = arith.constant 1 : i32
      "tpu.region"() ({
        %run_scoped3A_446 = tpu.sem_alloc : memref<!tpu.dma_semaphore, #tpu.memory_space<semaphore_mem>>
        %dma_start3A_447 = arith.constant 0 : i32
        %dma_start3A_448 = tpu.memref_slice %arg8[%run_scoped3A_420, %dma_start3A_447] : memref<2x128xi32, #tpu.memory_space<vmem>> -> memref<1x128xi32, #tpu.memory_space<vmem>>
        %dma_start3A_449 = tpu.memref_squeeze %dma_start3A_448 : memref<1x128xi32, #tpu.memory_space<vmem>> -> memref<128xi32, #tpu.memory_space<vmem>>
        %dma_start3A_450 = tpu.memref_slice %arg4[%add3A_419] : memref<81920xi32, #tpu.memory_space<hbm>> -> memref<128xi32, #tpu.memory_space<hbm>>
        %dma_start3A_451 = arith.constant 0 : i32
        %dma_start3A_452 = tpu.memref_slice %arg8[%run_scoped3A_420, %dma_start3A_451] : memref<2x128xi32, #tpu.memory_space<vmem>> -> memref<1x128xi32, #tpu.memory_space<vmem>>
        %dma_start3A_453 = tpu.memref_squeeze %dma_start3A_452 : memref<1x128xi32, #tpu.memory_space<vmem>> -> memref<128xi32, #tpu.memory_space<vmem>>
        %dma_start3A_454 = tpu.memref_slice %arg4[%add3A_419] : memref<81920xi32, #tpu.memory_space<hbm>> -> memref<128xi32, #tpu.memory_space<hbm>>
        tpu.enqueue_dma source(%dma_start3A_454 : memref<128xi32, #tpu.memory_space<hbm>>) target(%dma_start3A_453 : memref<128xi32, #tpu.memory_space<vmem>>) target_semaphore(%run_scoped3A_446 : memref<!tpu.dma_semaphore, #tpu.memory_space<semaphore_mem>>)
        %dma_wait3A_455 = arith.constant 0 : i32
        %dma_wait3A_456 = tpu.memref_slice %arg8[%run_scoped3A_420, %dma_wait3A_455] : memref<2x128xi32, #tpu.memory_space<vmem>> -> memref<1x128xi32, #tpu.memory_space<vmem>>
        %dma_wait3A_457 = tpu.memref_squeeze %dma_wait3A_456 : memref<1x128xi32, #tpu.memory_space<vmem>> -> memref<128xi32, #tpu.memory_space<vmem>>
        %dma_wait3A_458 = tpu.memref_slice %arg4[%add3A_419] : memref<81920xi32, #tpu.memory_space<hbm>> -> memref<128xi32, #tpu.memory_space<hbm>>
        %dma_wait3A_459 = arith.constant 0 : i32
        %dma_wait3A_460 = tpu.memref_slice %arg8[%run_scoped3A_420, %dma_wait3A_459] : memref<2x128xi32, #tpu.memory_space<vmem>> -> memref<1x128xi32, #tpu.memory_space<vmem>>
        %dma_wait3A_461 = tpu.memref_squeeze %dma_wait3A_460 : memref<1x128xi32, #tpu.memory_space<vmem>> -> memref<128xi32, #tpu.memory_space<vmem>>
        %dma_wait3A_462 = tpu.memref_slice %arg4[%add3A_419] : memref<81920xi32, #tpu.memory_space<hbm>> -> memref<128xi32, #tpu.memory_space<hbm>>
        tpu.wait_dma2 semaphore(%run_scoped3A_446 : memref<!tpu.dma_semaphore, #tpu.memory_space<semaphore_mem>>) src(%dma_wait3A_462 : memref<128xi32, #tpu.memory_space<hbm>>) dst(%dma_wait3A_461 : memref<128xi32, #tpu.memory_space<vmem>>)
        tpu.yield
      }) : () -> ()
      %run_scoped3A_421 = arith.constant 1 : i32
      "tpu.region"() ({
        %run_scoped3A_446 = tpu.sem_alloc : memref<!tpu.dma_semaphore, #tpu.memory_space<semaphore_mem>>
        %dma_start3A_447 = arith.constant 0 : i32
        %dma_start3A_448 = tpu.memref_slice %arg9[%run_scoped3A_421, %dma_start3A_447] : memref<2x128xi32, #tpu.memory_space<vmem>> -> memref<1x128xi32, #tpu.memory_space<vmem>>
        %dma_start3A_449 = tpu.memref_squeeze %dma_start3A_448 : memref<1x128xi32, #tpu.memory_space<vmem>> -> memref<128xi32, #tpu.memory_space<vmem>>
        %dma_start3A_450 = tpu.memref_slice %arg5[%add3A_419] : memref<81920xi32, #tpu.memory_space<hbm>> -> memref<128xi32, #tpu.memory_space<hbm>>
        %dma_start3A_451 = arith.constant 0 : i32
        %dma_start3A_452 = tpu.memref_slice %arg9[%run_scoped3A_421, %dma_start3A_451] : memref<2x128xi32, #tpu.memory_space<vmem>> -> memref<1x128xi32, #tpu.memory_space<vmem>>
        %dma_start3A_453 = tpu.memref_squeeze %dma_start3A_452 : memref<1x128xi32, #tpu.memory_space<vmem>> -> memref<128xi32, #tpu.memory_space<vmem>>
        %dma_start3A_454 = tpu.memref_slice %arg5[%add3A_419] : memref<81920xi32, #tpu.memory_space<hbm>> -> memref<128xi32, #tpu.memory_space<hbm>>
        tpu.enqueue_dma source(%dma_start3A_454 : memref<128xi32, #tpu.memory_space<hbm>>) target(%dma_start3A_453 : memref<128xi32, #tpu.memory_space<vmem>>) target_semaphore(%run_scoped3A_446 : memref<!tpu.dma_semaphore, #tpu.memory_space<semaphore_mem>>)
        %dma_wait3A_455 = arith.constant 0 : i32
        %dma_wait3A_456 = tpu.memref_slice %arg9[%run_scoped3A_421, %dma_wait3A_455] : memref<2x128xi32, #tpu.memory_space<vmem>> -> memref<1x128xi32, #tpu.memory_space<vmem>>
        %dma_wait3A_457 = tpu.memref_squeeze %dma_wait3A_456 : memref<1x128xi32, #tpu.memory_space<vmem>> -> memref<128xi32, #tpu.memory_space<vmem>>
        %dma_wait3A_458 = tpu.memref_slice %arg5[%add3A_419] : memref<81920xi32, #tpu.memory_space<hbm>> -> memref<128xi32, #tpu.memory_space<hbm>>
        %dma_wait3A_459 = arith.constant 0 : i32
        %dma_wait3A_460 = tpu.memref_slice %arg9[%run_scoped3A_421, %dma_wait3A_459] : memref<2x128xi32, #tpu.memory_space<vmem>> -> memref<1x128xi32, #tpu.memory_space<vmem>>
        %dma_wait3A_461 = tpu.memref_squeeze %dma_wait3A_460 : memref<1x128xi32, #tpu.memory_space<vmem>> -> memref<128xi32, #tpu.memory_space<vmem>>
        %dma_wait3A_462 = tpu.memref_slice %arg5[%add3A_419] : memref<81920xi32, #tpu.memory_space<hbm>> -> memref<128xi32, #tpu.memory_space<hbm>>
        tpu.wait_dma2 semaphore(%run_scoped3A_446 : memref<!tpu.dma_semaphore, #tpu.memory_space<semaphore_mem>>) src(%dma_wait3A_462 : memref<128xi32, #tpu.memory_space<hbm>>) dst(%dma_wait3A_461 : memref<128xi32, #tpu.memory_space<vmem>>)
        tpu.yield
      }) : () -> ()
      %dma_start3A_422 = arith.constant 1 : i32
      %dma_start3A_423 = arith.constant 1 : i32
      %dma_start3A_424 = arith.constant 0 : i32
      %dma_start3A_425 = arith.constant 0 : i32
      %dma_start3A_426 = tpu.memref_slice %arg10[%dma_start3A_423, %dma_start3A_424, %dma_start3A_425] : memref<2x128x64xf32, #tpu.memory_space<vmem>> -> memref<1x128x64xf32, #tpu.memory_space<vmem>>
      %dma_start3A_427 = tpu.memref_squeeze %dma_start3A_426 : memref<1x128x64xf32, #tpu.memory_space<vmem>> -> memref<128x64xf32, #tpu.memory_space<vmem>>
      %dma_start3A_428 = arith.constant 0 : i32
      %dma_start3A_429 = tpu.memref_slice %arg8[%dma_start3A_422, %dma_start3A_428] : memref<2x128xi32, #tpu.memory_space<vmem>> -> memref<1x128xi32, #tpu.memory_space<vmem>>
      %dma_start3A_430 = tpu.memref_squeeze %dma_start3A_429 : memref<1x128xi32, #tpu.memory_space<vmem>> -> memref<128xi32, #tpu.memory_space<vmem>>
      %dma_start3A_431 = arith.constant 0 : i32
      %dma_start3A_432 = arith.constant 0 : i32
      %dma_start3A_433 = tpu.memref_slice %arg2[%dma_start3A_431, %dma_start3A_432] : memref<10000x64xf32, #tpu.memory_space<hbm>> -> memref<10000x64xf32, #tpu.memory_space<hbm>>
      tpu.enqueue_indirect_dma source(%dma_start3A_433 : memref<10000x64xf32, #tpu.memory_space<hbm>>) target(%dma_start3A_427 : memref<128x64xf32, #tpu.memory_space<vmem>>) offsets(%dma_start3A_430 : memref<128xi32, #tpu.memory_space<vmem>>) semaphore(%arg13 : memref<!tpu.dma_semaphore, #tpu.memory_space<semaphore_mem>>)
      %dma_start3A_434 = arith.constant 1 : i32
      %dma_start3A_435 = arith.constant 1 : i32
      %dma_start3A_436 = arith.constant 0 : i32
      %dma_start3A_437 = arith.constant 0 : i32
      %dma_start3A_438 = tpu.memref_slice %arg11[%dma_start3A_435, %dma_start3A_436, %dma_start3A_437] : memref<2x128x64xf32, #tpu.memory_space<vmem>> -> memref<1x128x64xf32, #tpu.memory_space<vmem>>
      %dma_start3A_439 = tpu.memref_squeeze %dma_start3A_438 : memref<1x128x64xf32, #tpu.memory_space<vmem>> -> memref<128x64xf32, #tpu.memory_space<vmem>>
      %dma_start3A_440 = arith.constant 0 : i32
      %dma_start3A_441 = tpu.memref_slice %arg9[%dma_start3A_434, %dma_start3A_440] : memref<2x128xi32, #tpu.memory_space<vmem>> -> memref<1x128xi32, #tpu.memory_space<vmem>>
      %dma_start3A_442 = tpu.memref_squeeze %dma_start3A_441 : memref<1x128xi32, #tpu.memory_space<vmem>> -> memref<128xi32, #tpu.memory_space<vmem>>
      %dma_start3A_443 = arith.constant 0 : i32
      %dma_start3A_444 = arith.constant 0 : i32
      %dma_start3A_445 = tpu.memref_slice %arg3[%dma_start3A_443, %dma_start3A_444] : memref<4096x64xf32, #tpu.memory_space<hbm>> -> memref<4096x64xf32, #tpu.memory_space<hbm>>
      tpu.enqueue_indirect_dma source(%dma_start3A_445 : memref<4096x64xf32, #tpu.memory_space<hbm>>) target(%dma_start3A_439 : memref<128x64xf32, #tpu.memory_space<vmem>>) offsets(%dma_start3A_442 : memref<128xi32, #tpu.memory_space<vmem>>) semaphore(%arg15 : memref<!tpu.dma_semaphore, #tpu.memory_space<semaphore_mem>>)
    }
    %scan3A_61 = arith.constant 9 : i32
    %dma_wait3A = arith.constant 0 : i32
    %dma_wait3A_62 = arith.constant 0 : i32
    %dma_wait3A_63 = arith.constant 0 : i32
    %dma_wait3A_64 = arith.constant 0 : i32
    %dma_wait3A_65 = tpu.memref_slice %arg10[%dma_wait3A_62, %dma_wait3A_63, %dma_wait3A_64] : memref<2x128x64xf32, #tpu.memory_space<vmem>> -> memref<1x128x64xf32, #tpu.memory_space<vmem>>
    %dma_wait3A_66 = tpu.memref_squeeze %dma_wait3A_65 : memref<1x128x64xf32, #tpu.memory_space<vmem>> -> memref<128x64xf32, #tpu.memory_space<vmem>>
    %dma_wait3A_67 = arith.constant 0 : i32
    %dma_wait3A_68 = tpu.memref_slice %arg8[%dma_wait3A, %dma_wait3A_67] : memref<2x128xi32, #tpu.memory_space<vmem>> -> memref<1x128xi32, #tpu.memory_space<vmem>>
    %dma_wait3A_69 = tpu.memref_squeeze %dma_wait3A_68 : memref<1x128xi32, #tpu.memory_space<vmem>> -> memref<128xi32, #tpu.memory_space<vmem>>
    %dma_wait3A_70 = arith.constant 0 : i32
    %dma_wait3A_71 = arith.constant 0 : i32
    %dma_wait3A_72 = tpu.memref_slice %arg2[%dma_wait3A_70, %dma_wait3A_71] : memref<10000x64xf32, #tpu.memory_space<hbm>> -> memref<10000x64xf32, #tpu.memory_space<hbm>>
    tpu.wait_indirect_dma semaphore(%arg12 : memref<!tpu.dma_semaphore, #tpu.memory_space<semaphore_mem>>) src(%dma_wait3A_72 : memref<10000x64xf32, #tpu.memory_space<hbm>>) dst(%dma_wait3A_66 : memref<128x64xf32, #tpu.memory_space<vmem>>)
    %dma_wait3A_73 = arith.constant 0 : i32
    %dma_wait3A_74 = arith.constant 0 : i32
    %dma_wait3A_75 = arith.constant 0 : i32
    %dma_wait3A_76 = arith.constant 0 : i32
    %dma_wait3A_77 = tpu.memref_slice %arg11[%dma_wait3A_74, %dma_wait3A_75, %dma_wait3A_76] : memref<2x128x64xf32, #tpu.memory_space<vmem>> -> memref<1x128x64xf32, #tpu.memory_space<vmem>>
    %dma_wait3A_78 = tpu.memref_squeeze %dma_wait3A_77 : memref<1x128x64xf32, #tpu.memory_space<vmem>> -> memref<128x64xf32, #tpu.memory_space<vmem>>
    %dma_wait3A_79 = arith.constant 0 : i32
    %dma_wait3A_80 = tpu.memref_slice %arg9[%dma_wait3A_73, %dma_wait3A_79] : memref<2x128xi32, #tpu.memory_space<vmem>> -> memref<1x128xi32, #tpu.memory_space<vmem>>
    %dma_wait3A_81 = tpu.memref_squeeze %dma_wait3A_80 : memref<1x128xi32, #tpu.memory_space<vmem>> -> memref<128xi32, #tpu.memory_space<vmem>>
    %dma_wait3A_82 = arith.constant 0 : i32
    %dma_wait3A_83 = arith.constant 0 : i32
    %dma_wait3A_84 = tpu.memref_slice %arg3[%dma_wait3A_82, %dma_wait3A_83] : memref<4096x64xf32, #tpu.memory_space<hbm>> -> memref<4096x64xf32, #tpu.memory_space<hbm>>
    tpu.wait_indirect_dma semaphore(%arg14 : memref<!tpu.dma_semaphore, #tpu.memory_space<semaphore_mem>>) src(%dma_wait3A_84 : memref<4096x64xf32, #tpu.memory_space<hbm>>) dst(%dma_wait3A_78 : memref<128x64xf32, #tpu.memory_space<vmem>>)
    %add3A_85 = arith.constant 2304 : i32
    %add3A_86 = arith.addi %mul3A_2, %add3A_85 : i32
    %dma_start3A_87 = arith.constant 0 : i32
    %dma_start3A_88 = arith.constant 0 : i32
    %dma_start3A_89 = arith.constant 0 : i32
    %dma_start3A_90 = tpu.memref_slice %arg10[%dma_start3A_87, %dma_start3A_88, %dma_start3A_89] : memref<2x128x64xf32, #tpu.memory_space<vmem>> -> memref<1x128x64xf32, #tpu.memory_space<vmem>>
    %dma_start3A_91 = tpu.memref_squeeze %dma_start3A_90 : memref<1x128x64xf32, #tpu.memory_space<vmem>> -> memref<128x64xf32, #tpu.memory_space<vmem>>
    %dma_start3A_92 = arith.constant 0 : i32
    %dma_start3A_93 = tpu.memref_slice %arg6[%add3A_86, %dma_start3A_92] : memref<81920x64xf32, #tpu.memory_space<hbm>> -> memref<128x64xf32, #tpu.memory_space<hbm>>
    %dma_start3A_94 = arith.constant 0 : i32
    %dma_start3A_95 = tpu.memref_slice %arg6[%add3A_86, %dma_start3A_94] : memref<81920x64xf32, #tpu.memory_space<hbm>> -> memref<128x64xf32, #tpu.memory_space<hbm>>
    %dma_start3A_96 = arith.constant 0 : i32
    %dma_start3A_97 = arith.constant 0 : i32
    %dma_start3A_98 = tpu.memref_slice %arg10[%dma_start3A_87, %dma_start3A_96, %dma_start3A_97] : memref<2x128x64xf32, #tpu.memory_space<vmem>> -> memref<1x128x64xf32, #tpu.memory_space<vmem>>
    %dma_start3A_99 = tpu.memref_squeeze %dma_start3A_98 : memref<1x128x64xf32, #tpu.memory_space<vmem>> -> memref<128x64xf32, #tpu.memory_space<vmem>>
    tpu.enqueue_dma source(%dma_start3A_99 : memref<128x64xf32, #tpu.memory_space<vmem>>) target(%dma_start3A_95 : memref<128x64xf32, #tpu.memory_space<hbm>>) target_semaphore(%arg16 : memref<!tpu.dma_semaphore, #tpu.memory_space<semaphore_mem>>)
    %dma_start3A_100 = arith.constant 0 : i32
    %dma_start3A_101 = arith.constant 0 : i32
    %dma_start3A_102 = arith.constant 0 : i32
    %dma_start3A_103 = tpu.memref_slice %arg11[%dma_start3A_100, %dma_start3A_101, %dma_start3A_102] : memref<2x128x64xf32, #tpu.memory_space<vmem>> -> memref<1x128x64xf32, #tpu.memory_space<vmem>>
    %dma_start3A_104 = tpu.memref_squeeze %dma_start3A_103 : memref<1x128x64xf32, #tpu.memory_space<vmem>> -> memref<128x64xf32, #tpu.memory_space<vmem>>
    %dma_start3A_105 = arith.constant 0 : i32
    %dma_start3A_106 = tpu.memref_slice %arg7[%add3A_86, %dma_start3A_105] : memref<81920x64xf32, #tpu.memory_space<hbm>> -> memref<128x64xf32, #tpu.memory_space<hbm>>
    %dma_start3A_107 = arith.constant 0 : i32
    %dma_start3A_108 = tpu.memref_slice %arg7[%add3A_86, %dma_start3A_107] : memref<81920x64xf32, #tpu.memory_space<hbm>> -> memref<128x64xf32, #tpu.memory_space<hbm>>
    %dma_start3A_109 = arith.constant 0 : i32
    %dma_start3A_110 = arith.constant 0 : i32
    %dma_start3A_111 = tpu.memref_slice %arg11[%dma_start3A_100, %dma_start3A_109, %dma_start3A_110] : memref<2x128x64xf32, #tpu.memory_space<vmem>> -> memref<1x128x64xf32, #tpu.memory_space<vmem>>
    %dma_start3A_112 = tpu.memref_squeeze %dma_start3A_111 : memref<1x128x64xf32, #tpu.memory_space<vmem>> -> memref<128x64xf32, #tpu.memory_space<vmem>>
    tpu.enqueue_dma source(%dma_start3A_112 : memref<128x64xf32, #tpu.memory_space<vmem>>) target(%dma_start3A_108 : memref<128x64xf32, #tpu.memory_space<hbm>>) target_semaphore(%arg18 : memref<!tpu.dma_semaphore, #tpu.memory_space<semaphore_mem>>)
    %dma_wait3A_113 = arith.constant 1 : i32
    %dma_wait3A_114 = arith.constant 1 : i32
    %dma_wait3A_115 = arith.constant 0 : i32
    %dma_wait3A_116 = arith.constant 0 : i32
    %dma_wait3A_117 = tpu.memref_slice %arg10[%dma_wait3A_114, %dma_wait3A_115, %dma_wait3A_116] : memref<2x128x64xf32, #tpu.memory_space<vmem>> -> memref<1x128x64xf32, #tpu.memory_space<vmem>>
    %dma_wait3A_118 = tpu.memref_squeeze %dma_wait3A_117 : memref<1x128x64xf32, #tpu.memory_space<vmem>> -> memref<128x64xf32, #tpu.memory_space<vmem>>
    %dma_wait3A_119 = arith.constant 0 : i32
    %dma_wait3A_120 = tpu.memref_slice %arg8[%dma_wait3A_113, %dma_wait3A_119] : memref<2x128xi32, #tpu.memory_space<vmem>> -> memref<1x128xi32, #tpu.memory_space<vmem>>
    %dma_wait3A_121 = tpu.memref_squeeze %dma_wait3A_120 : memref<1x128xi32, #tpu.memory_space<vmem>> -> memref<128xi32, #tpu.memory_space<vmem>>
    %dma_wait3A_122 = arith.constant 0 : i32
    %dma_wait3A_123 = arith.constant 0 : i32
    %dma_wait3A_124 = tpu.memref_slice %arg2[%dma_wait3A_122, %dma_wait3A_123] : memref<10000x64xf32, #tpu.memory_space<hbm>> -> memref<10000x64xf32, #tpu.memory_space<hbm>>
    tpu.wait_indirect_dma semaphore(%arg13 : memref<!tpu.dma_semaphore, #tpu.memory_space<semaphore_mem>>) src(%dma_wait3A_124 : memref<10000x64xf32, #tpu.memory_space<hbm>>) dst(%dma_wait3A_118 : memref<128x64xf32, #tpu.memory_space<vmem>>)
    %dma_wait3A_125 = arith.constant 1 : i32
    %dma_wait3A_126 = arith.constant 1 : i32
    %dma_wait3A_127 = arith.constant 0 : i32
    %dma_wait3A_128 = arith.constant 0 : i32
    %dma_wait3A_129 = tpu.memref_slice %arg11[%dma_wait3A_126, %dma_wait3A_127, %dma_wait3A_128] : memref<2x128x64xf32, #tpu.memory_space<vmem>> -> memref<1x128x64xf32, #tpu.memory_space<vmem>>
    %dma_wait3A_130 = tpu.memref_squeeze %dma_wait3A_129 : memref<1x128x64xf32, #tpu.memory_space<vmem>> -> memref<128x64xf32, #tpu.memory_space<vmem>>
    %dma_wait3A_131 = arith.constant 0 : i32
    %dma_wait3A_132 = tpu.memref_slice %arg9[%dma_wait3A_125, %dma_wait3A_131] : memref<2x128xi32, #tpu.memory_space<vmem>> -> memref<1x128xi32, #tpu.memory_space<vmem>>
    %dma_wait3A_133 = tpu.memref_squeeze %dma_wait3A_132 : memref<1x128xi32, #tpu.memory_space<vmem>> -> memref<128xi32, #tpu.memory_space<vmem>>
    %dma_wait3A_134 = arith.constant 0 : i32
    %dma_wait3A_135 = arith.constant 0 : i32
    %dma_wait3A_136 = tpu.memref_slice %arg3[%dma_wait3A_134, %dma_wait3A_135] : memref<4096x64xf32, #tpu.memory_space<hbm>> -> memref<4096x64xf32, #tpu.memory_space<hbm>>
    tpu.wait_indirect_dma semaphore(%arg15 : memref<!tpu.dma_semaphore, #tpu.memory_space<semaphore_mem>>) src(%dma_wait3A_136 : memref<4096x64xf32, #tpu.memory_space<hbm>>) dst(%dma_wait3A_130 : memref<128x64xf32, #tpu.memory_space<vmem>>)
    %add3A_137 = arith.constant 2432 : i32
    %add3A_138 = arith.addi %mul3A_2, %add3A_137 : i32
    %dma_start3A_139 = arith.constant 1 : i32
    %dma_start3A_140 = arith.constant 0 : i32
    %dma_start3A_141 = arith.constant 0 : i32
    %dma_start3A_142 = tpu.memref_slice %arg10[%dma_start3A_139, %dma_start3A_140, %dma_start3A_141] : memref<2x128x64xf32, #tpu.memory_space<vmem>> -> memref<1x128x64xf32, #tpu.memory_space<vmem>>
    %dma_start3A_143 = tpu.memref_squeeze %dma_start3A_142 : memref<1x128x64xf32, #tpu.memory_space<vmem>> -> memref<128x64xf32, #tpu.memory_space<vmem>>
    %dma_start3A_144 = arith.constant 0 : i32
    %dma_start3A_145 = tpu.memref_slice %arg6[%add3A_138, %dma_start3A_144] : memref<81920x64xf32, #tpu.memory_space<hbm>> -> memref<128x64xf32, #tpu.memory_space<hbm>>
    %dma_start3A_146 = arith.constant 0 : i32
    %dma_start3A_147 = tpu.memref_slice %arg6[%add3A_138, %dma_start3A_146] : memref<81920x64xf32, #tpu.memory_space<hbm>> -> memref<128x64xf32, #tpu.memory_space<hbm>>
    %dma_start3A_148 = arith.constant 0 : i32
    %dma_start3A_149 = arith.constant 0 : i32
    %dma_start3A_150 = tpu.memref_slice %arg10[%dma_start3A_139, %dma_start3A_148, %dma_start3A_149] : memref<2x128x64xf32, #tpu.memory_space<vmem>> -> memref<1x128x64xf32, #tpu.memory_space<vmem>>
    %dma_start3A_151 = tpu.memref_squeeze %dma_start3A_150 : memref<1x128x64xf32, #tpu.memory_space<vmem>> -> memref<128x64xf32, #tpu.memory_space<vmem>>
    tpu.enqueue_dma source(%dma_start3A_151 : memref<128x64xf32, #tpu.memory_space<vmem>>) target(%dma_start3A_147 : memref<128x64xf32, #tpu.memory_space<hbm>>) target_semaphore(%arg17 : memref<!tpu.dma_semaphore, #tpu.memory_space<semaphore_mem>>)
    %dma_start3A_152 = arith.constant 1 : i32
    %dma_start3A_153 = arith.constant 0 : i32
    %dma_start3A_154 = arith.constant 0 : i32
    %dma_start3A_155 = tpu.memref_slice %arg11[%dma_start3A_152, %dma_start3A_153, %dma_start3A_154] : memref<2x128x64xf32, #tpu.memory_space<vmem>> -> memref<1x128x64xf32, #tpu.memory_space<vmem>>
    %dma_start3A_156 = tpu.memref_squeeze %dma_start3A_155 : memref<1x128x64xf32, #tpu.memory_space<vmem>> -> memref<128x64xf32, #tpu.memory_space<vmem>>
    %dma_start3A_157 = arith.constant 0 : i32
    %dma_start3A_158 = tpu.memref_slice %arg7[%add3A_138, %dma_start3A_157] : memref<81920x64xf32, #tpu.memory_space<hbm>> -> memref<128x64xf32, #tpu.memory_space<hbm>>
    %dma_start3A_159 = arith.constant 0 : i32
    %dma_start3A_160 = tpu.memref_slice %arg7[%add3A_138, %dma_start3A_159] : memref<81920x64xf32, #tpu.memory_space<hbm>> -> memref<128x64xf32, #tpu.memory_space<hbm>>
    %dma_start3A_161 = arith.constant 0 : i32
    %dma_start3A_162 = arith.constant 0 : i32
    %dma_start3A_163 = tpu.memref_slice %arg11[%dma_start3A_152, %dma_start3A_161, %dma_start3A_162] : memref<2x128x64xf32, #tpu.memory_space<vmem>> -> memref<1x128x64xf32, #tpu.memory_space<vmem>>
    %dma_start3A_164 = tpu.memref_squeeze %dma_start3A_163 : memref<1x128x64xf32, #tpu.memory_space<vmem>> -> memref<128x64xf32, #tpu.memory_space<vmem>>
    tpu.enqueue_dma source(%dma_start3A_164 : memref<128x64xf32, #tpu.memory_space<vmem>>) target(%dma_start3A_160 : memref<128x64xf32, #tpu.memory_space<hbm>>) target_semaphore(%arg19 : memref<!tpu.dma_semaphore, #tpu.memory_space<semaphore_mem>>)
    %dma_wait3A_165 = arith.constant 0 : i32
    %dma_wait3A_166 = arith.constant 0 : i32
    %dma_wait3A_167 = arith.constant 0 : i32
    %dma_wait3A_168 = tpu.memref_slice %arg10[%dma_wait3A_165, %dma_wait3A_166, %dma_wait3A_167] : memref<2x128x64xf32, #tpu.memory_space<vmem>> -> memref<1x128x64xf32, #tpu.memory_space<vmem>>
    %dma_wait3A_169 = tpu.memref_squeeze %dma_wait3A_168 : memref<1x128x64xf32, #tpu.memory_space<vmem>> -> memref<128x64xf32, #tpu.memory_space<vmem>>
    %dma_wait3A_170 = arith.constant 0 : i32
    %dma_wait3A_171 = tpu.memref_slice %arg6[%mul3A_2, %dma_wait3A_170] : memref<81920x64xf32, #tpu.memory_space<hbm>> -> memref<128x64xf32, #tpu.memory_space<hbm>>
    %dma_wait3A_172 = arith.constant 0 : i32
    %dma_wait3A_173 = tpu.memref_slice %arg6[%mul3A_2, %dma_wait3A_172] : memref<81920x64xf32, #tpu.memory_space<hbm>> -> memref<128x64xf32, #tpu.memory_space<hbm>>
    %dma_wait3A_174 = arith.constant 0 : i32
    %dma_wait3A_175 = arith.constant 0 : i32
    %dma_wait3A_176 = tpu.memref_slice %arg10[%dma_wait3A_165, %dma_wait3A_174, %dma_wait3A_175] : memref<2x128x64xf32, #tpu.memory_space<vmem>> -> memref<1x128x64xf32, #tpu.memory_space<vmem>>
    %dma_wait3A_177 = tpu.memref_squeeze %dma_wait3A_176 : memref<1x128x64xf32, #tpu.memory_space<vmem>> -> memref<128x64xf32, #tpu.memory_space<vmem>>
    tpu.wait_dma2 semaphore(%arg16 : memref<!tpu.dma_semaphore, #tpu.memory_space<semaphore_mem>>) src(%dma_wait3A_177 : memref<128x64xf32, #tpu.memory_space<vmem>>) dst(%dma_wait3A_173 : memref<128x64xf32, #tpu.memory_space<hbm>>)
    %dma_wait3A_178 = arith.constant 0 : i32
    %dma_wait3A_179 = arith.constant 0 : i32
    %dma_wait3A_180 = arith.constant 0 : i32
    %dma_wait3A_181 = tpu.memref_slice %arg11[%dma_wait3A_178, %dma_wait3A_179, %dma_wait3A_180] : memref<2x128x64xf32, #tpu.memory_space<vmem>> -> memref<1x128x64xf32, #tpu.memory_space<vmem>>
    %dma_wait3A_182 = tpu.memref_squeeze %dma_wait3A_181 : memref<1x128x64xf32, #tpu.memory_space<vmem>> -> memref<128x64xf32, #tpu.memory_space<vmem>>
    %dma_wait3A_183 = arith.constant 0 : i32
    %dma_wait3A_184 = tpu.memref_slice %arg7[%mul3A_2, %dma_wait3A_183] : memref<81920x64xf32, #tpu.memory_space<hbm>> -> memref<128x64xf32, #tpu.memory_space<hbm>>
    %dma_wait3A_185 = arith.constant 0 : i32
    %dma_wait3A_186 = tpu.memref_slice %arg7[%mul3A_2, %dma_wait3A_185] : memref<81920x64xf32, #tpu.memory_space<hbm>> -> memref<128x64xf32, #tpu.memory_space<hbm>>
    %dma_wait3A_187 = arith.constant 0 : i32
    %dma_wait3A_188 = arith.constant 0 : i32
    %dma_wait3A_189 = tpu.memref_slice %arg11[%dma_wait3A_178, %dma_wait3A_187, %dma_wait3A_188] : memref<2x128x64xf32, #tpu.memory_space<vmem>> -> memref<1x128x64xf32, #tpu.memory_space<vmem>>
    %dma_wait3A_190 = tpu.memref_squeeze %dma_wait3A_189 : memref<1x128x64xf32, #tpu.memory_space<vmem>> -> memref<128x64xf32, #tpu.memory_space<vmem>>
    tpu.wait_dma2 semaphore(%arg18 : memref<!tpu.dma_semaphore, #tpu.memory_space<semaphore_mem>>) src(%dma_wait3A_190 : memref<128x64xf32, #tpu.memory_space<vmem>>) dst(%dma_wait3A_186 : memref<128x64xf32, #tpu.memory_space<hbm>>)
    %dma_wait3A_191 = arith.constant 1 : i32
    %dma_wait3A_192 = arith.constant 0 : i32
    %dma_wait3A_193 = arith.constant 0 : i32
    %dma_wait3A_194 = tpu.memref_slice %arg10[%dma_wait3A_191, %dma_wait3A_192, %dma_wait3A_193] : memref<2x128x64xf32, #tpu.memory_space<vmem>> -> memref<1x128x64xf32, #tpu.memory_space<vmem>>
    %dma_wait3A_195 = tpu.memref_squeeze %dma_wait3A_194 : memref<1x128x64xf32, #tpu.memory_space<vmem>> -> memref<128x64xf32, #tpu.memory_space<vmem>>
    %dma_wait3A_196 = arith.constant 0 : i32
    %dma_wait3A_197 = tpu.memref_slice %arg6[%mul3A_2, %dma_wait3A_196] : memref<81920x64xf32, #tpu.memory_space<hbm>> -> memref<128x64xf32, #tpu.memory_space<hbm>>
    %dma_wait3A_198 = arith.constant 0 : i32
    %dma_wait3A_199 = tpu.memref_slice %arg6[%mul3A_2, %dma_wait3A_198] : memref<81920x64xf32, #tpu.memory_space<hbm>> -> memref<128x64xf32, #tpu.memory_space<hbm>>
    %dma_wait3A_200 = arith.constant 0 : i32
    %dma_wait3A_201 = arith.constant 0 : i32
    %dma_wait3A_202 = tpu.memref_slice %arg10[%dma_wait3A_191, %dma_wait3A_200, %dma_wait3A_201] : memref<2x128x64xf32, #tpu.memory_space<vmem>> -> memref<1x128x64xf32, #tpu.memory_space<vmem>>
    %dma_wait3A_203 = tpu.memref_squeeze %dma_wait3A_202 : memref<1x128x64xf32, #tpu.memory_space<vmem>> -> memref<128x64xf32, #tpu.memory_space<vmem>>
    tpu.wait_dma2 semaphore(%arg17 : memref<!tpu.dma_semaphore, #tpu.memory_space<semaphore_mem>>) src(%dma_wait3A_203 : memref<128x64xf32, #tpu.memory_space<vmem>>) dst(%dma_wait3A_199 : memref<128x64xf32, #tpu.memory_space<hbm>>)
    %dma_wait3A_204 = arith.constant 1 : i32
    %dma_wait3A_205 = arith.constant 0 : i32
    %dma_wait3A_206 = arith.constant 0 : i32
    %dma_wait3A_207 = tpu.memref_slice %arg11[%dma_wait3A_204, %dma_wait3A_205, %dma_wait3A_206] : memref<2x128x64xf32, #tpu.memory_space<vmem>> -> memref<1x128x64xf32, #tpu.memory_space<vmem>>
    %dma_wait3A_208 = tpu.memref_squeeze %dma_wait3A_207 : memref<1x128x64xf32, #tpu.memory_space<vmem>> -> memref<128x64xf32, #tpu.memory_space<vmem>>
    %dma_wait3A_209 = arith.constant 0 : i32
    %dma_wait3A_210 = tpu.memref_slice %arg7[%mul3A_2, %dma_wait3A_209] : memref<81920x64xf32, #tpu.memory_space<hbm>> -> memref<128x64xf32, #tpu.memory_space<hbm>>
    %dma_wait3A_211 = arith.constant 0 : i32
    %dma_wait3A_212 = tpu.memref_slice %arg7[%mul3A_2, %dma_wait3A_211] : memref<81920x64xf32, #tpu.memory_space<hbm>> -> memref<128x64xf32, #tpu.memory_space<hbm>>
    %dma_wait3A_213 = arith.constant 0 : i32
    %dma_wait3A_214 = arith.constant 0 : i32
    %dma_wait3A_215 = tpu.memref_slice %arg11[%dma_wait3A_204, %dma_wait3A_213, %dma_wait3A_214] : memref<2x128x64xf32, #tpu.memory_space<vmem>> -> memref<1x128x64xf32, #tpu.memory_space<vmem>>
    %dma_wait3A_216 = tpu.memref_squeeze %dma_wait3A_215 : memref<1x128x64xf32, #tpu.memory_space<vmem>> -> memref<128x64xf32, #tpu.memory_space<vmem>>
    tpu.wait_dma2 semaphore(%arg19 : memref<!tpu.dma_semaphore, #tpu.memory_space<semaphore_mem>>) src(%dma_wait3A_216 : memref<128x64xf32, #tpu.memory_space<vmem>>) dst(%dma_wait3A_212 : memref<128x64xf32, #tpu.memory_space<hbm>>)
    return
  }
}

#map = affine_map<(d0, d1) -> (0, 0)>
#map1 = affine_map<(d0, d1) -> (0)>
module attributes {stable_mosaic.version = 14 : i64} {
  func.func @_gather_body(%arg0: i32, %arg1: i32, %arg2: memref<10000x64xf32, #tpu.memory_space<hbm>>, %arg3: memref<4096x64xf32, #tpu.memory_space<hbm>>, %arg4: memref<81920xi32, #tpu.memory_space<hbm>>, %arg5: memref<81920xi32, #tpu.memory_space<hbm>>, %arg6: memref<81920x64xf32, #tpu.memory_space<hbm>>, %arg7: memref<81920x64xf32, #tpu.memory_space<hbm>>, %arg8: memref<2x128xi32, #tpu.memory_space<vmem>>, %arg9: memref<2x128xi32, #tpu.memory_space<vmem>>, %arg10: memref<2x128x64xf32, #tpu.memory_space<vmem>>, %arg11: memref<2x128x64xf32, #tpu.memory_space<vmem>>, %arg12: memref<!tpu.dma_semaphore, #tpu.memory_space<semaphore_mem>>, %arg13: memref<!tpu.dma_semaphore, #tpu.memory_space<semaphore_mem>>, %arg14: memref<!tpu.dma_semaphore, #tpu.memory_space<semaphore_mem>>, %arg15: memref<!tpu.dma_semaphore, #tpu.memory_space<semaphore_mem>>, %arg16: memref<!tpu.dma_semaphore, #tpu.memory_space<semaphore_mem>>, %arg17: memref<!tpu.dma_semaphore, #tpu.memory_space<semaphore_mem>>, %arg18: memref<!tpu.dma_semaphore, #tpu.memory_space<semaphore_mem>>, %arg19: memref<!tpu.dma_semaphore, #tpu.memory_space<semaphore_mem>>) attributes {dimension_semantics = [#tpu.dimension_semantics<core_parallel>, #tpu.dimension_semantics<subcore_parallel>], iteration_bounds = array<i64: 2, 16>, scalar_prefetch = 0 : i64, scratch_operands = 12 : i64, tpu.core_type = #tpu.core_type<sc_vector_subcore>, window_params = [{transform_indices = #map}, {transform_indices = #map}, {transform_indices = #map1}, {transform_indices = #map1}, {transform_indices = #map}, {transform_indices = #map}]} {
    %mul3A = arith.constant 2 : i32
    %mul3A_0 = arith.muli %arg1, %mul3A : i32
    %add3A = arith.addi %mul3A_0, %arg0 : i32
    %mul3A_1 = arith.constant 2560 : i32
    %mul3A_2 = arith.muli %add3A, %mul3A_1 : i32
    %add3A_3 = arith.constant 0 : i32
    %add3A_4 = arith.addi %mul3A_2, %add3A_3 : i32
    %run_scoped3A = arith.constant 0 : i32
    "tpu.region"() ({
      %run_scoped3A_217 = tpu.sem_alloc : memref<!tpu.dma_semaphore, #tpu.memory_space<semaphore_mem>>
      %dma_start3A_218 = arith.constant 0 : i32
      %dma_start3A_219 = tpu.memref_slice %arg8[%run_scoped3A, %dma_start3A_218] : memref<2x128xi32, #tpu.memory_space<vmem>> -> memref<1x128xi32, #tpu.memory_space<vmem>>
      %dma_start3A_220 = tpu.memref_squeeze %dma_start3A_219 : memref<1x128xi32, #tpu.memory_space<vmem>> -> memref<128xi32, #tpu.memory_space<vmem>>
      %dma_start3A_221 = tpu.memref_slice %arg4[%add3A_4] : memref<81920xi32, #tpu.memory_space<hbm>> -> memref<128xi32, #tpu.memory_space<hbm>>
      %dma_start3A_222 = arith.constant 0 : i32
      %dma_start3A_223 = tpu.memref_slice %arg8[%run_scoped3A, %dma_start3A_222] : memref<2x128xi32, #tpu.memory_space<vmem>> -> memref<1x128xi32, #tpu.memory_space<vmem>>
      %dma_start3A_224 = tpu.memref_squeeze %dma_start3A_223 : memref<1x128xi32, #tpu.memory_space<vmem>> -> memref<128xi32, #tpu.memory_space<vmem>>
      %dma_start3A_225 = tpu.memref_slice %arg4[%add3A_4] : memref<81920xi32, #tpu.memory_space<hbm>> -> memref<128xi32, #tpu.memory_space<hbm>>
      tpu.enqueue_dma source(%dma_start3A_225 : memref<128xi32, #tpu.memory_space<hbm>>) target(%dma_start3A_224 : memref<128xi32, #tpu.memory_space<vmem>>) target_semaphore(%run_scoped3A_217 : memref<!tpu.dma_semaphore, #tpu.memory_space<semaphore_mem>>)
      %dma_wait3A_226 = arith.constant 0 : i32
      %dma_wait3A_227 = tpu.memref_slice %arg8[%run_scoped3A, %dma_wait3A_226] : memref<2x128xi32, #tpu.memory_space<vmem>> -> memref<1x128xi32, #tpu.memory_space<vmem>>
      %dma_wait3A_228 = tpu.memref_squeeze %dma_wait3A_227 : memref<1x128xi32, #tpu.memory_space<vmem>> -> memref<128xi32, #tpu.memory_space<vmem>>
      %dma_wait3A_229 = tpu.memref_slice %arg4[%add3A_4] : memref<81920xi32, #tpu.memory_space<hbm>> -> memref<128xi32, #tpu.memory_space<hbm>>
      %dma_wait3A_230 = arith.constant 0 : i32
      %dma_wait3A_231 = tpu.memref_slice %arg8[%run_scoped3A, %dma_wait3A_230] : memref<2x128xi32, #tpu.memory_space<vmem>> -> memref<1x128xi32, #tpu.memory_space<vmem>>
      %dma_wait3A_232 = tpu.memref_squeeze %dma_wait3A_231 : memref<1x128xi32, #tpu.memory_space<vmem>> -> memref<128xi32, #tpu.memory_space<vmem>>
      %dma_wait3A_233 = tpu.memref_slice %arg4[%add3A_4] : memref<81920xi32, #tpu.memory_space<hbm>> -> memref<128xi32, #tpu.memory_space<hbm>>
      tpu.wait_dma2 semaphore(%run_scoped3A_217 : memref<!tpu.dma_semaphore, #tpu.memory_space<semaphore_mem>>) src(%dma_wait3A_233 : memref<128xi32, #tpu.memory_space<hbm>>) dst(%dma_wait3A_232 : memref<128xi32, #tpu.memory_space<vmem>>)
      tpu.yield
    }) : () -> ()
    %run_scoped3A_5 = arith.constant 0 : i32
    "tpu.region"() ({
      %run_scoped3A_217 = tpu.sem_alloc : memref<!tpu.dma_semaphore, #tpu.memory_space<semaphore_mem>>
      %dma_start3A_218 = arith.constant 0 : i32
      %dma_start3A_219 = tpu.memref_slice %arg9[%run_scoped3A_5, %dma_start3A_218] : memref<2x128xi32, #tpu.memory_space<vmem>> -> memref<1x128xi32, #tpu.memory_space<vmem>>
      %dma_start3A_220 = tpu.memref_squeeze %dma_start3A_219 : memref<1x128xi32, #tpu.memory_space<vmem>> -> memref<128xi32, #tpu.memory_space<vmem>>
      %dma_start3A_221 = tpu.memref_slice %arg5[%add3A_4] : memref<81920xi32, #tpu.memory_space<hbm>> -> memref<128xi32, #tpu.memory_space<hbm>>
      %dma_start3A_222 = arith.constant 0 : i32
      %dma_start3A_223 = tpu.memref_slice %arg9[%run_scoped3A_5, %dma_start3A_222] : memref<2x128xi32, #tpu.memory_space<vmem>> -> memref<1x128xi32, #tpu.memory_space<vmem>>
      %dma_start3A_224 = tpu.memref_squeeze %dma_start3A_223 : memref<1x128xi32, #tpu.memory_space<vmem>> -> memref<128xi32, #tpu.memory_space<vmem>>
      %dma_start3A_225 = tpu.memref_slice %arg5[%add3A_4] : memref<81920xi32, #tpu.memory_space<hbm>> -> memref<128xi32, #tpu.memory_space<hbm>>
      tpu.enqueue_dma source(%dma_start3A_225 : memref<128xi32, #tpu.memory_space<hbm>>) target(%dma_start3A_224 : memref<128xi32, #tpu.memory_space<vmem>>) target_semaphore(%run_scoped3A_217 : memref<!tpu.dma_semaphore, #tpu.memory_space<semaphore_mem>>)
      %dma_wait3A_226 = arith.constant 0 : i32
      %dma_wait3A_227 = tpu.memref_slice %arg9[%run_scoped3A_5, %dma_wait3A_226] : memref<2x128xi32, #tpu.memory_space<vmem>> -> memref<1x128xi32, #tpu.memory_space<vmem>>
      %dma_wait3A_228 = tpu.memref_squeeze %dma_wait3A_227 : memref<1x128xi32, #tpu.memory_space<vmem>> -> memref<128xi32, #tpu.memory_space<vmem>>
      %dma_wait3A_229 = tpu.memref_slice %arg5[%add3A_4] : memref<81920xi32, #tpu.memory_space<hbm>> -> memref<128xi32, #tpu.memory_space<hbm>>
      %dma_wait3A_230 = arith.constant 0 : i32
      %dma_wait3A_231 = tpu.memref_slice %arg9[%run_scoped3A_5, %dma_wait3A_230] : memref<2x128xi32, #tpu.memory_space<vmem>> -> memref<1x128xi32, #tpu.memory_space<vmem>>
      %dma_wait3A_232 = tpu.memref_squeeze %dma_wait3A_231 : memref<1x128xi32, #tpu.memory_space<vmem>> -> memref<128xi32, #tpu.memory_space<vmem>>
      %dma_wait3A_233 = tpu.memref_slice %arg5[%add3A_4] : memref<81920xi32, #tpu.memory_space<hbm>> -> memref<128xi32, #tpu.memory_space<hbm>>
      tpu.wait_dma2 semaphore(%run_scoped3A_217 : memref<!tpu.dma_semaphore, #tpu.memory_space<semaphore_mem>>) src(%dma_wait3A_233 : memref<128xi32, #tpu.memory_space<hbm>>) dst(%dma_wait3A_232 : memref<128xi32, #tpu.memory_space<vmem>>)
      tpu.yield
    }) : () -> ()
    %dma_start3A = arith.constant 0 : i32
    %dma_start3A_6 = arith.constant 0 : i32
    %dma_start3A_7 = arith.constant 0 : i32
    %dma_start3A_8 = arith.constant 0 : i32
    %dma_start3A_9 = tpu.memref_slice %arg10[%dma_start3A_6, %dma_start3A_7, %dma_start3A_8] : memref<2x128x64xf32, #tpu.memory_space<vmem>> -> memref<1x128x64xf32, #tpu.memory_space<vmem>>
    %dma_start3A_10 = tpu.memref_squeeze %dma_start3A_9 : memref<1x128x64xf32, #tpu.memory_space<vmem>> -> memref<128x64xf32, #tpu.memory_space<vmem>>
    %dma_start3A_11 = arith.constant 0 : i32
    %dma_start3A_12 = tpu.memref_slice %arg8[%dma_start3A, %dma_start3A_11] : memref<2x128xi32, #tpu.memory_space<vmem>> -> memref<1x128xi32, #tpu.memory_space<vmem>>
    %dma_start3A_13 = tpu.memref_squeeze %dma_start3A_12 : memref<1x128xi32, #tpu.memory_space<vmem>> -> memref<128xi32, #tpu.memory_space<vmem>>
    %dma_start3A_14 = arith.constant 0 : i32
    %dma_start3A_15 = arith.constant 0 : i32
    %dma_start3A_16 = tpu.memref_slice %arg2[%dma_start3A_14, %dma_start3A_15] : memref<10000x64xf32, #tpu.memory_space<hbm>> -> memref<10000x64xf32, #tpu.memory_space<hbm>>
    tpu.enqueue_indirect_dma source(%dma_start3A_16 : memref<10000x64xf32, #tpu.memory_space<hbm>>) target(%dma_start3A_10 : memref<128x64xf32, #tpu.memory_space<vmem>>) offsets(%dma_start3A_13 : memref<128xi32, #tpu.memory_space<vmem>>) semaphore(%arg12 : memref<!tpu.dma_semaphore, #tpu.memory_space<semaphore_mem>>)
    %dma_start3A_17 = arith.constant 0 : i32
    %dma_start3A_18 = arith.constant 0 : i32
    %dma_start3A_19 = arith.constant 0 : i32
    %dma_start3A_20 = arith.constant 0 : i32
    %dma_start3A_21 = tpu.memref_slice %arg11[%dma_start3A_18, %dma_start3A_19, %dma_start3A_20] : memref<2x128x64xf32, #tpu.memory_space<vmem>> -> memref<1x128x64xf32, #tpu.memory_space<vmem>>
    %dma_start3A_22 = tpu.memref_squeeze %dma_start3A_21 : memref<1x128x64xf32, #tpu.memory_space<vmem>> -> memref<128x64xf32, #tpu.memory_space<vmem>>
    %dma_start3A_23 = arith.constant 0 : i32
    %dma_start3A_24 = tpu.memref_slice %arg9[%dma_start3A_17, %dma_start3A_23] : memref<2x128xi32, #tpu.memory_space<vmem>> -> memref<1x128xi32, #tpu.memory_space<vmem>>
    %dma_start3A_25 = tpu.memref_squeeze %dma_start3A_24 : memref<1x128xi32, #tpu.memory_space<vmem>> -> memref<128xi32, #tpu.memory_space<vmem>>
    %dma_start3A_26 = arith.constant 0 : i32
    %dma_start3A_27 = arith.constant 0 : i32
    %dma_start3A_28 = tpu.memref_slice %arg3[%dma_start3A_26, %dma_start3A_27] : memref<4096x64xf32, #tpu.memory_space<hbm>> -> memref<4096x64xf32, #tpu.memory_space<hbm>>
    tpu.enqueue_indirect_dma source(%dma_start3A_28 : memref<4096x64xf32, #tpu.memory_space<hbm>>) target(%dma_start3A_22 : memref<128x64xf32, #tpu.memory_space<vmem>>) offsets(%dma_start3A_25 : memref<128xi32, #tpu.memory_space<vmem>>) semaphore(%arg14 : memref<!tpu.dma_semaphore, #tpu.memory_space<semaphore_mem>>)
    %add3A_29 = arith.constant 128 : i32
    %add3A_30 = arith.addi %mul3A_2, %add3A_29 : i32
    %run_scoped3A_31 = arith.constant 1 : i32
    "tpu.region"() ({
      %run_scoped3A_217 = tpu.sem_alloc : memref<!tpu.dma_semaphore, #tpu.memory_space<semaphore_mem>>
      %dma_start3A_218 = arith.constant 0 : i32
      %dma_start3A_219 = tpu.memref_slice %arg8[%run_scoped3A_31, %dma_start3A_218] : memref<2x128xi32, #tpu.memory_space<vmem>> -> memref<1x128xi32, #tpu.memory_space<vmem>>
      %dma_start3A_220 = tpu.memref_squeeze %dma_start3A_219 : memref<1x128xi32, #tpu.memory_space<vmem>> -> memref<128xi32, #tpu.memory_space<vmem>>
      %dma_start3A_221 = tpu.memref_slice %arg4[%add3A_30] : memref<81920xi32, #tpu.memory_space<hbm>> -> memref<128xi32, #tpu.memory_space<hbm>>
      %dma_start3A_222 = arith.constant 0 : i32
      %dma_start3A_223 = tpu.memref_slice %arg8[%run_scoped3A_31, %dma_start3A_222] : memref<2x128xi32, #tpu.memory_space<vmem>> -> memref<1x128xi32, #tpu.memory_space<vmem>>
      %dma_start3A_224 = tpu.memref_squeeze %dma_start3A_223 : memref<1x128xi32, #tpu.memory_space<vmem>> -> memref<128xi32, #tpu.memory_space<vmem>>
      %dma_start3A_225 = tpu.memref_slice %arg4[%add3A_30] : memref<81920xi32, #tpu.memory_space<hbm>> -> memref<128xi32, #tpu.memory_space<hbm>>
      tpu.enqueue_dma source(%dma_start3A_225 : memref<128xi32, #tpu.memory_space<hbm>>) target(%dma_start3A_224 : memref<128xi32, #tpu.memory_space<vmem>>) target_semaphore(%run_scoped3A_217 : memref<!tpu.dma_semaphore, #tpu.memory_space<semaphore_mem>>)
      %dma_wait3A_226 = arith.constant 0 : i32
      %dma_wait3A_227 = tpu.memref_slice %arg8[%run_scoped3A_31, %dma_wait3A_226] : memref<2x128xi32, #tpu.memory_space<vmem>> -> memref<1x128xi32, #tpu.memory_space<vmem>>
      %dma_wait3A_228 = tpu.memref_squeeze %dma_wait3A_227 : memref<1x128xi32, #tpu.memory_space<vmem>> -> memref<128xi32, #tpu.memory_space<vmem>>
      %dma_wait3A_229 = tpu.memref_slice %arg4[%add3A_30] : memref<81920xi32, #tpu.memory_space<hbm>> -> memref<128xi32, #tpu.memory_space<hbm>>
      %dma_wait3A_230 = arith.constant 0 : i32
      %dma_wait3A_231 = tpu.memref_slice %arg8[%run_scoped3A_31, %dma_wait3A_230] : memref<2x128xi32, #tpu.memory_space<vmem>> -> memref<1x128xi32, #tpu.memory_space<vmem>>
      %dma_wait3A_232 = tpu.memref_squeeze %dma_wait3A_231 : memref<1x128xi32, #tpu.memory_space<vmem>> -> memref<128xi32, #tpu.memory_space<vmem>>
      %dma_wait3A_233 = tpu.memref_slice %arg4[%add3A_30] : memref<81920xi32, #tpu.memory_space<hbm>> -> memref<128xi32, #tpu.memory_space<hbm>>
      tpu.wait_dma2 semaphore(%run_scoped3A_217 : memref<!tpu.dma_semaphore, #tpu.memory_space<semaphore_mem>>) src(%dma_wait3A_233 : memref<128xi32, #tpu.memory_space<hbm>>) dst(%dma_wait3A_232 : memref<128xi32, #tpu.memory_space<vmem>>)
      tpu.yield
    }) : () -> ()
    %run_scoped3A_32 = arith.constant 1 : i32
    "tpu.region"() ({
      %run_scoped3A_217 = tpu.sem_alloc : memref<!tpu.dma_semaphore, #tpu.memory_space<semaphore_mem>>
      %dma_start3A_218 = arith.constant 0 : i32
      %dma_start3A_219 = tpu.memref_slice %arg9[%run_scoped3A_32, %dma_start3A_218] : memref<2x128xi32, #tpu.memory_space<vmem>> -> memref<1x128xi32, #tpu.memory_space<vmem>>
      %dma_start3A_220 = tpu.memref_squeeze %dma_start3A_219 : memref<1x128xi32, #tpu.memory_space<vmem>> -> memref<128xi32, #tpu.memory_space<vmem>>
      %dma_start3A_221 = tpu.memref_slice %arg5[%add3A_30] : memref<81920xi32, #tpu.memory_space<hbm>> -> memref<128xi32, #tpu.memory_space<hbm>>
      %dma_start3A_222 = arith.constant 0 : i32
      %dma_start3A_223 = tpu.memref_slice %arg9[%run_scoped3A_32, %dma_start3A_222] : memref<2x128xi32, #tpu.memory_space<vmem>> -> memref<1x128xi32, #tpu.memory_space<vmem>>
      %dma_start3A_224 = tpu.memref_squeeze %dma_start3A_223 : memref<1x128xi32, #tpu.memory_space<vmem>> -> memref<128xi32, #tpu.memory_space<vmem>>
      %dma_start3A_225 = tpu.memref_slice %arg5[%add3A_30] : memref<81920xi32, #tpu.memory_space<hbm>> -> memref<128xi32, #tpu.memory_space<hbm>>
      tpu.enqueue_dma source(%dma_start3A_225 : memref<128xi32, #tpu.memory_space<hbm>>) target(%dma_start3A_224 : memref<128xi32, #tpu.memory_space<vmem>>) target_semaphore(%run_scoped3A_217 : memref<!tpu.dma_semaphore, #tpu.memory_space<semaphore_mem>>)
      %dma_wait3A_226 = arith.constant 0 : i32
      %dma_wait3A_227 = tpu.memref_slice %arg9[%run_scoped3A_32, %dma_wait3A_226] : memref<2x128xi32, #tpu.memory_space<vmem>> -> memref<1x128xi32, #tpu.memory_space<vmem>>
      %dma_wait3A_228 = tpu.memref_squeeze %dma_wait3A_227 : memref<1x128xi32, #tpu.memory_space<vmem>> -> memref<128xi32, #tpu.memory_space<vmem>>
      %dma_wait3A_229 = tpu.memref_slice %arg5[%add3A_30] : memref<81920xi32, #tpu.memory_space<hbm>> -> memref<128xi32, #tpu.memory_space<hbm>>
      %dma_wait3A_230 = arith.constant 0 : i32
      %dma_wait3A_231 = tpu.memref_slice %arg9[%run_scoped3A_32, %dma_wait3A_230] : memref<2x128xi32, #tpu.memory_space<vmem>> -> memref<1x128xi32, #tpu.memory_space<vmem>>
      %dma_wait3A_232 = tpu.memref_squeeze %dma_wait3A_231 : memref<1x128xi32, #tpu.memory_space<vmem>> -> memref<128xi32, #tpu.memory_space<vmem>>
      %dma_wait3A_233 = tpu.memref_slice %arg5[%add3A_30] : memref<81920xi32, #tpu.memory_space<hbm>> -> memref<128xi32, #tpu.memory_space<hbm>>
      tpu.wait_dma2 semaphore(%run_scoped3A_217 : memref<!tpu.dma_semaphore, #tpu.memory_space<semaphore_mem>>) src(%dma_wait3A_233 : memref<128xi32, #tpu.memory_space<hbm>>) dst(%dma_wait3A_232 : memref<128xi32, #tpu.memory_space<vmem>>)
      tpu.yield
    }) : () -> ()
    %dma_start3A_33 = arith.constant 1 : i32
    %dma_start3A_34 = arith.constant 1 : i32
    %dma_start3A_35 = arith.constant 0 : i32
    %dma_start3A_36 = arith.constant 0 : i32
    %dma_start3A_37 = tpu.memref_slice %arg10[%dma_start3A_34, %dma_start3A_35, %dma_start3A_36] : memref<2x128x64xf32, #tpu.memory_space<vmem>> -> memref<1x128x64xf32, #tpu.memory_space<vmem>>
    %dma_start3A_38 = tpu.memref_squeeze %dma_start3A_37 : memref<1x128x64xf32, #tpu.memory_space<vmem>> -> memref<128x64xf32, #tpu.memory_space<vmem>>
    %dma_start3A_39 = arith.constant 0 : i32
    %dma_start3A_40 = tpu.memref_slice %arg8[%dma_start3A_33, %dma_start3A_39] : memref<2x128xi32, #tpu.memory_space<vmem>> -> memref<1x128xi32, #tpu.memory_space<vmem>>
    %dma_start3A_41 = tpu.memref_squeeze %dma_start3A_40 : memref<1x128xi32, #tpu.memory_space<vmem>> -> memref<128xi32, #tpu.memory_space<vmem>>
    %dma_start3A_42 = arith.constant 0 : i32
    %dma_start3A_43 = arith.constant 0 : i32
    %dma_start3A_44 = tpu.memref_slice %arg2[%dma_start3A_42, %dma_start3A_43] : memref<10000x64xf32, #tpu.memory_space<hbm>> -> memref<10000x64xf32, #tpu.memory_space<hbm>>
    tpu.enqueue_indirect_dma source(%dma_start3A_44 : memref<10000x64xf32, #tpu.memory_space<hbm>>) target(%dma_start3A_38 : memref<128x64xf32, #tpu.memory_space<vmem>>) offsets(%dma_start3A_41 : memref<128xi32, #tpu.memory_space<vmem>>) semaphore(%arg13 : memref<!tpu.dma_semaphore, #tpu.memory_space<semaphore_mem>>)
    %dma_start3A_45 = arith.constant 1 : i32
    %dma_start3A_46 = arith.constant 1 : i32
    %dma_start3A_47 = arith.constant 0 : i32
    %dma_start3A_48 = arith.constant 0 : i32
    %dma_start3A_49 = tpu.memref_slice %arg11[%dma_start3A_46, %dma_start3A_47, %dma_start3A_48] : memref<2x128x64xf32, #tpu.memory_space<vmem>> -> memref<1x128x64xf32, #tpu.memory_space<vmem>>
    %dma_start3A_50 = tpu.memref_squeeze %dma_start3A_49 : memref<1x128x64xf32, #tpu.memory_space<vmem>> -> memref<128x64xf32, #tpu.memory_space<vmem>>
    %dma_start3A_51 = arith.constant 0 : i32
    %dma_start3A_52 = tpu.memref_slice %arg9[%dma_start3A_45, %dma_start3A_51] : memref<2x128xi32, #tpu.memory_space<vmem>> -> memref<1x128xi32, #tpu.memory_space<vmem>>
    %dma_start3A_53 = tpu.memref_squeeze %dma_start3A_52 : memref<1x128xi32, #tpu.memory_space<vmem>> -> memref<128xi32, #tpu.memory_space<vmem>>
    %dma_start3A_54 = arith.constant 0 : i32
    %dma_start3A_55 = arith.constant 0 : i32
    %dma_start3A_56 = tpu.memref_slice %arg3[%dma_start3A_54, %dma_start3A_55] : memref<4096x64xf32, #tpu.memory_space<hbm>> -> memref<4096x64xf32, #tpu.memory_space<hbm>>
    tpu.enqueue_indirect_dma source(%dma_start3A_56 : memref<4096x64xf32, #tpu.memory_space<hbm>>) target(%dma_start3A_50 : memref<128x64xf32, #tpu.memory_space<vmem>>) offsets(%dma_start3A_53 : memref<128xi32, #tpu.memory_space<vmem>>) semaphore(%arg15 : memref<!tpu.dma_semaphore, #tpu.memory_space<semaphore_mem>>)
    %scan3A = arith.constant 0 : i32
    %scan3A_57 = arith.constant 0 : i32
    %scan3A_58 = arith.constant 9 : i32
    %scan3A_59 = arith.addi %scan3A_57, %scan3A_58 : i32
    %scan3A_60 = arith.constant 1 : i32
    scf.for %scan3A_217 = %scan3A_57 to %scan3A_59 step %scan3A_60  : i32 {
      %mul3A_218 = arith.constant 2 : i32
      %mul3A_219 = arith.muli %mul3A_218, %scan3A_217 : i32
      %add3A_220 = arith.constant 0 : i32
      %add3A_221 = arith.addi %mul3A_219, %add3A_220 : i32
      %dma_wait3A_222 = arith.constant 0 : i32
      %dma_wait3A_223 = arith.constant 0 : i32
      %dma_wait3A_224 = arith.constant 0 : i32
      %dma_wait3A_225 = arith.constant 0 : i32
      %dma_wait3A_226 = tpu.memref_slice %arg10[%dma_wait3A_223, %dma_wait3A_224, %dma_wait3A_225] : memref<2x128x64xf32, #tpu.memory_space<vmem>> -> memref<1x128x64xf32, #tpu.memory_space<vmem>>
      %dma_wait3A_227 = tpu.memref_squeeze %dma_wait3A_226 : memref<1x128x64xf32, #tpu.memory_space<vmem>> -> memref<128x64xf32, #tpu.memory_space<vmem>>
      %dma_wait3A_228 = arith.constant 0 : i32
      %dma_wait3A_229 = tpu.memref_slice %arg8[%dma_wait3A_222, %dma_wait3A_228] : memref<2x128xi32, #tpu.memory_space<vmem>> -> memref<1x128xi32, #tpu.memory_space<vmem>>
      %dma_wait3A_230 = tpu.memref_squeeze %dma_wait3A_229 : memref<1x128xi32, #tpu.memory_space<vmem>> -> memref<128xi32, #tpu.memory_space<vmem>>
      %dma_wait3A_231 = arith.constant 0 : i32
      %dma_wait3A_232 = arith.constant 0 : i32
      %dma_wait3A_233 = tpu.memref_slice %arg2[%dma_wait3A_231, %dma_wait3A_232] : memref<10000x64xf32, #tpu.memory_space<hbm>> -> memref<10000x64xf32, #tpu.memory_space<hbm>>
      tpu.wait_indirect_dma semaphore(%arg12 : memref<!tpu.dma_semaphore, #tpu.memory_space<semaphore_mem>>) src(%dma_wait3A_233 : memref<10000x64xf32, #tpu.memory_space<hbm>>) dst(%dma_wait3A_227 : memref<128x64xf32, #tpu.memory_space<vmem>>)
      %dma_wait3A_234 = arith.constant 0 : i32
      %dma_wait3A_235 = arith.constant 0 : i32
      %dma_wait3A_236 = arith.constant 0 : i32
      %dma_wait3A_237 = arith.constant 0 : i32
      %dma_wait3A_238 = tpu.memref_slice %arg11[%dma_wait3A_235, %dma_wait3A_236, %dma_wait3A_237] : memref<2x128x64xf32, #tpu.memory_space<vmem>> -> memref<1x128x64xf32, #tpu.memory_space<vmem>>
      %dma_wait3A_239 = tpu.memref_squeeze %dma_wait3A_238 : memref<1x128x64xf32, #tpu.memory_space<vmem>> -> memref<128x64xf32, #tpu.memory_space<vmem>>
      %dma_wait3A_240 = arith.constant 0 : i32
      %dma_wait3A_241 = tpu.memref_slice %arg9[%dma_wait3A_234, %dma_wait3A_240] : memref<2x128xi32, #tpu.memory_space<vmem>> -> memref<1x128xi32, #tpu.memory_space<vmem>>
      %dma_wait3A_242 = tpu.memref_squeeze %dma_wait3A_241 : memref<1x128xi32, #tpu.memory_space<vmem>> -> memref<128xi32, #tpu.memory_space<vmem>>
      %dma_wait3A_243 = arith.constant 0 : i32
      %dma_wait3A_244 = arith.constant 0 : i32
      %dma_wait3A_245 = tpu.memref_slice %arg3[%dma_wait3A_243, %dma_wait3A_244] : memref<4096x64xf32, #tpu.memory_space<hbm>> -> memref<4096x64xf32, #tpu.memory_space<hbm>>
      tpu.wait_indirect_dma semaphore(%arg14 : memref<!tpu.dma_semaphore, #tpu.memory_space<semaphore_mem>>) src(%dma_wait3A_245 : memref<4096x64xf32, #tpu.memory_space<hbm>>) dst(%dma_wait3A_239 : memref<128x64xf32, #tpu.memory_space<vmem>>)
      %mul3A_246 = arith.constant 128 : i32
      %mul3A_247 = arith.muli %add3A_221, %mul3A_246 : i32
      %add3A_248 = arith.addi %mul3A_2, %mul3A_247 : i32
      %dma_start3A_249 = arith.constant 0 : i32
      %dma_start3A_250 = arith.constant 0 : i32
      %dma_start3A_251 = arith.constant 0 : i32
      %dma_start3A_252 = tpu.memref_slice %arg10[%dma_start3A_249, %dma_start3A_250, %dma_start3A_251] : memref<2x128x64xf32, #tpu.memory_space<vmem>> -> memref<1x128x64xf32, #tpu.memory_space<vmem>>
      %dma_start3A_253 = tpu.memref_squeeze %dma_start3A_252 : memref<1x128x64xf32, #tpu.memory_space<vmem>> -> memref<128x64xf32, #tpu.memory_space<vmem>>
      %dma_start3A_254 = arith.constant 0 : i32
      %dma_start3A_255 = tpu.memref_slice %arg6[%add3A_248, %dma_start3A_254] : memref<81920x64xf32, #tpu.memory_space<hbm>> -> memref<128x64xf32, #tpu.memory_space<hbm>>
      %dma_start3A_256 = arith.constant 0 : i32
      %dma_start3A_257 = tpu.memref_slice %arg6[%add3A_248, %dma_start3A_256] : memref<81920x64xf32, #tpu.memory_space<hbm>> -> memref<128x64xf32, #tpu.memory_space<hbm>>
      %dma_start3A_258 = arith.constant 0 : i32
      %dma_start3A_259 = arith.constant 0 : i32
      %dma_start3A_260 = tpu.memref_slice %arg10[%dma_start3A_249, %dma_start3A_258, %dma_start3A_259] : memref<2x128x64xf32, #tpu.memory_space<vmem>> -> memref<1x128x64xf32, #tpu.memory_space<vmem>>
      %dma_start3A_261 = tpu.memref_squeeze %dma_start3A_260 : memref<1x128x64xf32, #tpu.memory_space<vmem>> -> memref<128x64xf32, #tpu.memory_space<vmem>>
      tpu.enqueue_dma source(%dma_start3A_261 : memref<128x64xf32, #tpu.memory_space<vmem>>) target(%dma_start3A_257 : memref<128x64xf32, #tpu.memory_space<hbm>>) target_semaphore(%arg16 : memref<!tpu.dma_semaphore, #tpu.memory_space<semaphore_mem>>)
      %dma_start3A_262 = arith.constant 0 : i32
      %dma_start3A_263 = arith.constant 0 : i32
      %dma_start3A_264 = arith.constant 0 : i32
      %dma_start3A_265 = tpu.memref_slice %arg11[%dma_start3A_262, %dma_start3A_263, %dma_start3A_264] : memref<2x128x64xf32, #tpu.memory_space<vmem>> -> memref<1x128x64xf32, #tpu.memory_space<vmem>>
      %dma_start3A_266 = tpu.memref_squeeze %dma_start3A_265 : memref<1x128x64xf32, #tpu.memory_space<vmem>> -> memref<128x64xf32, #tpu.memory_space<vmem>>
      %dma_start3A_267 = arith.constant 0 : i32
      %dma_start3A_268 = tpu.memref_slice %arg7[%add3A_248, %dma_start3A_267] : memref<81920x64xf32, #tpu.memory_space<hbm>> -> memref<128x64xf32, #tpu.memory_space<hbm>>
      %dma_start3A_269 = arith.constant 0 : i32
      %dma_start3A_270 = tpu.memref_slice %arg7[%add3A_248, %dma_start3A_269] : memref<81920x64xf32, #tpu.memory_space<hbm>> -> memref<128x64xf32, #tpu.memory_space<hbm>>
      %dma_start3A_271 = arith.constant 0 : i32
      %dma_start3A_272 = arith.constant 0 : i32
      %dma_start3A_273 = tpu.memref_slice %arg11[%dma_start3A_262, %dma_start3A_271, %dma_start3A_272] : memref<2x128x64xf32, #tpu.memory_space<vmem>> -> memref<1x128x64xf32, #tpu.memory_space<vmem>>
      %dma_start3A_274 = tpu.memref_squeeze %dma_start3A_273 : memref<1x128x64xf32, #tpu.memory_space<vmem>> -> memref<128x64xf32, #tpu.memory_space<vmem>>
      tpu.enqueue_dma source(%dma_start3A_274 : memref<128x64xf32, #tpu.memory_space<vmem>>) target(%dma_start3A_270 : memref<128x64xf32, #tpu.memory_space<hbm>>) target_semaphore(%arg18 : memref<!tpu.dma_semaphore, #tpu.memory_space<semaphore_mem>>)
      %dma_wait3A_275 = arith.constant 0 : i32
      %dma_wait3A_276 = arith.constant 0 : i32
      %dma_wait3A_277 = arith.constant 0 : i32
      %dma_wait3A_278 = tpu.memref_slice %arg10[%dma_wait3A_275, %dma_wait3A_276, %dma_wait3A_277] : memref<2x128x64xf32, #tpu.memory_space<vmem>> -> memref<1x128x64xf32, #tpu.memory_space<vmem>>
      %dma_wait3A_279 = tpu.memref_squeeze %dma_wait3A_278 : memref<1x128x64xf32, #tpu.memory_space<vmem>> -> memref<128x64xf32, #tpu.memory_space<vmem>>
      %dma_wait3A_280 = arith.constant 0 : i32
      %dma_wait3A_281 = tpu.memref_slice %arg6[%mul3A_2, %dma_wait3A_280] : memref<81920x64xf32, #tpu.memory_space<hbm>> -> memref<128x64xf32, #tpu.memory_space<hbm>>
      %dma_wait3A_282 = arith.constant 0 : i32
      %dma_wait3A_283 = tpu.memref_slice %arg6[%mul3A_2, %dma_wait3A_282] : memref<81920x64xf32, #tpu.memory_space<hbm>> -> memref<128x64xf32, #tpu.memory_space<hbm>>
      %dma_wait3A_284 = arith.constant 0 : i32
      %dma_wait3A_285 = arith.constant 0 : i32
      %dma_wait3A_286 = tpu.memref_slice %arg10[%dma_wait3A_275, %dma_wait3A_284, %dma_wait3A_285] : memref<2x128x64xf32, #tpu.memory_space<vmem>> -> memref<1x128x64xf32, #tpu.memory_space<vmem>>
      %dma_wait3A_287 = tpu.memref_squeeze %dma_wait3A_286 : memref<1x128x64xf32, #tpu.memory_space<vmem>> -> memref<128x64xf32, #tpu.memory_space<vmem>>
      tpu.wait_dma2 semaphore(%arg16 : memref<!tpu.dma_semaphore, #tpu.memory_space<semaphore_mem>>) src(%dma_wait3A_287 : memref<128x64xf32, #tpu.memory_space<vmem>>) dst(%dma_wait3A_283 : memref<128x64xf32, #tpu.memory_space<hbm>>)
      %dma_wait3A_288 = arith.constant 0 : i32
      %dma_wait3A_289 = arith.constant 0 : i32
      %dma_wait3A_290 = arith.constant 0 : i32
      %dma_wait3A_291 = tpu.memref_slice %arg11[%dma_wait3A_288, %dma_wait3A_289, %dma_wait3A_290] : memref<2x128x64xf32, #tpu.memory_space<vmem>> -> memref<1x128x64xf32, #tpu.memory_space<vmem>>
      %dma_wait3A_292 = tpu.memref_squeeze %dma_wait3A_291 : memref<1x128x64xf32, #tpu.memory_space<vmem>> -> memref<128x64xf32, #tpu.memory_space<vmem>>
      %dma_wait3A_293 = arith.constant 0 : i32
      %dma_wait3A_294 = tpu.memref_slice %arg7[%mul3A_2, %dma_wait3A_293] : memref<81920x64xf32, #tpu.memory_space<hbm>> -> memref<128x64xf32, #tpu.memory_space<hbm>>
      %dma_wait3A_295 = arith.constant 0 : i32
      %dma_wait3A_296 = tpu.memref_slice %arg7[%mul3A_2, %dma_wait3A_295] : memref<81920x64xf32, #tpu.memory_space<hbm>> -> memref<128x64xf32, #tpu.memory_space<hbm>>
      %dma_wait3A_297 = arith.constant 0 : i32
      %dma_wait3A_298 = arith.constant 0 : i32
      %dma_wait3A_299 = tpu.memref_slice %arg11[%dma_wait3A_288, %dma_wait3A_297, %dma_wait3A_298] : memref<2x128x64xf32, #tpu.memory_space<vmem>> -> memref<1x128x64xf32, #tpu.memory_space<vmem>>
      %dma_wait3A_300 = tpu.memref_squeeze %dma_wait3A_299 : memref<1x128x64xf32, #tpu.memory_space<vmem>> -> memref<128x64xf32, #tpu.memory_space<vmem>>
      tpu.wait_dma2 semaphore(%arg18 : memref<!tpu.dma_semaphore, #tpu.memory_space<semaphore_mem>>) src(%dma_wait3A_300 : memref<128x64xf32, #tpu.memory_space<vmem>>) dst(%dma_wait3A_296 : memref<128x64xf32, #tpu.memory_space<hbm>>)
      %add3A_301 = arith.constant 2 : i32
      %add3A_302 = arith.addi %add3A_221, %add3A_301 : i32
      %mul3A_303 = arith.constant 128 : i32
      %mul3A_304 = arith.muli %add3A_302, %mul3A_303 : i32
      %add3A_305 = arith.addi %mul3A_2, %mul3A_304 : i32
      %run_scoped3A_306 = arith.constant 0 : i32
      "tpu.region"() ({
        %run_scoped3A_446 = tpu.sem_alloc : memref<!tpu.dma_semaphore, #tpu.memory_space<semaphore_mem>>
        %dma_start3A_447 = arith.constant 0 : i32
        %dma_start3A_448 = tpu.memref_slice %arg8[%run_scoped3A_306, %dma_start3A_447] : memref<2x128xi32, #tpu.memory_space<vmem>> -> memref<1x128xi32, #tpu.memory_space<vmem>>
        %dma_start3A_449 = tpu.memref_squeeze %dma_start3A_448 : memref<1x128xi32, #tpu.memory_space<vmem>> -> memref<128xi32, #tpu.memory_space<vmem>>
        %dma_start3A_450 = tpu.memref_slice %arg4[%add3A_305] : memref<81920xi32, #tpu.memory_space<hbm>> -> memref<128xi32, #tpu.memory_space<hbm>>
        %dma_start3A_451 = arith.constant 0 : i32
        %dma_start3A_452 = tpu.memref_slice %arg8[%run_scoped3A_306, %dma_start3A_451] : memref<2x128xi32, #tpu.memory_space<vmem>> -> memref<1x128xi32, #tpu.memory_space<vmem>>
        %dma_start3A_453 = tpu.memref_squeeze %dma_start3A_452 : memref<1x128xi32, #tpu.memory_space<vmem>> -> memref<128xi32, #tpu.memory_space<vmem>>
        %dma_start3A_454 = tpu.memref_slice %arg4[%add3A_305] : memref<81920xi32, #tpu.memory_space<hbm>> -> memref<128xi32, #tpu.memory_space<hbm>>
        tpu.enqueue_dma source(%dma_start3A_454 : memref<128xi32, #tpu.memory_space<hbm>>) target(%dma_start3A_453 : memref<128xi32, #tpu.memory_space<vmem>>) target_semaphore(%run_scoped3A_446 : memref<!tpu.dma_semaphore, #tpu.memory_space<semaphore_mem>>)
        %dma_wait3A_455 = arith.constant 0 : i32
        %dma_wait3A_456 = tpu.memref_slice %arg8[%run_scoped3A_306, %dma_wait3A_455] : memref<2x128xi32, #tpu.memory_space<vmem>> -> memref<1x128xi32, #tpu.memory_space<vmem>>
        %dma_wait3A_457 = tpu.memref_squeeze %dma_wait3A_456 : memref<1x128xi32, #tpu.memory_space<vmem>> -> memref<128xi32, #tpu.memory_space<vmem>>
        %dma_wait3A_458 = tpu.memref_slice %arg4[%add3A_305] : memref<81920xi32, #tpu.memory_space<hbm>> -> memref<128xi32, #tpu.memory_space<hbm>>
        %dma_wait3A_459 = arith.constant 0 : i32
        %dma_wait3A_460 = tpu.memref_slice %arg8[%run_scoped3A_306, %dma_wait3A_459] : memref<2x128xi32, #tpu.memory_space<vmem>> -> memref<1x128xi32, #tpu.memory_space<vmem>>
        %dma_wait3A_461 = tpu.memref_squeeze %dma_wait3A_460 : memref<1x128xi32, #tpu.memory_space<vmem>> -> memref<128xi32, #tpu.memory_space<vmem>>
        %dma_wait3A_462 = tpu.memref_slice %arg4[%add3A_305] : memref<81920xi32, #tpu.memory_space<hbm>> -> memref<128xi32, #tpu.memory_space<hbm>>
        tpu.wait_dma2 semaphore(%run_scoped3A_446 : memref<!tpu.dma_semaphore, #tpu.memory_space<semaphore_mem>>) src(%dma_wait3A_462 : memref<128xi32, #tpu.memory_space<hbm>>) dst(%dma_wait3A_461 : memref<128xi32, #tpu.memory_space<vmem>>)
        tpu.yield
      }) : () -> ()
      %run_scoped3A_307 = arith.constant 0 : i32
      "tpu.region"() ({
        %run_scoped3A_446 = tpu.sem_alloc : memref<!tpu.dma_semaphore, #tpu.memory_space<semaphore_mem>>
        %dma_start3A_447 = arith.constant 0 : i32
        %dma_start3A_448 = tpu.memref_slice %arg9[%run_scoped3A_307, %dma_start3A_447] : memref<2x128xi32, #tpu.memory_space<vmem>> -> memref<1x128xi32, #tpu.memory_space<vmem>>
        %dma_start3A_449 = tpu.memref_squeeze %dma_start3A_448 : memref<1x128xi32, #tpu.memory_space<vmem>> -> memref<128xi32, #tpu.memory_space<vmem>>
        %dma_start3A_450 = tpu.memref_slice %arg5[%add3A_305] : memref<81920xi32, #tpu.memory_space<hbm>> -> memref<128xi32, #tpu.memory_space<hbm>>
        %dma_start3A_451 = arith.constant 0 : i32
        %dma_start3A_452 = tpu.memref_slice %arg9[%run_scoped3A_307, %dma_start3A_451] : memref<2x128xi32, #tpu.memory_space<vmem>> -> memref<1x128xi32, #tpu.memory_space<vmem>>
        %dma_start3A_453 = tpu.memref_squeeze %dma_start3A_452 : memref<1x128xi32, #tpu.memory_space<vmem>> -> memref<128xi32, #tpu.memory_space<vmem>>
        %dma_start3A_454 = tpu.memref_slice %arg5[%add3A_305] : memref<81920xi32, #tpu.memory_space<hbm>> -> memref<128xi32, #tpu.memory_space<hbm>>
        tpu.enqueue_dma source(%dma_start3A_454 : memref<128xi32, #tpu.memory_space<hbm>>) target(%dma_start3A_453 : memref<128xi32, #tpu.memory_space<vmem>>) target_semaphore(%run_scoped3A_446 : memref<!tpu.dma_semaphore, #tpu.memory_space<semaphore_mem>>)
        %dma_wait3A_455 = arith.constant 0 : i32
        %dma_wait3A_456 = tpu.memref_slice %arg9[%run_scoped3A_307, %dma_wait3A_455] : memref<2x128xi32, #tpu.memory_space<vmem>> -> memref<1x128xi32, #tpu.memory_space<vmem>>
        %dma_wait3A_457 = tpu.memref_squeeze %dma_wait3A_456 : memref<1x128xi32, #tpu.memory_space<vmem>> -> memref<128xi32, #tpu.memory_space<vmem>>
        %dma_wait3A_458 = tpu.memref_slice %arg5[%add3A_305] : memref<81920xi32, #tpu.memory_space<hbm>> -> memref<128xi32, #tpu.memory_space<hbm>>
        %dma_wait3A_459 = arith.constant 0 : i32
        %dma_wait3A_460 = tpu.memref_slice %arg9[%run_scoped3A_307, %dma_wait3A_459] : memref<2x128xi32, #tpu.memory_space<vmem>> -> memref<1x128xi32, #tpu.memory_space<vmem>>
        %dma_wait3A_461 = tpu.memref_squeeze %dma_wait3A_460 : memref<1x128xi32, #tpu.memory_space<vmem>> -> memref<128xi32, #tpu.memory_space<vmem>>
        %dma_wait3A_462 = tpu.memref_slice %arg5[%add3A_305] : memref<81920xi32, #tpu.memory_space<hbm>> -> memref<128xi32, #tpu.memory_space<hbm>>
        tpu.wait_dma2 semaphore(%run_scoped3A_446 : memref<!tpu.dma_semaphore, #tpu.memory_space<semaphore_mem>>) src(%dma_wait3A_462 : memref<128xi32, #tpu.memory_space<hbm>>) dst(%dma_wait3A_461 : memref<128xi32, #tpu.memory_space<vmem>>)
        tpu.yield
      }) : () -> ()
      %dma_start3A_308 = arith.constant 0 : i32
      %dma_start3A_309 = arith.constant 0 : i32
      %dma_start3A_310 = arith.constant 0 : i32
      %dma_start3A_311 = arith.constant 0 : i32
      %dma_start3A_312 = tpu.memref_slice %arg10[%dma_start3A_309, %dma_start3A_310, %dma_start3A_311] : memref<2x128x64xf32, #tpu.memory_space<vmem>> -> memref<1x128x64xf32, #tpu.memory_space<vmem>>
      %dma_start3A_313 = tpu.memref_squeeze %dma_start3A_312 : memref<1x128x64xf32, #tpu.memory_space<vmem>> -> memref<128x64xf32, #tpu.memory_space<vmem>>
      %dma_start3A_314 = arith.constant 0 : i32
      %dma_start3A_315 = tpu.memref_slice %arg8[%dma_start3A_308, %dma_start3A_314] : memref<2x128xi32, #tpu.memory_space<vmem>> -> memref<1x128xi32, #tpu.memory_space<vmem>>
      %dma_start3A_316 = tpu.memref_squeeze %dma_start3A_315 : memref<1x128xi32, #tpu.memory_space<vmem>> -> memref<128xi32, #tpu.memory_space<vmem>>
      %dma_start3A_317 = arith.constant 0 : i32
      %dma_start3A_318 = arith.constant 0 : i32
      %dma_start3A_319 = tpu.memref_slice %arg2[%dma_start3A_317, %dma_start3A_318] : memref<10000x64xf32, #tpu.memory_space<hbm>> -> memref<10000x64xf32, #tpu.memory_space<hbm>>
      tpu.enqueue_indirect_dma source(%dma_start3A_319 : memref<10000x64xf32, #tpu.memory_space<hbm>>) target(%dma_start3A_313 : memref<128x64xf32, #tpu.memory_space<vmem>>) offsets(%dma_start3A_316 : memref<128xi32, #tpu.memory_space<vmem>>) semaphore(%arg12 : memref<!tpu.dma_semaphore, #tpu.memory_space<semaphore_mem>>)
      %dma_start3A_320 = arith.constant 0 : i32
      %dma_start3A_321 = arith.constant 0 : i32
      %dma_start3A_322 = arith.constant 0 : i32
      %dma_start3A_323 = arith.constant 0 : i32
      %dma_start3A_324 = tpu.memref_slice %arg11[%dma_start3A_321, %dma_start3A_322, %dma_start3A_323] : memref<2x128x64xf32, #tpu.memory_space<vmem>> -> memref<1x128x64xf32, #tpu.memory_space<vmem>>
      %dma_start3A_325 = tpu.memref_squeeze %dma_start3A_324 : memref<1x128x64xf32, #tpu.memory_space<vmem>> -> memref<128x64xf32, #tpu.memory_space<vmem>>
      %dma_start3A_326 = arith.constant 0 : i32
      %dma_start3A_327 = tpu.memref_slice %arg9[%dma_start3A_320, %dma_start3A_326] : memref<2x128xi32, #tpu.memory_space<vmem>> -> memref<1x128xi32, #tpu.memory_space<vmem>>
      %dma_start3A_328 = tpu.memref_squeeze %dma_start3A_327 : memref<1x128xi32, #tpu.memory_space<vmem>> -> memref<128xi32, #tpu.memory_space<vmem>>
      %dma_start3A_329 = arith.constant 0 : i32
      %dma_start3A_330 = arith.constant 0 : i32
      %dma_start3A_331 = tpu.memref_slice %arg3[%dma_start3A_329, %dma_start3A_330] : memref<4096x64xf32, #tpu.memory_space<hbm>> -> memref<4096x64xf32, #tpu.memory_space<hbm>>
      tpu.enqueue_indirect_dma source(%dma_start3A_331 : memref<4096x64xf32, #tpu.memory_space<hbm>>) target(%dma_start3A_325 : memref<128x64xf32, #tpu.memory_space<vmem>>) offsets(%dma_start3A_328 : memref<128xi32, #tpu.memory_space<vmem>>) semaphore(%arg14 : memref<!tpu.dma_semaphore, #tpu.memory_space<semaphore_mem>>)
      %mul3A_332 = arith.constant 2 : i32
      %mul3A_333 = arith.muli %mul3A_332, %scan3A_217 : i32
      %add3A_334 = arith.constant 1 : i32
      %add3A_335 = arith.addi %mul3A_333, %add3A_334 : i32
      %dma_wait3A_336 = arith.constant 1 : i32
      %dma_wait3A_337 = arith.constant 1 : i32
      %dma_wait3A_338 = arith.constant 0 : i32
      %dma_wait3A_339 = arith.constant 0 : i32
      %dma_wait3A_340 = tpu.memref_slice %arg10[%dma_wait3A_337, %dma_wait3A_338, %dma_wait3A_339] : memref<2x128x64xf32, #tpu.memory_space<vmem>> -> memref<1x128x64xf32, #tpu.memory_space<vmem>>
      %dma_wait3A_341 = tpu.memref_squeeze %dma_wait3A_340 : memref<1x128x64xf32, #tpu.memory_space<vmem>> -> memref<128x64xf32, #tpu.memory_space<vmem>>
      %dma_wait3A_342 = arith.constant 0 : i32
      %dma_wait3A_343 = tpu.memref_slice %arg8[%dma_wait3A_336, %dma_wait3A_342] : memref<2x128xi32, #tpu.memory_space<vmem>> -> memref<1x128xi32, #tpu.memory_space<vmem>>
      %dma_wait3A_344 = tpu.memref_squeeze %dma_wait3A_343 : memref<1x128xi32, #tpu.memory_space<vmem>> -> memref<128xi32, #tpu.memory_space<vmem>>
      %dma_wait3A_345 = arith.constant 0 : i32
      %dma_wait3A_346 = arith.constant 0 : i32
      %dma_wait3A_347 = tpu.memref_slice %arg2[%dma_wait3A_345, %dma_wait3A_346] : memref<10000x64xf32, #tpu.memory_space<hbm>> -> memref<10000x64xf32, #tpu.memory_space<hbm>>
      tpu.wait_indirect_dma semaphore(%arg13 : memref<!tpu.dma_semaphore, #tpu.memory_space<semaphore_mem>>) src(%dma_wait3A_347 : memref<10000x64xf32, #tpu.memory_space<hbm>>) dst(%dma_wait3A_341 : memref<128x64xf32, #tpu.memory_space<vmem>>)
      %dma_wait3A_348 = arith.constant 1 : i32
      %dma_wait3A_349 = arith.constant 1 : i32
      %dma_wait3A_350 = arith.constant 0 : i32
      %dma_wait3A_351 = arith.constant 0 : i32
      %dma_wait3A_352 = tpu.memref_slice %arg11[%dma_wait3A_349, %dma_wait3A_350, %dma_wait3A_351] : memref<2x128x64xf32, #tpu.memory_space<vmem>> -> memref<1x128x64xf32, #tpu.memory_space<vmem>>
      %dma_wait3A_353 = tpu.memref_squeeze %dma_wait3A_352 : memref<1x128x64xf32, #tpu.memory_space<vmem>> -> memref<128x64xf32, #tpu.memory_space<vmem>>
      %dma_wait3A_354 = arith.constant 0 : i32
      %dma_wait3A_355 = tpu.memref_slice %arg9[%dma_wait3A_348, %dma_wait3A_354] : memref<2x128xi32, #tpu.memory_space<vmem>> -> memref<1x128xi32, #tpu.memory_space<vmem>>
      %dma_wait3A_356 = tpu.memref_squeeze %dma_wait3A_355 : memref<1x128xi32, #tpu.memory_space<vmem>> -> memref<128xi32, #tpu.memory_space<vmem>>
      %dma_wait3A_357 = arith.constant 0 : i32
      %dma_wait3A_358 = arith.constant 0 : i32
      %dma_wait3A_359 = tpu.memref_slice %arg3[%dma_wait3A_357, %dma_wait3A_358] : memref<4096x64xf32, #tpu.memory_space<hbm>> -> memref<4096x64xf32, #tpu.memory_space<hbm>>
      tpu.wait_indirect_dma semaphore(%arg15 : memref<!tpu.dma_semaphore, #tpu.memory_space<semaphore_mem>>) src(%dma_wait3A_359 : memref<4096x64xf32, #tpu.memory_space<hbm>>) dst(%dma_wait3A_353 : memref<128x64xf32, #tpu.memory_space<vmem>>)
      %mul3A_360 = arith.constant 128 : i32
      %mul3A_361 = arith.muli %add3A_335, %mul3A_360 : i32
      %add3A_362 = arith.addi %mul3A_2, %mul3A_361 : i32
      %dma_start3A_363 = arith.constant 1 : i32
      %dma_start3A_364 = arith.constant 0 : i32
      %dma_start3A_365 = arith.constant 0 : i32
      %dma_start3A_366 = tpu.memref_slice %arg10[%dma_start3A_363, %dma_start3A_364, %dma_start3A_365] : memref<2x128x64xf32, #tpu.memory_space<vmem>> -> memref<1x128x64xf32, #tpu.memory_space<vmem>>
      %dma_start3A_367 = tpu.memref_squeeze %dma_start3A_366 : memref<1x128x64xf32, #tpu.memory_space<vmem>> -> memref<128x64xf32, #tpu.memory_space<vmem>>
      %dma_start3A_368 = arith.constant 0 : i32
      %dma_start3A_369 = tpu.memref_slice %arg6[%add3A_362, %dma_start3A_368] : memref<81920x64xf32, #tpu.memory_space<hbm>> -> memref<128x64xf32, #tpu.memory_space<hbm>>
      %dma_start3A_370 = arith.constant 0 : i32
      %dma_start3A_371 = tpu.memref_slice %arg6[%add3A_362, %dma_start3A_370] : memref<81920x64xf32, #tpu.memory_space<hbm>> -> memref<128x64xf32, #tpu.memory_space<hbm>>
      %dma_start3A_372 = arith.constant 0 : i32
      %dma_start3A_373 = arith.constant 0 : i32
      %dma_start3A_374 = tpu.memref_slice %arg10[%dma_start3A_363, %dma_start3A_372, %dma_start3A_373] : memref<2x128x64xf32, #tpu.memory_space<vmem>> -> memref<1x128x64xf32, #tpu.memory_space<vmem>>
      %dma_start3A_375 = tpu.memref_squeeze %dma_start3A_374 : memref<1x128x64xf32, #tpu.memory_space<vmem>> -> memref<128x64xf32, #tpu.memory_space<vmem>>
      tpu.enqueue_dma source(%dma_start3A_375 : memref<128x64xf32, #tpu.memory_space<vmem>>) target(%dma_start3A_371 : memref<128x64xf32, #tpu.memory_space<hbm>>) target_semaphore(%arg17 : memref<!tpu.dma_semaphore, #tpu.memory_space<semaphore_mem>>)
      %dma_start3A_376 = arith.constant 1 : i32
      %dma_start3A_377 = arith.constant 0 : i32
      %dma_start3A_378 = arith.constant 0 : i32
      %dma_start3A_379 = tpu.memref_slice %arg11[%dma_start3A_376, %dma_start3A_377, %dma_start3A_378] : memref<2x128x64xf32, #tpu.memory_space<vmem>> -> memref<1x128x64xf32, #tpu.memory_space<vmem>>
      %dma_start3A_380 = tpu.memref_squeeze %dma_start3A_379 : memref<1x128x64xf32, #tpu.memory_space<vmem>> -> memref<128x64xf32, #tpu.memory_space<vmem>>
      %dma_start3A_381 = arith.constant 0 : i32
      %dma_start3A_382 = tpu.memref_slice %arg7[%add3A_362, %dma_start3A_381] : memref<81920x64xf32, #tpu.memory_space<hbm>> -> memref<128x64xf32, #tpu.memory_space<hbm>>
      %dma_start3A_383 = arith.constant 0 : i32
      %dma_start3A_384 = tpu.memref_slice %arg7[%add3A_362, %dma_start3A_383] : memref<81920x64xf32, #tpu.memory_space<hbm>> -> memref<128x64xf32, #tpu.memory_space<hbm>>
      %dma_start3A_385 = arith.constant 0 : i32
      %dma_start3A_386 = arith.constant 0 : i32
      %dma_start3A_387 = tpu.memref_slice %arg11[%dma_start3A_376, %dma_start3A_385, %dma_start3A_386] : memref<2x128x64xf32, #tpu.memory_space<vmem>> -> memref<1x128x64xf32, #tpu.memory_space<vmem>>
      %dma_start3A_388 = tpu.memref_squeeze %dma_start3A_387 : memref<1x128x64xf32, #tpu.memory_space<vmem>> -> memref<128x64xf32, #tpu.memory_space<vmem>>
      tpu.enqueue_dma source(%dma_start3A_388 : memref<128x64xf32, #tpu.memory_space<vmem>>) target(%dma_start3A_384 : memref<128x64xf32, #tpu.memory_space<hbm>>) target_semaphore(%arg19 : memref<!tpu.dma_semaphore, #tpu.memory_space<semaphore_mem>>)
      %dma_wait3A_389 = arith.constant 1 : i32
      %dma_wait3A_390 = arith.constant 0 : i32
      %dma_wait3A_391 = arith.constant 0 : i32
      %dma_wait3A_392 = tpu.memref_slice %arg10[%dma_wait3A_389, %dma_wait3A_390, %dma_wait3A_391] : memref<2x128x64xf32, #tpu.memory_space<vmem>> -> memref<1x128x64xf32, #tpu.memory_space<vmem>>
      %dma_wait3A_393 = tpu.memref_squeeze %dma_wait3A_392 : memref<1x128x64xf32, #tpu.memory_space<vmem>> -> memref<128x64xf32, #tpu.memory_space<vmem>>
      %dma_wait3A_394 = arith.constant 0 : i32
      %dma_wait3A_395 = tpu.memref_slice %arg6[%mul3A_2, %dma_wait3A_394] : memref<81920x64xf32, #tpu.memory_space<hbm>> -> memref<128x64xf32, #tpu.memory_space<hbm>>
      %dma_wait3A_396 = arith.constant 0 : i32
      %dma_wait3A_397 = tpu.memref_slice %arg6[%mul3A_2, %dma_wait3A_396] : memref<81920x64xf32, #tpu.memory_space<hbm>> -> memref<128x64xf32, #tpu.memory_space<hbm>>
      %dma_wait3A_398 = arith.constant 0 : i32
      %dma_wait3A_399 = arith.constant 0 : i32
      %dma_wait3A_400 = tpu.memref_slice %arg10[%dma_wait3A_389, %dma_wait3A_398, %dma_wait3A_399] : memref<2x128x64xf32, #tpu.memory_space<vmem>> -> memref<1x128x64xf32, #tpu.memory_space<vmem>>
      %dma_wait3A_401 = tpu.memref_squeeze %dma_wait3A_400 : memref<1x128x64xf32, #tpu.memory_space<vmem>> -> memref<128x64xf32, #tpu.memory_space<vmem>>
      tpu.wait_dma2 semaphore(%arg17 : memref<!tpu.dma_semaphore, #tpu.memory_space<semaphore_mem>>) src(%dma_wait3A_401 : memref<128x64xf32, #tpu.memory_space<vmem>>) dst(%dma_wait3A_397 : memref<128x64xf32, #tpu.memory_space<hbm>>)
      %dma_wait3A_402 = arith.constant 1 : i32
      %dma_wait3A_403 = arith.constant 0 : i32
      %dma_wait3A_404 = arith.constant 0 : i32
      %dma_wait3A_405 = tpu.memref_slice %arg11[%dma_wait3A_402, %dma_wait3A_403, %dma_wait3A_404] : memref<2x128x64xf32, #tpu.memory_space<vmem>> -> memref<1x128x64xf32, #tpu.memory_space<vmem>>
      %dma_wait3A_406 = tpu.memref_squeeze %dma_wait3A_405 : memref<1x128x64xf32, #tpu.memory_space<vmem>> -> memref<128x64xf32, #tpu.memory_space<vmem>>
      %dma_wait3A_407 = arith.constant 0 : i32
      %dma_wait3A_408 = tpu.memref_slice %arg7[%mul3A_2, %dma_wait3A_407] : memref<81920x64xf32, #tpu.memory_space<hbm>> -> memref<128x64xf32, #tpu.memory_space<hbm>>
      %dma_wait3A_409 = arith.constant 0 : i32
      %dma_wait3A_410 = tpu.memref_slice %arg7[%mul3A_2, %dma_wait3A_409] : memref<81920x64xf32, #tpu.memory_space<hbm>> -> memref<128x64xf32, #tpu.memory_space<hbm>>
      %dma_wait3A_411 = arith.constant 0 : i32
      %dma_wait3A_412 = arith.constant 0 : i32
      %dma_wait3A_413 = tpu.memref_slice %arg11[%dma_wait3A_402, %dma_wait3A_411, %dma_wait3A_412] : memref<2x128x64xf32, #tpu.memory_space<vmem>> -> memref<1x128x64xf32, #tpu.memory_space<vmem>>
      %dma_wait3A_414 = tpu.memref_squeeze %dma_wait3A_413 : memref<1x128x64xf32, #tpu.memory_space<vmem>> -> memref<128x64xf32, #tpu.memory_space<vmem>>
      tpu.wait_dma2 semaphore(%arg19 : memref<!tpu.dma_semaphore, #tpu.memory_space<semaphore_mem>>) src(%dma_wait3A_414 : memref<128x64xf32, #tpu.memory_space<vmem>>) dst(%dma_wait3A_410 : memref<128x64xf32, #tpu.memory_space<hbm>>)
      %add3A_415 = arith.constant 2 : i32
      %add3A_416 = arith.addi %add3A_335, %add3A_415 : i32
      %mul3A_417 = arith.constant 128 : i32
      %mul3A_418 = arith.muli %add3A_416, %mul3A_417 : i32
      %add3A_419 = arith.addi %mul3A_2, %mul3A_418 : i32
      %run_scoped3A_420 = arith.constant 1 : i32
      "tpu.region"() ({
        %run_scoped3A_446 = tpu.sem_alloc : memref<!tpu.dma_semaphore, #tpu.memory_space<semaphore_mem>>
        %dma_start3A_447 = arith.constant 0 : i32
        %dma_start3A_448 = tpu.memref_slice %arg8[%run_scoped3A_420, %dma_start3A_447] : memref<2x128xi32, #tpu.memory_space<vmem>> -> memref<1x128xi32, #tpu.memory_space<vmem>>
        %dma_start3A_449 = tpu.memref_squeeze %dma_start3A_448 : memref<1x128xi32, #tpu.memory_space<vmem>> -> memref<128xi32, #tpu.memory_space<vmem>>
        %dma_start3A_450 = tpu.memref_slice %arg4[%add3A_419] : memref<81920xi32, #tpu.memory_space<hbm>> -> memref<128xi32, #tpu.memory_space<hbm>>
        %dma_start3A_451 = arith.constant 0 : i32
        %dma_start3A_452 = tpu.memref_slice %arg8[%run_scoped3A_420, %dma_start3A_451] : memref<2x128xi32, #tpu.memory_space<vmem>> -> memref<1x128xi32, #tpu.memory_space<vmem>>
        %dma_start3A_453 = tpu.memref_squeeze %dma_start3A_452 : memref<1x128xi32, #tpu.memory_space<vmem>> -> memref<128xi32, #tpu.memory_space<vmem>>
        %dma_start3A_454 = tpu.memref_slice %arg4[%add3A_419] : memref<81920xi32, #tpu.memory_space<hbm>> -> memref<128xi32, #tpu.memory_space<hbm>>
        tpu.enqueue_dma source(%dma_start3A_454 : memref<128xi32, #tpu.memory_space<hbm>>) target(%dma_start3A_453 : memref<128xi32, #tpu.memory_space<vmem>>) target_semaphore(%run_scoped3A_446 : memref<!tpu.dma_semaphore, #tpu.memory_space<semaphore_mem>>)
        %dma_wait3A_455 = arith.constant 0 : i32
        %dma_wait3A_456 = tpu.memref_slice %arg8[%run_scoped3A_420, %dma_wait3A_455] : memref<2x128xi32, #tpu.memory_space<vmem>> -> memref<1x128xi32, #tpu.memory_space<vmem>>
        %dma_wait3A_457 = tpu.memref_squeeze %dma_wait3A_456 : memref<1x128xi32, #tpu.memory_space<vmem>> -> memref<128xi32, #tpu.memory_space<vmem>>
        %dma_wait3A_458 = tpu.memref_slice %arg4[%add3A_419] : memref<81920xi32, #tpu.memory_space<hbm>> -> memref<128xi32, #tpu.memory_space<hbm>>
        %dma_wait3A_459 = arith.constant 0 : i32
        %dma_wait3A_460 = tpu.memref_slice %arg8[%run_scoped3A_420, %dma_wait3A_459] : memref<2x128xi32, #tpu.memory_space<vmem>> -> memref<1x128xi32, #tpu.memory_space<vmem>>
        %dma_wait3A_461 = tpu.memref_squeeze %dma_wait3A_460 : memref<1x128xi32, #tpu.memory_space<vmem>> -> memref<128xi32, #tpu.memory_space<vmem>>
        %dma_wait3A_462 = tpu.memref_slice %arg4[%add3A_419] : memref<81920xi32, #tpu.memory_space<hbm>> -> memref<128xi32, #tpu.memory_space<hbm>>
        tpu.wait_dma2 semaphore(%run_scoped3A_446 : memref<!tpu.dma_semaphore, #tpu.memory_space<semaphore_mem>>) src(%dma_wait3A_462 : memref<128xi32, #tpu.memory_space<hbm>>) dst(%dma_wait3A_461 : memref<128xi32, #tpu.memory_space<vmem>>)
        tpu.yield
      }) : () -> ()
      %run_scoped3A_421 = arith.constant 1 : i32
      "tpu.region"() ({
        %run_scoped3A_446 = tpu.sem_alloc : memref<!tpu.dma_semaphore, #tpu.memory_space<semaphore_mem>>
        %dma_start3A_447 = arith.constant 0 : i32
        %dma_start3A_448 = tpu.memref_slice %arg9[%run_scoped3A_421, %dma_start3A_447] : memref<2x128xi32, #tpu.memory_space<vmem>> -> memref<1x128xi32, #tpu.memory_space<vmem>>
        %dma_start3A_449 = tpu.memref_squeeze %dma_start3A_448 : memref<1x128xi32, #tpu.memory_space<vmem>> -> memref<128xi32, #tpu.memory_space<vmem>>
        %dma_start3A_450 = tpu.memref_slice %arg5[%add3A_419] : memref<81920xi32, #tpu.memory_space<hbm>> -> memref<128xi32, #tpu.memory_space<hbm>>
        %dma_start3A_451 = arith.constant 0 : i32
        %dma_start3A_452 = tpu.memref_slice %arg9[%run_scoped3A_421, %dma_start3A_451] : memref<2x128xi32, #tpu.memory_space<vmem>> -> memref<1x128xi32, #tpu.memory_space<vmem>>
        %dma_start3A_453 = tpu.memref_squeeze %dma_start3A_452 : memref<1x128xi32, #tpu.memory_space<vmem>> -> memref<128xi32, #tpu.memory_space<vmem>>
        %dma_start3A_454 = tpu.memref_slice %arg5[%add3A_419] : memref<81920xi32, #tpu.memory_space<hbm>> -> memref<128xi32, #tpu.memory_space<hbm>>
        tpu.enqueue_dma source(%dma_start3A_454 : memref<128xi32, #tpu.memory_space<hbm>>) target(%dma_start3A_453 : memref<128xi32, #tpu.memory_space<vmem>>) target_semaphore(%run_scoped3A_446 : memref<!tpu.dma_semaphore, #tpu.memory_space<semaphore_mem>>)
        %dma_wait3A_455 = arith.constant 0 : i32
        %dma_wait3A_456 = tpu.memref_slice %arg9[%run_scoped3A_421, %dma_wait3A_455] : memref<2x128xi32, #tpu.memory_space<vmem>> -> memref<1x128xi32, #tpu.memory_space<vmem>>
        %dma_wait3A_457 = tpu.memref_squeeze %dma_wait3A_456 : memref<1x128xi32, #tpu.memory_space<vmem>> -> memref<128xi32, #tpu.memory_space<vmem>>
        %dma_wait3A_458 = tpu.memref_slice %arg5[%add3A_419] : memref<81920xi32, #tpu.memory_space<hbm>> -> memref<128xi32, #tpu.memory_space<hbm>>
        %dma_wait3A_459 = arith.constant 0 : i32
        %dma_wait3A_460 = tpu.memref_slice %arg9[%run_scoped3A_421, %dma_wait3A_459] : memref<2x128xi32, #tpu.memory_space<vmem>> -> memref<1x128xi32, #tpu.memory_space<vmem>>
        %dma_wait3A_461 = tpu.memref_squeeze %dma_wait3A_460 : memref<1x128xi32, #tpu.memory_space<vmem>> -> memref<128xi32, #tpu.memory_space<vmem>>
        %dma_wait3A_462 = tpu.memref_slice %arg5[%add3A_419] : memref<81920xi32, #tpu.memory_space<hbm>> -> memref<128xi32, #tpu.memory_space<hbm>>
        tpu.wait_dma2 semaphore(%run_scoped3A_446 : memref<!tpu.dma_semaphore, #tpu.memory_space<semaphore_mem>>) src(%dma_wait3A_462 : memref<128xi32, #tpu.memory_space<hbm>>) dst(%dma_wait3A_461 : memref<128xi32, #tpu.memory_space<vmem>>)
        tpu.yield
      }) : () -> ()
      %dma_start3A_422 = arith.constant 1 : i32
      %dma_start3A_423 = arith.constant 1 : i32
      %dma_start3A_424 = arith.constant 0 : i32
      %dma_start3A_425 = arith.constant 0 : i32
      %dma_start3A_426 = tpu.memref_slice %arg10[%dma_start3A_423, %dma_start3A_424, %dma_start3A_425] : memref<2x128x64xf32, #tpu.memory_space<vmem>> -> memref<1x128x64xf32, #tpu.memory_space<vmem>>
      %dma_start3A_427 = tpu.memref_squeeze %dma_start3A_426 : memref<1x128x64xf32, #tpu.memory_space<vmem>> -> memref<128x64xf32, #tpu.memory_space<vmem>>
      %dma_start3A_428 = arith.constant 0 : i32
      %dma_start3A_429 = tpu.memref_slice %arg8[%dma_start3A_422, %dma_start3A_428] : memref<2x128xi32, #tpu.memory_space<vmem>> -> memref<1x128xi32, #tpu.memory_space<vmem>>
      %dma_start3A_430 = tpu.memref_squeeze %dma_start3A_429 : memref<1x128xi32, #tpu.memory_space<vmem>> -> memref<128xi32, #tpu.memory_space<vmem>>
      %dma_start3A_431 = arith.constant 0 : i32
      %dma_start3A_432 = arith.constant 0 : i32
      %dma_start3A_433 = tpu.memref_slice %arg2[%dma_start3A_431, %dma_start3A_432] : memref<10000x64xf32, #tpu.memory_space<hbm>> -> memref<10000x64xf32, #tpu.memory_space<hbm>>
      tpu.enqueue_indirect_dma source(%dma_start3A_433 : memref<10000x64xf32, #tpu.memory_space<hbm>>) target(%dma_start3A_427 : memref<128x64xf32, #tpu.memory_space<vmem>>) offsets(%dma_start3A_430 : memref<128xi32, #tpu.memory_space<vmem>>) semaphore(%arg13 : memref<!tpu.dma_semaphore, #tpu.memory_space<semaphore_mem>>)
      %dma_start3A_434 = arith.constant 1 : i32
      %dma_start3A_435 = arith.constant 1 : i32
      %dma_start3A_436 = arith.constant 0 : i32
      %dma_start3A_437 = arith.constant 0 : i32
      %dma_start3A_438 = tpu.memref_slice %arg11[%dma_start3A_435, %dma_start3A_436, %dma_start3A_437] : memref<2x128x64xf32, #tpu.memory_space<vmem>> -> memref<1x128x64xf32, #tpu.memory_space<vmem>>
      %dma_start3A_439 = tpu.memref_squeeze %dma_start3A_438 : memref<1x128x64xf32, #tpu.memory_space<vmem>> -> memref<128x64xf32, #tpu.memory_space<vmem>>
      %dma_start3A_440 = arith.constant 0 : i32
      %dma_start3A_441 = tpu.memref_slice %arg9[%dma_start3A_434, %dma_start3A_440] : memref<2x128xi32, #tpu.memory_space<vmem>> -> memref<1x128xi32, #tpu.memory_space<vmem>>
      %dma_start3A_442 = tpu.memref_squeeze %dma_start3A_441 : memref<1x128xi32, #tpu.memory_space<vmem>> -> memref<128xi32, #tpu.memory_space<vmem>>
      %dma_start3A_443 = arith.constant 0 : i32
      %dma_start3A_444 = arith.constant 0 : i32
      %dma_start3A_445 = tpu.memref_slice %arg3[%dma_start3A_443, %dma_start3A_444] : memref<4096x64xf32, #tpu.memory_space<hbm>> -> memref<4096x64xf32, #tpu.memory_space<hbm>>
      tpu.enqueue_indirect_dma source(%dma_start3A_445 : memref<4096x64xf32, #tpu.memory_space<hbm>>) target(%dma_start3A_439 : memref<128x64xf32, #tpu.memory_space<vmem>>) offsets(%dma_start3A_442 : memref<128xi32, #tpu.memory_space<vmem>>) semaphore(%arg15 : memref<!tpu.dma_semaphore, #tpu.memory_space<semaphore_mem>>)
    }
    %scan3A_61 = arith.constant 9 : i32
    %dma_wait3A = arith.constant 0 : i32
    %dma_wait3A_62 = arith.constant 0 : i32
    %dma_wait3A_63 = arith.constant 0 : i32
    %dma_wait3A_64 = arith.constant 0 : i32
    %dma_wait3A_65 = tpu.memref_slice %arg10[%dma_wait3A_62, %dma_wait3A_63, %dma_wait3A_64] : memref<2x128x64xf32, #tpu.memory_space<vmem>> -> memref<1x128x64xf32, #tpu.memory_space<vmem>>
    %dma_wait3A_66 = tpu.memref_squeeze %dma_wait3A_65 : memref<1x128x64xf32, #tpu.memory_space<vmem>> -> memref<128x64xf32, #tpu.memory_space<vmem>>
    %dma_wait3A_67 = arith.constant 0 : i32
    %dma_wait3A_68 = tpu.memref_slice %arg8[%dma_wait3A, %dma_wait3A_67] : memref<2x128xi32, #tpu.memory_space<vmem>> -> memref<1x128xi32, #tpu.memory_space<vmem>>
    %dma_wait3A_69 = tpu.memref_squeeze %dma_wait3A_68 : memref<1x128xi32, #tpu.memory_space<vmem>> -> memref<128xi32, #tpu.memory_space<vmem>>
    %dma_wait3A_70 = arith.constant 0 : i32
    %dma_wait3A_71 = arith.constant 0 : i32
    %dma_wait3A_72 = tpu.memref_slice %arg2[%dma_wait3A_70, %dma_wait3A_71] : memref<10000x64xf32, #tpu.memory_space<hbm>> -> memref<10000x64xf32, #tpu.memory_space<hbm>>
    tpu.wait_indirect_dma semaphore(%arg12 : memref<!tpu.dma_semaphore, #tpu.memory_space<semaphore_mem>>) src(%dma_wait3A_72 : memref<10000x64xf32, #tpu.memory_space<hbm>>) dst(%dma_wait3A_66 : memref<128x64xf32, #tpu.memory_space<vmem>>)
    %dma_wait3A_73 = arith.constant 0 : i32
    %dma_wait3A_74 = arith.constant 0 : i32
    %dma_wait3A_75 = arith.constant 0 : i32
    %dma_wait3A_76 = arith.constant 0 : i32
    %dma_wait3A_77 = tpu.memref_slice %arg11[%dma_wait3A_74, %dma_wait3A_75, %dma_wait3A_76] : memref<2x128x64xf32, #tpu.memory_space<vmem>> -> memref<1x128x64xf32, #tpu.memory_space<vmem>>
    %dma_wait3A_78 = tpu.memref_squeeze %dma_wait3A_77 : memref<1x128x64xf32, #tpu.memory_space<vmem>> -> memref<128x64xf32, #tpu.memory_space<vmem>>
    %dma_wait3A_79 = arith.constant 0 : i32
    %dma_wait3A_80 = tpu.memref_slice %arg9[%dma_wait3A_73, %dma_wait3A_79] : memref<2x128xi32, #tpu.memory_space<vmem>> -> memref<1x128xi32, #tpu.memory_space<vmem>>
    %dma_wait3A_81 = tpu.memref_squeeze %dma_wait3A_80 : memref<1x128xi32, #tpu.memory_space<vmem>> -> memref<128xi32, #tpu.memory_space<vmem>>
    %dma_wait3A_82 = arith.constant 0 : i32
    %dma_wait3A_83 = arith.constant 0 : i32
    %dma_wait3A_84 = tpu.memref_slice %arg3[%dma_wait3A_82, %dma_wait3A_83] : memref<4096x64xf32, #tpu.memory_space<hbm>> -> memref<4096x64xf32, #tpu.memory_space<hbm>>
    tpu.wait_indirect_dma semaphore(%arg14 : memref<!tpu.dma_semaphore, #tpu.memory_space<semaphore_mem>>) src(%dma_wait3A_84 : memref<4096x64xf32, #tpu.memory_space<hbm>>) dst(%dma_wait3A_78 : memref<128x64xf32, #tpu.memory_space<vmem>>)
    %add3A_85 = arith.constant 2304 : i32
    %add3A_86 = arith.addi %mul3A_2, %add3A_85 : i32
    %dma_start3A_87 = arith.constant 0 : i32
    %dma_start3A_88 = arith.constant 0 : i32
    %dma_start3A_89 = arith.constant 0 : i32
    %dma_start3A_90 = tpu.memref_slice %arg10[%dma_start3A_87, %dma_start3A_88, %dma_start3A_89] : memref<2x128x64xf32, #tpu.memory_space<vmem>> -> memref<1x128x64xf32, #tpu.memory_space<vmem>>
    %dma_start3A_91 = tpu.memref_squeeze %dma_start3A_90 : memref<1x128x64xf32, #tpu.memory_space<vmem>> -> memref<128x64xf32, #tpu.memory_space<vmem>>
    %dma_start3A_92 = arith.constant 0 : i32
    %dma_start3A_93 = tpu.memref_slice %arg6[%add3A_86, %dma_start3A_92] : memref<81920x64xf32, #tpu.memory_space<hbm>> -> memref<128x64xf32, #tpu.memory_space<hbm>>
    %dma_start3A_94 = arith.constant 0 : i32
    %dma_start3A_95 = tpu.memref_slice %arg6[%add3A_86, %dma_start3A_94] : memref<81920x64xf32, #tpu.memory_space<hbm>> -> memref<128x64xf32, #tpu.memory_space<hbm>>
    %dma_start3A_96 = arith.constant 0 : i32
    %dma_start3A_97 = arith.constant 0 : i32
    %dma_start3A_98 = tpu.memref_slice %arg10[%dma_start3A_87, %dma_start3A_96, %dma_start3A_97] : memref<2x128x64xf32, #tpu.memory_space<vmem>> -> memref<1x128x64xf32, #tpu.memory_space<vmem>>
    %dma_start3A_99 = tpu.memref_squeeze %dma_start3A_98 : memref<1x128x64xf32, #tpu.memory_space<vmem>> -> memref<128x64xf32, #tpu.memory_space<vmem>>
    tpu.enqueue_dma source(%dma_start3A_99 : memref<128x64xf32, #tpu.memory_space<vmem>>) target(%dma_start3A_95 : memref<128x64xf32, #tpu.memory_space<hbm>>) target_semaphore(%arg16 : memref<!tpu.dma_semaphore, #tpu.memory_space<semaphore_mem>>)
    %dma_start3A_100 = arith.constant 0 : i32
    %dma_start3A_101 = arith.constant 0 : i32
    %dma_start3A_102 = arith.constant 0 : i32
    %dma_start3A_103 = tpu.memref_slice %arg11[%dma_start3A_100, %dma_start3A_101, %dma_start3A_102] : memref<2x128x64xf32, #tpu.memory_space<vmem>> -> memref<1x128x64xf32, #tpu.memory_space<vmem>>
    %dma_start3A_104 = tpu.memref_squeeze %dma_start3A_103 : memref<1x128x64xf32, #tpu.memory_space<vmem>> -> memref<128x64xf32, #tpu.memory_space<vmem>>
    %dma_start3A_105 = arith.constant 0 : i32
    %dma_start3A_106 = tpu.memref_slice %arg7[%add3A_86, %dma_start3A_105] : memref<81920x64xf32, #tpu.memory_space<hbm>> -> memref<128x64xf32, #tpu.memory_space<hbm>>
    %dma_start3A_107 = arith.constant 0 : i32
    %dma_start3A_108 = tpu.memref_slice %arg7[%add3A_86, %dma_start3A_107] : memref<81920x64xf32, #tpu.memory_space<hbm>> -> memref<128x64xf32, #tpu.memory_space<hbm>>
    %dma_start3A_109 = arith.constant 0 : i32
    %dma_start3A_110 = arith.constant 0 : i32
    %dma_start3A_111 = tpu.memref_slice %arg11[%dma_start3A_100, %dma_start3A_109, %dma_start3A_110] : memref<2x128x64xf32, #tpu.memory_space<vmem>> -> memref<1x128x64xf32, #tpu.memory_space<vmem>>
    %dma_start3A_112 = tpu.memref_squeeze %dma_start3A_111 : memref<1x128x64xf32, #tpu.memory_space<vmem>> -> memref<128x64xf32, #tpu.memory_space<vmem>>
    tpu.enqueue_dma source(%dma_start3A_112 : memref<128x64xf32, #tpu.memory_space<vmem>>) target(%dma_start3A_108 : memref<128x64xf32, #tpu.memory_space<hbm>>) target_semaphore(%arg18 : memref<!tpu.dma_semaphore, #tpu.memory_space<semaphore_mem>>)
    %dma_wait3A_113 = arith.constant 1 : i32
    %dma_wait3A_114 = arith.constant 1 : i32
    %dma_wait3A_115 = arith.constant 0 : i32
    %dma_wait3A_116 = arith.constant 0 : i32
    %dma_wait3A_117 = tpu.memref_slice %arg10[%dma_wait3A_114, %dma_wait3A_115, %dma_wait3A_116] : memref<2x128x64xf32, #tpu.memory_space<vmem>> -> memref<1x128x64xf32, #tpu.memory_space<vmem>>
    %dma_wait3A_118 = tpu.memref_squeeze %dma_wait3A_117 : memref<1x128x64xf32, #tpu.memory_space<vmem>> -> memref<128x64xf32, #tpu.memory_space<vmem>>
    %dma_wait3A_119 = arith.constant 0 : i32
    %dma_wait3A_120 = tpu.memref_slice %arg8[%dma_wait3A_113, %dma_wait3A_119] : memref<2x128xi32, #tpu.memory_space<vmem>> -> memref<1x128xi32, #tpu.memory_space<vmem>>
    %dma_wait3A_121 = tpu.memref_squeeze %dma_wait3A_120 : memref<1x128xi32, #tpu.memory_space<vmem>> -> memref<128xi32, #tpu.memory_space<vmem>>
    %dma_wait3A_122 = arith.constant 0 : i32
    %dma_wait3A_123 = arith.constant 0 : i32
    %dma_wait3A_124 = tpu.memref_slice %arg2[%dma_wait3A_122, %dma_wait3A_123] : memref<10000x64xf32, #tpu.memory_space<hbm>> -> memref<10000x64xf32, #tpu.memory_space<hbm>>
    tpu.wait_indirect_dma semaphore(%arg13 : memref<!tpu.dma_semaphore, #tpu.memory_space<semaphore_mem>>) src(%dma_wait3A_124 : memref<10000x64xf32, #tpu.memory_space<hbm>>) dst(%dma_wait3A_118 : memref<128x64xf32, #tpu.memory_space<vmem>>)
    %dma_wait3A_125 = arith.constant 1 : i32
    %dma_wait3A_126 = arith.constant 1 : i32
    %dma_wait3A_127 = arith.constant 0 : i32
    %dma_wait3A_128 = arith.constant 0 : i32
    %dma_wait3A_129 = tpu.memref_slice %arg11[%dma_wait3A_126, %dma_wait3A_127, %dma_wait3A_128] : memref<2x128x64xf32, #tpu.memory_space<vmem>> -> memref<1x128x64xf32, #tpu.memory_space<vmem>>
    %dma_wait3A_130 = tpu.memref_squeeze %dma_wait3A_129 : memref<1x128x64xf32, #tpu.memory_space<vmem>> -> memref<128x64xf32, #tpu.memory_space<vmem>>
    %dma_wait3A_131 = arith.constant 0 : i32
    %dma_wait3A_132 = tpu.memref_slice %arg9[%dma_wait3A_125, %dma_wait3A_131] : memref<2x128xi32, #tpu.memory_space<vmem>> -> memref<1x128xi32, #tpu.memory_space<vmem>>
    %dma_wait3A_133 = tpu.memref_squeeze %dma_wait3A_132 : memref<1x128xi32, #tpu.memory_space<vmem>> -> memref<128xi32, #tpu.memory_space<vmem>>
    %dma_wait3A_134 = arith.constant 0 : i32
    %dma_wait3A_135 = arith.constant 0 : i32
    %dma_wait3A_136 = tpu.memref_slice %arg3[%dma_wait3A_134, %dma_wait3A_135] : memref<4096x64xf32, #tpu.memory_space<hbm>> -> memref<4096x64xf32, #tpu.memory_space<hbm>>
    tpu.wait_indirect_dma semaphore(%arg15 : memref<!tpu.dma_semaphore, #tpu.memory_space<semaphore_mem>>) src(%dma_wait3A_136 : memref<4096x64xf32, #tpu.memory_space<hbm>>) dst(%dma_wait3A_130 : memref<128x64xf32, #tpu.memory_space<vmem>>)
    %add3A_137 = arith.constant 2432 : i32
    %add3A_138 = arith.addi %mul3A_2, %add3A_137 : i32
    %dma_start3A_139 = arith.constant 1 : i32
    %dma_start3A_140 = arith.constant 0 : i32
    %dma_start3A_141 = arith.constant 0 : i32
    %dma_start3A_142 = tpu.memref_slice %arg10[%dma_start3A_139, %dma_start3A_140, %dma_start3A_141] : memref<2x128x64xf32, #tpu.memory_space<vmem>> -> memref<1x128x64xf32, #tpu.memory_space<vmem>>
    %dma_start3A_143 = tpu.memref_squeeze %dma_start3A_142 : memref<1x128x64xf32, #tpu.memory_space<vmem>> -> memref<128x64xf32, #tpu.memory_space<vmem>>
    %dma_start3A_144 = arith.constant 0 : i32
    %dma_start3A_145 = tpu.memref_slice %arg6[%add3A_138, %dma_start3A_144] : memref<81920x64xf32, #tpu.memory_space<hbm>> -> memref<128x64xf32, #tpu.memory_space<hbm>>
    %dma_start3A_146 = arith.constant 0 : i32
    %dma_start3A_147 = tpu.memref_slice %arg6[%add3A_138, %dma_start3A_146] : memref<81920x64xf32, #tpu.memory_space<hbm>> -> memref<128x64xf32, #tpu.memory_space<hbm>>
    %dma_start3A_148 = arith.constant 0 : i32
    %dma_start3A_149 = arith.constant 0 : i32
    %dma_start3A_150 = tpu.memref_slice %arg10[%dma_start3A_139, %dma_start3A_148, %dma_start3A_149] : memref<2x128x64xf32, #tpu.memory_space<vmem>> -> memref<1x128x64xf32, #tpu.memory_space<vmem>>
    %dma_start3A_151 = tpu.memref_squeeze %dma_start3A_150 : memref<1x128x64xf32, #tpu.memory_space<vmem>> -> memref<128x64xf32, #tpu.memory_space<vmem>>
    tpu.enqueue_dma source(%dma_start3A_151 : memref<128x64xf32, #tpu.memory_space<vmem>>) target(%dma_start3A_147 : memref<128x64xf32, #tpu.memory_space<hbm>>) target_semaphore(%arg17 : memref<!tpu.dma_semaphore, #tpu.memory_space<semaphore_mem>>)
    %dma_start3A_152 = arith.constant 1 : i32
    %dma_start3A_153 = arith.constant 0 : i32
    %dma_start3A_154 = arith.constant 0 : i32
    %dma_start3A_155 = tpu.memref_slice %arg11[%dma_start3A_152, %dma_start3A_153, %dma_start3A_154] : memref<2x128x64xf32, #tpu.memory_space<vmem>> -> memref<1x128x64xf32, #tpu.memory_space<vmem>>
    %dma_start3A_156 = tpu.memref_squeeze %dma_start3A_155 : memref<1x128x64xf32, #tpu.memory_space<vmem>> -> memref<128x64xf32, #tpu.memory_space<vmem>>
    %dma_start3A_157 = arith.constant 0 : i32
    %dma_start3A_158 = tpu.memref_slice %arg7[%add3A_138, %dma_start3A_157] : memref<81920x64xf32, #tpu.memory_space<hbm>> -> memref<128x64xf32, #tpu.memory_space<hbm>>
    %dma_start3A_159 = arith.constant 0 : i32
    %dma_start3A_160 = tpu.memref_slice %arg7[%add3A_138, %dma_start3A_159] : memref<81920x64xf32, #tpu.memory_space<hbm>> -> memref<128x64xf32, #tpu.memory_space<hbm>>
    %dma_start3A_161 = arith.constant 0 : i32
    %dma_start3A_162 = arith.constant 0 : i32
    %dma_start3A_163 = tpu.memref_slice %arg11[%dma_start3A_152, %dma_start3A_161, %dma_start3A_162] : memref<2x128x64xf32, #tpu.memory_space<vmem>> -> memref<1x128x64xf32, #tpu.memory_space<vmem>>
    %dma_start3A_164 = tpu.memref_squeeze %dma_start3A_163 : memref<1x128x64xf32, #tpu.memory_space<vmem>> -> memref<128x64xf32, #tpu.memory_space<vmem>>
    tpu.enqueue_dma source(%dma_start3A_164 : memref<128x64xf32, #tpu.memory_space<vmem>>) target(%dma_start3A_160 : memref<128x64xf32, #tpu.memory_space<hbm>>) target_semaphore(%arg19 : memref<!tpu.dma_semaphore, #tpu.memory_space<semaphore_mem>>)
    %dma_wait3A_165 = arith.constant 0 : i32
    %dma_wait3A_166 = arith.constant 0 : i32
    %dma_wait3A_167 = arith.constant 0 : i32
    %dma_wait3A_168 = tpu.memref_slice %arg10[%dma_wait3A_165, %dma_wait3A_166, %dma_wait3A_167] : memref<2x128x64xf32, #tpu.memory_space<vmem>> -> memref<1x128x64xf32, #tpu.memory_space<vmem>>
    %dma_wait3A_169 = tpu.memref_squeeze %dma_wait3A_168 : memref<1x128x64xf32, #tpu.memory_space<vmem>> -> memref<128x64xf32, #tpu.memory_space<vmem>>
    %dma_wait3A_170 = arith.constant 0 : i32
    %dma_wait3A_171 = tpu.memref_slice %arg6[%mul3A_2, %dma_wait3A_170] : memref<81920x64xf32, #tpu.memory_space<hbm>> -> memref<128x64xf32, #tpu.memory_space<hbm>>
    %dma_wait3A_172 = arith.constant 0 : i32
    %dma_wait3A_173 = tpu.memref_slice %arg6[%mul3A_2, %dma_wait3A_172] : memref<81920x64xf32, #tpu.memory_space<hbm>> -> memref<128x64xf32, #tpu.memory_space<hbm>>
    %dma_wait3A_174 = arith.constant 0 : i32
    %dma_wait3A_175 = arith.constant 0 : i32
    %dma_wait3A_176 = tpu.memref_slice %arg10[%dma_wait3A_165, %dma_wait3A_174, %dma_wait3A_175] : memref<2x128x64xf32, #tpu.memory_space<vmem>> -> memref<1x128x64xf32, #tpu.memory_space<vmem>>
    %dma_wait3A_177 = tpu.memref_squeeze %dma_wait3A_176 : memref<1x128x64xf32, #tpu.memory_space<vmem>> -> memref<128x64xf32, #tpu.memory_space<vmem>>
    tpu.wait_dma2 semaphore(%arg16 : memref<!tpu.dma_semaphore, #tpu.memory_space<semaphore_mem>>) src(%dma_wait3A_177 : memref<128x64xf32, #tpu.memory_space<vmem>>) dst(%dma_wait3A_173 : memref<128x64xf32, #tpu.memory_space<hbm>>)
    %dma_wait3A_178 = arith.constant 0 : i32
    %dma_wait3A_179 = arith.constant 0 : i32
    %dma_wait3A_180 = arith.constant 0 : i32
    %dma_wait3A_181 = tpu.memref_slice %arg11[%dma_wait3A_178, %dma_wait3A_179, %dma_wait3A_180] : memref<2x128x64xf32, #tpu.memory_space<vmem>> -> memref<1x128x64xf32, #tpu.memory_space<vmem>>
    %dma_wait3A_182 = tpu.memref_squeeze %dma_wait3A_181 : memref<1x128x64xf32, #tpu.memory_space<vmem>> -> memref<128x64xf32, #tpu.memory_space<vmem>>
    %dma_wait3A_183 = arith.constant 0 : i32
    %dma_wait3A_184 = tpu.memref_slice %arg7[%mul3A_2, %dma_wait3A_183] : memref<81920x64xf32, #tpu.memory_space<hbm>> -> memref<128x64xf32, #tpu.memory_space<hbm>>
    %dma_wait3A_185 = arith.constant 0 : i32
    %dma_wait3A_186 = tpu.memref_slice %arg7[%mul3A_2, %dma_wait3A_185] : memref<81920x64xf32, #tpu.memory_space<hbm>> -> memref<128x64xf32, #tpu.memory_space<hbm>>
    %dma_wait3A_187 = arith.constant 0 : i32
    %dma_wait3A_188 = arith.constant 0 : i32
    %dma_wait3A_189 = tpu.memref_slice %arg11[%dma_wait3A_178, %dma_wait3A_187, %dma_wait3A_188] : memref<2x128x64xf32, #tpu.memory_space<vmem>> -> memref<1x128x64xf32, #tpu.memory_space<vmem>>
    %dma_wait3A_190 = tpu.memref_squeeze %dma_wait3A_189 : memref<1x128x64xf32, #tpu.memory_space<vmem>> -> memref<128x64xf32, #tpu.memory_space<vmem>>
    tpu.wait_dma2 semaphore(%arg18 : memref<!tpu.dma_semaphore, #tpu.memory_space<semaphore_mem>>) src(%dma_wait3A_190 : memref<128x64xf32, #tpu.memory_space<vmem>>) dst(%dma_wait3A_186 : memref<128x64xf32, #tpu.memory_space<hbm>>)
    %dma_wait3A_191 = arith.constant 1 : i32
    %dma_wait3A_192 = arith.constant 0 : i32
    %dma_wait3A_193 = arith.constant 0 : i32
    %dma_wait3A_194 = tpu.memref_slice %arg10[%dma_wait3A_191, %dma_wait3A_192, %dma_wait3A_193] : memref<2x128x64xf32, #tpu.memory_space<vmem>> -> memref<1x128x64xf32, #tpu.memory_space<vmem>>
    %dma_wait3A_195 = tpu.memref_squeeze %dma_wait3A_194 : memref<1x128x64xf32, #tpu.memory_space<vmem>> -> memref<128x64xf32, #tpu.memory_space<vmem>>
    %dma_wait3A_196 = arith.constant 0 : i32
    %dma_wait3A_197 = tpu.memref_slice %arg6[%mul3A_2, %dma_wait3A_196] : memref<81920x64xf32, #tpu.memory_space<hbm>> -> memref<128x64xf32, #tpu.memory_space<hbm>>
    %dma_wait3A_198 = arith.constant 0 : i32
    %dma_wait3A_199 = tpu.memref_slice %arg6[%mul3A_2, %dma_wait3A_198] : memref<81920x64xf32, #tpu.memory_space<hbm>> -> memref<128x64xf32, #tpu.memory_space<hbm>>
    %dma_wait3A_200 = arith.constant 0 : i32
    %dma_wait3A_201 = arith.constant 0 : i32
    %dma_wait3A_202 = tpu.memref_slice %arg10[%dma_wait3A_191, %dma_wait3A_200, %dma_wait3A_201] : memref<2x128x64xf32, #tpu.memory_space<vmem>> -> memref<1x128x64xf32, #tpu.memory_space<vmem>>
    %dma_wait3A_203 = tpu.memref_squeeze %dma_wait3A_202 : memref<1x128x64xf32, #tpu.memory_space<vmem>> -> memref<128x64xf32, #tpu.memory_space<vmem>>
    tpu.wait_dma2 semaphore(%arg17 : memref<!tpu.dma_semaphore, #tpu.memory_space<semaphore_mem>>) src(%dma_wait3A_203 : memref<128x64xf32, #tpu.memory_space<vmem>>) dst(%dma_wait3A_199 : memref<128x64xf32, #tpu.memory_space<hbm>>)
    %dma_wait3A_204 = arith.constant 1 : i32
    %dma_wait3A_205 = arith.constant 0 : i32
    %dma_wait3A_206 = arith.constant 0 : i32
    %dma_wait3A_207 = tpu.memref_slice %arg11[%dma_wait3A_204, %dma_wait3A_205, %dma_wait3A_206] : memref<2x128x64xf32, #tpu.memory_space<vmem>> -> memref<1x128x64xf32, #tpu.memory_space<vmem>>
    %dma_wait3A_208 = tpu.memref_squeeze %dma_wait3A_207 : memref<1x128x64xf32, #tpu.memory_space<vmem>> -> memref<128x64xf32, #tpu.memory_space<vmem>>
    %dma_wait3A_209 = arith.constant 0 : i32
    %dma_wait3A_210 = tpu.memref_slice %arg7[%mul3A_2, %dma_wait3A_209] : memref<81920x64xf32, #tpu.memory_space<hbm>> -> memref<128x64xf32, #tpu.memory_space<hbm>>
    %dma_wait3A_211 = arith.constant 0 : i32
    %dma_wait3A_212 = tpu.memref_slice %arg7[%mul3A_2, %dma_wait3A_211] : memref<81920x64xf32, #tpu.memory_space<hbm>> -> memref<128x64xf32, #tpu.memory_space<hbm>>
    %dma_wait3A_213 = arith.constant 0 : i32
    %dma_wait3A_214 = arith.constant 0 : i32
    %dma_wait3A_215 = tpu.memref_slice %arg11[%dma_wait3A_204, %dma_wait3A_213, %dma_wait3A_214] : memref<2x128x64xf32, #tpu.memory_space<vmem>> -> memref<1x128x64xf32, #tpu.memory_space<vmem>>
    %dma_wait3A_216 = tpu.memref_squeeze %dma_wait3A_215 : memref<1x128x64xf32, #tpu.memory_space<vmem>> -> memref<128x64xf32, #tpu.memory_space<vmem>>
    tpu.wait_dma2 semaphore(%arg19 : memref<!tpu.dma_semaphore, #tpu.memory_space<semaphore_mem>>) src(%dma_wait3A_216 : memref<128x64xf32, #tpu.memory_space<vmem>>) dst(%dma_wait3A_212 : memref<128x64xf32, #tpu.memory_space<hbm>>)
    return
  }
}

module attributes {stable_mosaic.version = 14 : i64} {
  func.func @_h_body(%arg0: memref<4096x4xf32, #tpu.memory_space<vmem>>, %arg1: memref<4x64xf32, #tpu.memory_space<vmem>>, %arg2: memref<1x64xf32, #tpu.memory_space<vmem>>, %arg3: memref<4096x64xf32, #tpu.memory_space<vmem>>) attributes {dimension_semantics = [], scalar_prefetch = 0 : i64, scratch_operands = 0 : i64, tpu.core_type = #tpu.core_type<tc>} {
    %get3A = arith.constant 0 : index
    %get3A_0 = arith.constant 0 : index
    %get3A_1 = vector.load %arg0[%get3A, %get3A_0] : memref<4096x4xf32, #tpu.memory_space<vmem>>, vector<4096x4xf32>
    %get3A_2 = arith.constant 0 : index
    %get3A_3 = arith.constant 0 : index
    %get3A_4 = vector.load %arg1[%get3A_2, %get3A_3] : memref<4x64xf32, #tpu.memory_space<vmem>>, vector<4x64xf32>
    %dot_general3A = arith.constant dense<0.000000e+00> : vector<4096x64xf32>
    %dot_general3A_5 = tpu.matmul %get3A_1, %get3A_4, %dot_general3A {dimension_numbers = #tpu.dot_dimension_numbers<[1], [0], [0], [1], [0, 0, 1, 1], [], []>, transpose_lhs_hint = false} : vector<4096x4xf32>, vector<4x64xf32>, vector<4096x64xf32> -> vector<4096x64xf32>
    %get3A_6 = arith.constant 0 : index
    %get3A_7 = arith.constant 0 : index
    %get3A_8 = vector.load %arg2[%get3A_6, %get3A_7] : memref<1x64xf32, #tpu.memory_space<vmem>>, vector<1x64xf32>
    %add3A = vector.broadcast %get3A_8 : vector<1x64xf32> to vector<4096x64xf32>
    %add3A_9 = arith.addf %dot_general3A_5, %add3A : vector<4096x64xf32>
    %max3A = arith.constant 0.000000e+00 : f32
    %max3A_10 = vector.broadcast %max3A : f32 to vector<4096x64xf32>
    %max3A_11 = arith.maximumf %add3A_9, %max3A_10 : vector<4096x64xf32>
    %swap3A = arith.constant 0 : index
    %swap3A_12 = arith.constant 0 : index
    %swap3A_13 = vector.load %arg3[%swap3A, %swap3A_12] : memref<4096x64xf32, #tpu.memory_space<vmem>>, vector<4096x64xf32>
    tpu.vector_store %arg3[%swap3A, %swap3A_12], %max3A_11 {strides = array<i32>} : memref<4096x64xf32, #tpu.memory_space<vmem>>, vector<4096x64xf32>,
    return
  }
}

module attributes {stable_mosaic.version = 14 : i64} {
  func.func @_conv_body(%arg0: i32, %arg1: memref<3200x64xf32, #tpu.memory_space<vmem>>, %arg2: memref<3200x64xf32, #tpu.memory_space<vmem>>, %arg3: memref<4096x32xf32, #tpu.memory_space<vmem>>, %arg4: memref<64x32xf32, #tpu.memory_space<vmem>>, %arg5: memref<200x1xf32, #tpu.memory_space<vmem>>, %arg6: memref<200x32xf32, #tpu.memory_space<vmem>>) attributes {dimension_semantics = [#tpu.dimension_semantics<arbitrary>], iteration_bounds = array<i64: 25>, scalar_prefetch = 0 : i64, scratch_operands = 0 : i64, tpu.core_type = #tpu.core_type<tc>, window_params = [{transform_indices = @transform_0, window_bounds = array<i64: 3200, 64>}, {transform_indices = @transform_1, window_bounds = array<i64: 3200, 64>}, {pipeline_mode = #tpu.pipeline_mode<synchronous>, transform_indices = @transform_2, window_bounds = array<i64: 4096, 32>}, {pipeline_mode = #tpu.pipeline_mode<synchronous>, transform_indices = @transform_3, window_bounds = array<i64: 64, 32>}, {transform_indices = @transform_4, window_bounds = array<i64: 200, 1>}, {transform_indices = @transform_5, window_bounds = array<i64: 200, 32>}]} {
    %get3A = arith.constant 0 : index
    %get3A_0 = arith.constant 0 : index
    %get3A_1 = vector.load %arg1[%get3A, %get3A_0] : memref<3200x64xf32, #tpu.memory_space<vmem>>, vector<3200x64xf32>
    %reshape3A = vector.shape_cast %get3A_1 : vector<3200x64xf32> to vector<200x16x64xf32>
    %get3A_2 = arith.constant 0 : index
    %get3A_3 = arith.constant 0 : index
    %get3A_4 = vector.load %arg2[%get3A_2, %get3A_3] : memref<3200x64xf32, #tpu.memory_space<vmem>>, vector<3200x64xf32>
    %reshape3A_5 = vector.shape_cast %get3A_4 : vector<3200x64xf32> to vector<200x16x64xf32>
    %dot_general3A = arith.constant dense<0.000000e+00> : vector<200x64x64xf32>
    %dot_general3A_6 = tpu.matmul %reshape3A, %reshape3A_5, %dot_general3A {dimension_numbers = #tpu.dot_dimension_numbers<[1], [1], [2], [2], [0, 0, 0, 2, 1, 2], [0], [0]>, transpose_lhs_hint = false} : vector<200x16x64xf32>, vector<200x16x64xf32>, vector<200x64x64xf32> -> vector<200x64x64xf32>
    %reshape3A_7 = vector.shape_cast %dot_general3A_6 : vector<200x64x64xf32> to vector<200x4096xf32>
    %get3A_8 = arith.constant 0 : index
    %get3A_9 = arith.constant 0 : index
    %get3A_10 = vector.load %arg3[%get3A_8, %get3A_9] : memref<4096x32xf32, #tpu.memory_space<vmem>>, vector<4096x32xf32>
    %dot_general3A_11 = arith.constant dense<0.000000e+00> : vector<200x32xf32>
    %dot_general3A_12 = tpu.matmul %reshape3A_7, %get3A_10, %dot_general3A_11 {dimension_numbers = #tpu.dot_dimension_numbers<[1], [0], [0], [1], [0, 0, 1, 1], [], []>, transpose_lhs_hint = false} : vector<200x4096xf32>, vector<4096x32xf32>, vector<200x32xf32> -> vector<200x32xf32>
    %reduce_sum3A = arith.constant dense<0.000000e+00> : vector<200x64xf32>
    %reduce_sum3A_13 = vector.multi_reduction <add>, %reshape3A, %reduce_sum3A [1] : vector<200x16x64xf32> to vector<200x64xf32>
    %get3A_14 = arith.constant 0 : index
    %get3A_15 = arith.constant 0 : index
    %get3A_16 = vector.load %arg4[%get3A_14, %get3A_15] : memref<64x32xf32, #tpu.memory_space<vmem>>, vector<64x32xf32>
    %dot_general3A_17 = arith.constant dense<0.000000e+00> : vector<200x32xf32>
    %dot_general3A_18 = tpu.matmul %reduce_sum3A_13, %get3A_16, %dot_general3A_17 {dimension_numbers = #tpu.dot_dimension_numbers<[1], [0], [0], [1], [0, 0, 1, 1], [], []>, transpose_lhs_hint = false} : vector<200x64xf32>, vector<64x32xf32>, vector<200x32xf32> -> vector<200x32xf32>
    %add3A = arith.addf %dot_general3A_12, %dot_general3A_18 : vector<200x32xf32>
    %get3A_19 = arith.constant 0 : index
    %get3A_20 = arith.constant 0 : index
    %get3A_21 = vector.load %arg5[%get3A_19, %get3A_20] : memref<200x1xf32, #tpu.memory_space<vmem>>, vector<200x1xf32>
    %gt3A = arith.constant 0.000000e+00 : f32
    %gt3A_22 = vector.broadcast %gt3A : f32 to vector<200x1xf32>
    %gt3A_23 = arith.cmpf ogt, %get3A_21, %gt3A_22 : vector<200x1xf32>
    %max3A = arith.constant 1.000000e+00 : f32
    %max3A_24 = vector.broadcast %max3A : f32 to vector<200x1xf32>
    %max3A_25 = arith.maximumf %get3A_21, %max3A_24 : vector<200x1xf32>
    %div3A = vector.broadcast %max3A_25 : vector<200x1xf32> to vector<200x32xf32>
    %div3A_26 = arith.divf %add3A, %div3A : vector<200x32xf32>
    %jit3A = arith.constant 0.000000e+00 : f32
    %broadcast_in_dim3A = vector.shape_cast %gt3A_23 : vector<200x1xi1> to vector<200x1xi1>
    %broadcast_in_dim3A_27 = vector.broadcast %broadcast_in_dim3A : vector<200x1xi1> to vector<200x32xi1>
    %broadcast_in_dim3A_28 = vector.broadcast %jit3A : f32 to vector<200x32xf32>
    %select_n3A = arith.select %broadcast_in_dim3A_27, %div3A_26, %broadcast_in_dim3A_28 : vector<200x32xi1>, vector<200x32xf32>
    %swap3A = arith.constant 0 : index
    %swap3A_29 = arith.constant 0 : index
    %swap3A_30 = vector.load %arg6[%swap3A, %swap3A_29] : memref<200x32xf32, #tpu.memory_space<vmem>>, vector<200x32xf32>
    tpu.vector_store %arg6[%swap3A, %swap3A_29], %select_n3A {strides = array<i32>} : memref<200x32xf32, #tpu.memory_space<vmem>>, vector<200x32xf32>,
    return
  }
  func.func @transform_0(%arg0: i32) -> (i32, i32) {
    %c0_i32 = arith.constant 0 : i32
    %c0_i32_0 = arith.constant 0 : i32
    return %arg0, %c0_i32 : i32, i32
  }
  func.func @transform_1(%arg0: i32) -> (i32, i32) {
    %c0_i32 = arith.constant 0 : i32
    %c0_i32_0 = arith.constant 0 : i32
    return %arg0, %c0_i32 : i32, i32
  }
  func.func @transform_2(%arg0: i32) -> (i32, i32) {
    %c0_i32 = arith.constant 0 : i32
    %c0_i32_0 = arith.constant 0 : i32
    %c0_i32_1 = arith.constant 0 : i32
    return %c0_i32, %c0_i32_0 : i32, i32
  }
  func.func @transform_3(%arg0: i32) -> (i32, i32) {
    %c0_i32 = arith.constant 0 : i32
    %c0_i32_0 = arith.constant 0 : i32
    %c0_i32_1 = arith.constant 0 : i32
    return %c0_i32, %c0_i32_0 : i32, i32
  }
  func.func @transform_4(%arg0: i32) -> (i32, i32) {
    %c0_i32 = arith.constant 0 : i32
    %c0_i32_0 = arith.constant 0 : i32
    return %arg0, %c0_i32 : i32, i32
  }
  func.func @transform_5(%arg0: i32) -> (i32, i32) {
    %c0_i32 = arith.constant 0 : i32
    %c0_i32_0 = arith.constant 0 : i32
    return %arg0, %c0_i32 : i32, i32
  }
}

</mosaic_0001>

<sc_bundles>
// kernel: kernel.10.cloned.1.call-start
scs
__scs_entry_jumppad:
0x0: {  	(pc) =	sbr.rel $0x88, $3  }
0x1: {  	(tag) =	ssettag $0x0;
	lr =	simm.s32 $0x1  }
0x2: {  	[smem:$0x3F98] =	sst lr;
	_ =	strace $0xD0000000  }
0x3: {  	_ = 	snop  }
0x4: {  	_ = 	snop  }
0x5: {  	_ = 	snop  }
0x6: {  	_ = 	snop  }
0x7: {  	_ = 	snop  }
__scs_overlays_trampoline_lowered:
0x8: {  	[smem:$0x3FA7] =	sst s0  }
0x9: {  	[smem:$0x3FA8] =	sst s1  }
0xa: {  	[smem:$0x3FA9] =	sst s2  }
0xb: {  	[smem:$0x3FAA] =	sst s3  }
0xc: {  	[smem:$0x3FAB] =	sst s4  }
0xd: {  	[smem:$0x3FAC] =	sst s5  }
0xe: {  	[smem:$0x3FAD] =	sst s6  }
0xf: {  	[smem:$0x3FAE] =	sst s7  }
0x10: {  	[smem:$0x3FAF] =	sst s8  }
0x11: {  	[smem:$0x3FB0] =	sst s9;
	s0 =	simm.s32 @!p0 $0x0  }
0x12: {  	s1 =	sld [smem:$0x3F96];
	s0 =	simm.s32 @p0 $0x1  }
0x13: {  	[smem:$0x3FB1] =	sst s0;
	s0 =	simm.s32 @!p1 $0x0  }
0x14: {  	s2 =	sld [smem:$0x3F95];
	s0 =	simm.s32 @p1 $0x1  }
0x15: {  	[smem:$0x3FB2] =	sst s0;
	s0 =	simm.s32 @!p2 $0x0  }
0x16: {  	s3 =	sld [smem:$0x3FDB];
	s0 =	simm.s32 @p2 $0x1  }
0x17: {  	s4 =	simm.s32 $0x1BF5;
	[smem:$0x3FB4] =	sst s0  }
0x18: {  	s0 =	sld [smem:$0x3F97];
	_ =	swait.ge [sflag:s4], $0x0  }
0x19: {  	s7 =	sld [smem:$0x3F98]  }
0x1a: {  	s8 =	sadd.s32 $0xFFFFE003, lr  }
0x1b: {  	s9 =	sadd.s32 $0xFFFFFEF7, lr;
	s5 =	simm.s32 $0xFFFFFFFF;
	p2 =	slt.u32 s8, $0xFFFFF086  }
0x1c: {  	p1 =	slt.u32 s9, $0xF7A;
	s5 =	simm.s32 @!p2 $0x0  }
0x1d: {  	s5 =	simm.s32 @p1 $0x1;
	p0 =	seq.s32 s7, s2  }
0x1e: {  	s7 =	smul.u32 @!p0 $0xF7A, s2;
	p2 =	seq.s32 @!p0 s5, $0x0  }
0x1f: {  	s9 =	smul.u32 $0xF7A, s1;
	s8 =	simm.s32 @!p0 $0x1BF5;
	p2 =	por !p2, p0  }
0x20: {  	[sflag:s8] =	ssyncset.s32 @!p0 $0xFFFFF086;
	s6 =	sadd.s32 @!p0 s3, s7;
	s7 =	simm.s32 @!p0 $0x108  }
0x21: {  	s3 =	sadd.s32 s3, s9;
	s6 =	sadd.s32 @!p0 $0x88, s6;
	s7 =	simm.s32 @p2 $0x1082  }
0x22: {  	[simem:s7], [sflag:s8] =	dma.local @!p0 [hbm:s6], $0xF7A  }
0x23: {  	s9 =	sor.u32 $0xD0000000, s2;
	s6 =	simm.s32 $0x108;
	_ =	swait.ge @!p0 [sflag:s8], $0x0  }
0x24: {  	s3 =	sadd.s32 $0x88, s3;
	s6 =	simm.s32 @!p1 $0x1082;
	[sflag:s4] =	ssyncset.s32 $0xFFFFF086  }
0x25: {  	[simem:s6], [sflag:s4] =	dma.local [hbm:s3], $0xF7A  }
0x26: {  	[smem:$0x3F98] =	sst s1;
	(tag) =	ssettag s2;
	_ =	strace s9  }
0x27: {  	s1 =	sld [smem:$0x3FA8]  }
0x28: {  	s2 =	sld [smem:$0x3FA9]  }
0x29: {  	s4 =	sld [smem:$0x3FAB]  }
0x2a: {  	p0 =	seq.s32 s5, $0x0;
	s5 =	sld [smem:$0x3FAC]  }
0x2b: {  	s6 =	sld [smem:$0x3FAD]  }
0x2c: {  	s7 =	sld [smem:$0x3FAE]  }
0x2d: {  	s3 =	simm.s32 $0x108;
	s8 =	sld [smem:$0x3FAF]  }
0x2e: {  	s3 =	simm.s32 @!p0 $0x1082;
	s9 =	sld [smem:$0x3FB0]  }
0x2f: {  	lr =	sadd.s32 s0, s3;
	s0 =	sld [smem:$0x3FA7]  }
0x30: {  	s3 =	sld [smem:$0x3FAA]  }
0x31: {  	[smem:$0x3FB3] =	sst s10  }
0x32: {  	s10 =	sld [smem:$0x3FB1];
	_ =	sdelay $0x3  }
0x33: {  	p0 =	seq.s32 s10, $0x1;
	s10 =	sld [smem:$0x3FB3];
	_ =	sdelay $0x3  }
0x34: {  	[smem:$0x3FB3] =	sst s10  }
0x35: {  	s10 =	sld [smem:$0x3FB2];
	_ =	sdelay $0x3  }
0x36: {  	p1 =	seq.s32 s10, $0x1;
	s10 =	sld [smem:$0x3FB3];
	_ =	sdelay $0x3  }
0x37: {  	[smem:$0x3FB3] =	sst s10  }
0x38: {  	s10 =	sld [smem:$0x3FB4]  }
0x39: {  	_ = 	snop;
	(pc) =	sbr.ind lr, $3  }
0x3a: {  	_ = 	snop  }
0x3b: {  	_ = 	snop  }
0x3c: {  	p2 =	seq.s32 s10, $0x1;
	s10 =	sld [smem:$0x3FB3]  }
0x3d: {  	_ =	shalt  }
0x3e: {  	_ =	shalt  }
0x3f: {  	_ =	shalt  }
0x40: {  	_ =	shalt  }
0x41: {  	_ =	shalt  }
0x42: {  	_ =	shalt  }
0x43: {  	_ =	shalt  }
0x44: {  	_ =	shalt  }
0x45: {  	_ =	shalt  }
0x46: {  	_ =	shalt  }
0x47: {  	_ =	shalt  }
0x48: {  	_ =	shalt  }
0x49: {  	_ =	shalt  }
0x4a: {  	_ =	shalt  }
0x4b: {  	_ =	shalt  }
0x4c: {  	_ =	shalt  }
0x4d: {  	_ =	shalt  }
0x4e: {  	_ =	shalt  }
0x4f: {  	_ =	shalt  }
0x50: {  	_ =	shalt  }
0x51: {  	_ =	shalt  }
0x52: {  	_ =	shalt  }
0x53: {  	_ =	shalt  }
0x54: {  	_ =	shalt  }
0x55: {  	_ =	shalt  }
0x56: {  	_ =	shalt  }
0x57: {  	_ =	shalt  }
0x58: {  	_ =	shalt  }
0x59: {  	_ =	shalt  }
0x5a: {  	_ =	shalt  }
0x5b: {  	_ =	shalt  }
0x5c: {  	_ =	shalt  }
0x5d: {  	_ =	shalt  }
0x5e: {  	_ =	shalt  }
0x5f: {  	_ =	shalt  }
0x60: {  	_ =	shalt  }
0x61: {  	_ =	shalt  }
0x62: {  	_ =	shalt  }
0x63: {  	_ =	shalt  }
0x64: {  	_ =	shalt  }
0x65: {  	_ =	shalt  }
0x66: {  	_ =	shalt  }
0x67: {  	_ =	shalt  }
0x68: {  	_ =	shalt  }
0x69: {  	_ =	shalt  }
0x6a: {  	_ =	shalt  }
0x6b: {  	_ =	shalt  }
0x6c: {  	_ =	shalt  }
0x6d: {  	_ =	shalt  }
0x6e: {  	_ =	shalt  }
0x6f: {  	_ =	shalt  }
0x70: {  	_ =	shalt  }
0x71: {  	_ =	shalt  }
0x72: {  	_ =	shalt  }
0x73: {  	_ =	shalt  }
0x74: {  	_ =	shalt  }
0x75: {  	_ =	shalt  }
0x76: {  	_ =	shalt  }
0x77: {  	_ =	shalt  }
0x78: {  	_ =	shalt  }
0x79: {  	_ =	shalt  }
0x7a: {  	_ =	shalt  }
0x7b: {  	_ =	shalt  }
0x7c: {  	_ =	shalt  }
0x7d: {  	_ =	shalt  }
0x7e: {  	_ =	shalt  }
0x7f: {  	_ =	shalt  }
0x80: {  	_ =	shalt  }
0x81: {  	_ =	shalt  }
0x82: {  	_ =	shalt  }
0x83: {  	_ =	shalt  }
0x84: {  	_ =	shalt  }
0x85: {  	_ =	shalt  }
0x86: {  	_ =	shalt  }
0x87: {  	_ =	shalt  }
.Lfunc_end0:
.L_simem_size_0:
called_computation.1_lowered:
.L_overlay_start_0:
0x88: {  	s2 =	sld [smem:$0x3FD9]  }
0x89: {  	s3 =	sld [smem:$0x3FFE];
	_ =	sdelay $0x1  }
0x8a: {  	s1 =	srdreg.scid  }
0x8b: {  	s0 =	sand.u32 $0x1, s1  }
0x8c: {  	s17 =	sshll.u32 s0, $0xA;
	s2 =	sadd.s32 s3, s2  }
0x8d: {  	s2 =	sadd.s32 s2, s17  }
0x8e: {  	[smem:$0x3FBF] =	sst s2  }
0x8f: {  	_ = 	snop  }
0x90: {  	s18 =	sld [smem:$0x3FD0];
	(tm) =	ssettm $0x1  }
0x91: {  	s19 =	sld [smem:$0x3FFB];
	_ =	sdelay $0x3  }
0x92: {  	_ =	strace s19  }
0x93: {  	s2 =	sld [smem:$0x3FFC];
	_ =	sdelay $0x3  }
0x94: {  	_ =	strace s2  }
0x95: {  	s2 =	sld [smem:$0x3FFD];
	_ =	sdelay $0x3  }
0x96: {  	_ =	strace s2  }
0x97: {  	_ =	strace $0x8FFFFFFF  }
0x98: {  	s20 =	sld [smem:$0x3FDB];
	_ =	sdelay $0x1  }
0x99: {  	s4 =	simm.s32 $_scs_section_size  }
0x9a: {  	s5 =	simm.s32 $_size__tile_overlayer_lowered;
	s6 =	simm.s32 $_tile_overlayer_lowered  }
0x9b: {  	s7 =	simm.s32 $0x1BFF;
	s21 =	sshll.u32 s6, $0x1;
	s4 =	sadd.s32 s4, s20  }
0x9c: {  	s22 =	simm.s32 $0x0;
	s5 =	sshll.u32 s5, $0x1;
	s6 =	sadd.s32 s21, s4  }
0x9d: {  	[timem:s22], [sflag:s7] =	dma.local [hbm:s6], s5  }
0x9e: {  	_ =	swait.ge [sflag:s7], s5  }
0x9f: {  	s5 =	ssub.s32 $0x0, s5;
	[sflag:s7] =	ssyncset.done $0x0  }
0xa0: {  	[sflag:s7] =	ssyncadd.s32 s5;
	_ =	sdelay $0x1  }
0xa1: {  	s23 =	simm.s32 $0x1B8B  }
0xa2: {  	_ =	swait.ge [sflag:s23], $0x1  }
0xa3: {  	[sflag:s23] =	ssyncset.done $0x0  }
0xa4: {  	[sflag:s23] =	ssyncadd.s32 $0xFFFFFFFF  }
0xa5: {  	s5 =	sld [smem:$0x0]  }
0xa6: {  	s6 =	sand.u32 $0xFFFFFFFE, s1  }
0xa7: {  	p0 =	sne.s32 s1, s6  }
0xa8: {  	s6 =	sshll.u32 @p0 s6, $0xE  }
0xa9: {  	s6 =	sadd.s32 @p0 $0x11B8D, s6;
	s7 =	sshll.u32 @p0 s5, $0x11  }
0xaa: {  	s6 =	sor.u32 @p0 s7, s6  }
0xab: {  	[sflag:s6] =	ssyncadd.remote.s32 @p0 $0x1;
	_ =	sdelay $0x1  }
0xac: {  	s6 =	simm.s32 @p0 $0x1B8D  }
0xad: {  	_ =	swait.eq @p0 [sflag:s6], $0x1  }
0xae: {  	[sflag:s6] =	ssyncadd.s32 @p0 $0xFFFFFFFF  }
0xaf: {  	s7 =	sshll.u32 @!p0 s1, $0xE  }
0xb0: {  	s7 =	sor.u32 @!p0 $0x4000, s7;
	s6 =	simm.s32 @!p0 $0x1B8D  }
0xb1: {  	s5 =	sshll.u32 @!p0 s5, $0x11;
	s7 =	sadd.s32 @!p0 $0x11B8D, s7;
	_ =	swait.eq @!p0 [sflag:s6], $0x1  }
0xb2: {  	s5 =	sor.u32 @!p0 s5, s7;
	[sflag:s6] =	ssyncadd.s32 @!p0 $0xFFFFFFFF  }
0xb3: {  	s25 =	simm.s32 $0x1B8E;
	s24 =	sld [smem:$0x3FFE];
	[sflag:s5] =	ssyncadd.remote.s32 @!p0 $0x1  }
0xb4: {  	s26 =	simm.s32 $execute0_lowered;
	[smem:$0x3FD2] =	sst s25  }
0xb5: {  	s6 =	sshll.u32 s26, $0x1;
	_ =	strace $0x80000049;
	[dreg:$0x1] =	wrdreg $0xFFFFFFFF  }
0xb6: {  	s28 =	simm.s32 $_size_execute0_lowered;
	s4 =	sadd.s32 s4, s6;
	[dreg:$0x0] =	wrdreg $0x0  }
0xb7: {  	s6 =	sshll.u32 s28, $0x1;
	[dreg:$0x2] =	wrdreg s4  }
0xb8: {  	[dreg:$0x3] =	wrdreg s6  }
0xb9: {  	[dreg:$0x4] =	wrdreg $0xC0  }
0xba: {  	_ =	task [dreg:s22], $0x5FFFF  }
0xbb: {  	[dreg:$0x1] =	wrdreg $0xFFFFFFFF  }
0xbc: {  	[dreg:$0x0] =	wrdreg $0x60  }
0xbd: {  	[dreg:$0x2] =	wrdreg s24  }
0xbe: {  	[dreg:$0x3] =	wrdreg s18  }
0xbf: {  	[dreg:$0x4] =	wrdreg $0xA  }
0xc0: {  	_ =	task.clear_ibuf [dreg:s22], $0x5FFFF;
	_ =	strace $0x90000049  }
0xc1: {  	s29 =	simm.s32 $0xA;
	_ =	strace $0x8000004B  }
0xc2: {  	_ =	swait.ge [sflag:s29], $0x1  }
0xc3: {  	[sflag:s29] =	ssyncadd.s32 $0xFFFFFFFF  }
0xc4: {  	_ =	strace $0x9000004B  }
0xc5: {  	_ =	sfence  }
0xc6: {  	s30 =	sld [smem:$0x0];
	_ =	sdelay $0x2  }
0xc7: {  	s31 =	sshll.u32 s1, $0xD;
	s1 =	sshrl.u32 s1, $0x2  }
0xc8: {  	s4 =	sand.u32 $0x4000, s31;
	s1 =	sadd.s32 s1, s30  }
0xc9: {  	s0 =	sor.u32 s4, s0;
	s1 =	sshll.u32 s1, $0x11  }
0xca: {  	s0 =	sor.u32 s1, s0  }
0xcb: {  	s0 =	sadd.s32 $0x8F2B, s0  }
0xcc: {  	[sflag:s0] =	ssyncadd.remote.s32 $0x1  }
0xcd: {  	_ =	sfence.sel $0xFFFF  }
0xce: {  	[dreg:$0x0] =	wrdreg $0xFFFFFFFF;
	(pc) =	sbr.abs _section_cstart, $3  }
0xcf: {  	[dreg:$0x1] =	wrdreg $0xFFFFFFFF  }
0xd0: {  	_ =	task.clear_ibuf [dreg:s22], $0x2FFFF;
	_ =	strace $0x9FFFFFFF  }
0xd1: {  	(tm) =	ssettm $0x7FFFFFFF  }
tec
execute0_lowered:
.L_overlay_start_1:
0x0: {  	(tag) =	ssettag $0x1  }
0x1: {  	s0 =	rddreg [dreg:$0x0]  }
0x2: {  	s1 =	rddreg [dreg:$0x1]  }
0x3: {  	s3 =	simm.s32 $0x0;
	s2 =	srdreg.scid;
	s14 =	stileid.u32  }
0x4: {  	s28 =	simm.s32 $0x3;
	s29 =	simm.s32 $0x5;
	s30 =	simm.s32 $0x7  }
0x5: {  	s31 =	simm.s32 $0x2;
	[smem:$0x7FF] =	sst s3;
	s26 =	smul.u32 $0x50000, s14  }
0x6: {  	s2 =	sand.u32 $0x1, s2;
	s6 =	sshll.u32 s14, $0x1;
	s14 =	smul.u32 $0x1400, s14  }
0x7: {  	s4 =	sadd.s32 $0x2E00, s0;
	s10 =	sadd.s32 $0x200800, s0;
	s12 =	smul.u32 $0x28000, s2  }
0x8: {  	s7 =	sor.u32 s2, s6;
	s8 =	ssub.s32 $0x2, s2;
	s2 =	smul.u32 $0xA00, s2  }
0x9: {  	s5 =	sadd.s32 $0x15E000, s0;
	_ =	strace $0x8000004A;
	s9 =	smul.u32 $0xA00, s7  }
0xa: {  	s6 =	sadd.s32 $0x15B800, s0;
	s11 =	sshrl.u32 s8, $0x1;
	s7 =	smul.u32 $0x28000, s7  }
0xb: {  	s0 =	sadd.s32 $0x160800, s0;
	s8 =	ssub.s32 s8, s11;
	s18 =	sadd.s32 s12, s26  }
0xc: {  	s2 =	sadd.s32 s2, s14;
	s9 =	sshrl.u32 s9, $0x3;
	s7 =	sshrl.u32 s7, $0x3  }
0xd: {  	s21 =	sshll.u32 s2, $0x3;
	s26 =	sor.u32 $0x100, s2;
	s24 =	sadd.s32 s5, s9  }
0xe: {  	s25 =	sadd.s32 s6, s9;
	s9 =	sor.u32 $0x10, s9;
	[dreg:$0x7] =	wrdreg s24  }
0xf: {  	s15 =	sadd.s32 $0x4800, s7;
	[dreg:$0x8] =	wrdreg s25;
	s13 =	sadd.s32 s5, s9  }
0x10: {  	s7 =	sadd.s32 $0x4C00, s7;
	s9 =	sadd.s32 s6, s9;
	[dreg:$0x9] =	wrdreg s13  }
0x11: {  	s23 =	sor.u32 $0x400, s21;
	s16 =	sadd.s32 s10, s15;
	[dreg:$0xa] =	wrdreg s9  }
0x12: {  	s21 =	simm.s32 $0x200;
	s17 =	sadd.s32 s0, s15;
	[dreg:$0xb] =	wrdreg s16  }
0x13: {  	s19 =	sadd.s32 s10, s7;
	s7 =	sadd.s32 s0, s7;
	[dreg:$0xc] =	wrdreg s17  }
0x14: {  	s15 =	smax.u32 s8, $0x1;
	s24 =	sadd.s32 s23, s10;
	[dreg:$0xd] =	wrdreg s19  }
0x15: {  	s25 =	sor.u32 $0x180, s2;
	s2 =	simm.s32 $0x6;
	[dreg:$0xe] =	wrdreg s7  }
0x16: {  	s8 =	simm.s32 $0x0;
	s9 =	sshrl.u32 s18, $0x3;
	[dreg:$0x5] =	wrdreg s24  }
0x17: {  	s16 =	sshrl.u32 s25, $0x3;
	s17 =	sshrl.u32 s26, $0x3;
	s18 =	simm.s32 $0x9  }
0x18: {  	s19 =	simm.s32 $0x100;
	s24 =	simm.s32 $0x2200;
	s20 =	sadd.s32 s9, s0  }
0x19: {  	s25 =	simm.s32 $0x6200;
	s22 =	sadd.s32 s9, s10;
	[dreg:$0x3] =	wrdreg s20  }
0x1a: {  	s26 =	simm.s32 $0x1;
	s0 =	sadd.s32 s23, s0;
	[dreg:$0x4] =	wrdreg s22  }
0x1b: {  	s7 =	simm.s32 $0x8;
	s23 =	simm.s32 $0x180;
	[dreg:$0x6] =	wrdreg s0  }
0x1c: {  	s20 =	simm.s32 $0x80;
	s22 =	simm.s32 $0x4200;
	s0 =	simm.s32 $0x4  }
.LBB2_1:
0x1d: {  	s9 =	rddreg [dreg:$0x7]  }
0x1e: {  	[tilespmem:s3], [sflag:$0x9] =	stream.linear.gather [hbm4b:s9+s3], $0x80, $0x38;
	[tilespmem:$0x8200] =	vst v63  }
0x1f: {  	_ =	swait.ge [sflag:s18], $0x80  }
0x20: {  	[sflag:s18] =	ssyncset.done $0x0  }
0x21: {  	s13 =	rddreg [dreg:$0x8];
	[sflag:s18] =	ssyncadd.s32 $0xFFFFFF80  }
0x22: {  	[tilespmem:s19], [sflag:$0x9] =	stream.linear.gather [hbm4b:s13+s3], $0x80, $0x38;
	[tilespmem:$0x8200] =	vst v63  }
0x23: {  	_ =	swait.ge [sflag:s18], $0x80  }
0x24: {  	[sflag:s18] =	ssyncset.done $0x0  }
0x25: {  	[sflag:s18] =	ssyncadd.s32 $0xFFFFFF80  }
0x26: {  	[tilespmem:s21], [sflag:$0x1] =	stream.indirect.gather [hbm4b:s4+s20], $0x40, s3, s20, $0xb8;
	[tilespmem:$0x8200] =	vst v63  }
0x27: {  	_ = 	snop  }
0x28: {  	[tilespmem:s22], [sflag:$0x3] =	stream.indirect.gather [hbm4b:s1+s20], $0x40, s19, s20, $0xb8;
	[tilespmem:$0x8200] =	vst v63  }
0x29: {  	s14 =	rddreg [dreg:$0x9]  }
0x2a: {  	[tilespmem:s20], [sflag:$0x9] =	stream.linear.gather [hbm4b:s14+s3], $0x80, $0x38;
	[tilespmem:$0x8200] =	vst v63  }
0x2b: {  	_ =	swait.ge [sflag:s18], $0x80  }
0x2c: {  	[sflag:s18] =	ssyncset.done $0x0  }
0x2d: {  	s10 =	rddreg [dreg:$0xa];
	[sflag:s18] =	ssyncadd.s32 $0xFFFFFF80  }
0x2e: {  	[tilespmem:s23], [sflag:$0x9] =	stream.linear.gather [hbm4b:s10+s3], $0x80, $0x38;
	[tilespmem:$0x8200] =	vst v63  }
0x2f: {  	_ =	swait.ge [sflag:s18], $0x80  }
0x30: {  	[sflag:s18] =	ssyncset.done $0x0  }
0x31: {  	[sflag:s18] =	ssyncadd.s32 $0xFFFFFF80  }
0x32: {  	[tilespmem:s24], [sflag:$0x2] =	stream.indirect.gather [hbm4b:s4+s20], $0x40, s20, s20, $0xb8;
	[tilespmem:$0x8200] =	vst v63  }
0x33: {  	_ = 	snop  }
0x34: {  	[tilespmem:s25], [sflag:$0x4] =	stream.indirect.gather [hbm4b:s1+s20], $0x40, s23, s20, $0xb8;
	[tilespmem:$0x8200] =	vst v63  }
0x35: {  	_ =	swait.ge [sflag:s26], $0x2000  }
0x36: {  	[sflag:s26] =	ssyncset.done $0x0  }
0x37: {  	[sflag:s26] =	ssyncadd.s32 $0xFFFFE000  }
0x38: {  	_ =	swait.ge [sflag:s28], $0x2000  }
0x39: {  	s11 =	rddreg [dreg:$0x4];
	[sflag:s28] =	ssyncset.done $0x0  }
0x3a: {  	s10 =	rddreg [dreg:$0x3];
	[sflag:s28] =	ssyncadd.s32 $0xFFFFE000;
	s9 =	sadd.s32 $0x0, s11  }
0x3b: {  	[hbm4b:s9+s3] =	stream.linear.scatter [tilespmem:s21], [sflag:$0x5], $0x2000, $0x38;
	[tilespmem:$0x8200] =	vst v63  }
0x3c: {  	s12 =	sadd.s32 $0x0, s10  }
0x3d: {  	[hbm4b:s12+s3] =	stream.linear.scatter [tilespmem:s22], [sflag:$0x7], $0x2000, $0x38;
	[tilespmem:$0x8200] =	vst v63  }
0x3e: {  	_ =	swait.ge [sflag:s29], $0x2000  }
0x3f: {  	[sflag:s29] =	ssyncset.done $0x0  }
0x40: {  	[sflag:s29] =	ssyncadd.s32 $0xFFFFE000  }
0x41: {  	_ =	swait.ge [sflag:s30], $0x2000  }
0x42: {  	[sflag:s30] =	ssyncset.done $0x0  }
0x43: {  	s13 =	sadd.s32 s5, s17;
	[sflag:s30] =	ssyncadd.s32 $0xFFFFE000  }
0x44: {  	[tilespmem:s3], [sflag:$0x9] =	stream.linear.gather [hbm4b:s13+s3], $0x80, $0x38;
	[tilespmem:$0x8200] =	vst v63  }
0x45: {  	_ =	swait.ge [sflag:s18], $0x80  }
0x46: {  	[sflag:s18] =	ssyncset.done $0x0  }
0x47: {  	s14 =	sadd.s32 s6, s17;
	[sflag:s18] =	ssyncadd.s32 $0xFFFFFF80  }
0x48: {  	[tilespmem:s19], [sflag:$0x9] =	stream.linear.gather [hbm4b:s14+s3], $0x80, $0x38;
	[tilespmem:$0x8200] =	vst v63  }
0x49: {  	_ =	swait.ge [sflag:s18], $0x80  }
0x4a: {  	[sflag:s18] =	ssyncset.done $0x0  }
0x4b: {  	[sflag:s18] =	ssyncadd.s32 $0xFFFFFF80  }
0x4c: {  	[tilespmem:s21], [sflag:$0x1] =	stream.indirect.gather [hbm4b:s4+s20], $0x40, s3, s20, $0xb8;
	[tilespmem:$0x8200] =	vst v63  }
0x4d: {  	_ = 	snop  }
0x4e: {  	[tilespmem:s22], [sflag:$0x3] =	stream.indirect.gather [hbm4b:s1+s20], $0x40, s19, s20, $0xb8;
	[tilespmem:$0x8200] =	vst v63  }
0x4f: {  	_ =	swait.ge [sflag:s31], $0x2000  }
0x50: {  	[sflag:s31] =	ssyncset.done $0x0  }
0x51: {  	[sflag:s31] =	ssyncadd.s32 $0xFFFFE000  }
0x52: {  	_ =	swait.ge [sflag:s0], $0x2000  }
0x53: {  	s10 =	rddreg [dreg:$0x5];
	[sflag:s0] =	ssyncset.done $0x0  }
0x54: {  	s11 =	rddreg [dreg:$0x6];
	[sflag:s0] =	ssyncadd.s32 $0xFFFFE000;
	s9 =	sadd.s32 $0x0, s10  }
0x55: {  	[hbm4b:s9+s3] =	stream.linear.scatter [tilespmem:s24], [sflag:$0x6], $0x2000, $0x38;
	[tilespmem:$0x8200] =	vst v63  }
0x56: {  	s12 =	sadd.s32 $0x0, s11  }
0x57: {  	[hbm4b:s12+s3] =	stream.linear.scatter [tilespmem:s25], [sflag:$0x8], $0x2000, $0x38;
	[tilespmem:$0x8200] =	vst v63  }
0x58: {  	_ =	swait.ge [sflag:s2], $0x2000  }
0x59: {  	[sflag:s2] =	ssyncset.done $0x0  }
0x5a: {  	[sflag:s2] =	ssyncadd.s32 $0xFFFFE000  }
0x5b: {  	_ =	swait.ge [sflag:s7], $0x2000  }
0x5c: {  	[sflag:s7] =	ssyncset.done $0x0  }
0x5d: {  	s13 =	sadd.s32 s5, s16;
	[sflag:s7] =	ssyncadd.s32 $0xFFFFE000  }
0x5e: {  	[tilespmem:s20], [sflag:$0x9] =	stream.linear.gather [hbm4b:s13+s3], $0x80, $0x38;
	[tilespmem:$0x8200] =	vst v63  }
0x5f: {  	_ =	swait.ge [sflag:s18], $0x80  }
0x60: {  	[sflag:s18] =	ssyncset.done $0x0  }
0x61: {  	s14 =	sadd.s32 s6, s16;
	[sflag:s18] =	ssyncadd.s32 $0xFFFFFF80  }
0x62: {  	[tilespmem:s23], [sflag:$0x9] =	stream.linear.gather [hbm4b:s14+s3], $0x80, $0x38;
	[tilespmem:$0x8200] =	vst v63  }
0x63: {  	_ =	swait.ge [sflag:s18], $0x80  }
0x64: {  	s10 =	sadd.s32 $0x20, s6;
	[sflag:s18] =	ssyncset.done $0x0  }
0x65: {  	s11 =	sadd.s32 $0x20, s5;
	s9 =	simm.s32 $0x800;
	[sflag:s18] =	ssyncadd.s32 $0xFFFFFF80  }
0x66: {  	[tilespmem:s24], [sflag:$0x2] =	stream.indirect.gather [hbm4b:s4+s20], $0x40, s20, s20, $0xb8;
	[tilespmem:$0x8200] =	vst v63  }
.LBB2_2:
0x67: {  	[tilespmem:s25], [sflag:$0x4] =	stream.indirect.gather [hbm4b:s1+s20], $0x40, s23, s20, $0xb8;
	[tilespmem:$0x8200] =	vst v63  }
0x68: {  	_ =	swait.ge [sflag:s26], $0x2000  }
0x69: {  	[sflag:s26] =	ssyncset.done $0x0  }
0x6a: {  	[sflag:s26] =	ssyncadd.s32 $0xFFFFE000  }
0x6b: {  	_ =	swait.ge [sflag:s28], $0x2000  }
0x6c: {  	s12 =	smov.u32 s9;
	s13 =	rddreg [dreg:$0x4];
	[sflag:s28] =	ssyncset.done $0x0  }
0x6d: {  	s14 =	rddreg [dreg:$0x3];
	[sflag:s28] =	ssyncadd.s32 $0xFFFFE000;
	s13 =	sadd.s32 s12, s13  }
0x6e: {  	[hbm4b:s13+s3] =	stream.linear.scatter [tilespmem:s21], [sflag:$0x5], $0x2000, $0x38;
	[tilespmem:$0x8200] =	vst v63  }
0x6f: {  	s14 =	sadd.s32 s12, s14  }
0x70: {  	[hbm4b:s14+s3] =	stream.linear.scatter [tilespmem:s22], [sflag:$0x7], $0x2000, $0x38;
	[tilespmem:$0x8200] =	vst v63  }
0x71: {  	_ =	swait.ge [sflag:s29], $0x2000  }
0x72: {  	[sflag:s29] =	ssyncset.done $0x0  }
0x73: {  	[sflag:s29] =	ssyncadd.s32 $0xFFFFE000  }
0x74: {  	_ =	swait.ge [sflag:s30], $0x2000  }
0x75: {  	[sflag:s30] =	ssyncset.done $0x0  }
0x76: {  	s14 =	sadd.s32 s11, s17;
	[sflag:s30] =	ssyncadd.s32 $0xFFFFE000  }
0x77: {  	[tilespmem:s3], [sflag:$0x9] =	stream.linear.gather [hbm4b:s14+s3], $0x80, $0x38;
	[tilespmem:$0x8200] =	vst v63  }
0x78: {  	_ =	swait.ge [sflag:s18], $0x80  }
0x79: {  	[sflag:s18] =	ssyncset.done $0x0  }
0x7a: {  	s14 =	sadd.s32 s10, s17;
	[sflag:s18] =	ssyncadd.s32 $0xFFFFFF80  }
0x7b: {  	[tilespmem:s19], [sflag:$0x9] =	stream.linear.gather [hbm4b:s14+s3], $0x80, $0x38;
	[tilespmem:$0x8200] =	vst v63  }
0x7c: {  	_ =	swait.ge [sflag:s18], $0x80  }
0x7d: {  	[sflag:s18] =	ssyncset.done $0x0  }
0x7e: {  	[sflag:s18] =	ssyncadd.s32 $0xFFFFFF80  }
0x7f: {  	[tilespmem:s21], [sflag:$0x1] =	stream.indirect.gather [hbm4b:s4+s20], $0x40, s3, s20, $0xb8;
	[tilespmem:$0x8200] =	vst v63  }
0x80: {  	_ = 	snop  }
0x81: {  	[tilespmem:s22], [sflag:$0x3] =	stream.indirect.gather [hbm4b:s1+s20], $0x40, s19, s20, $0xb8;
	[tilespmem:$0x8200] =	vst v63  }
0x82: {  	_ =	swait.ge [sflag:s31], $0x2000  }
0x83: {  	[sflag:s31] =	ssyncset.done $0x0  }
0x84: {  	[sflag:s31] =	ssyncadd.s32 $0xFFFFE000  }
0x85: {  	_ =	swait.ge [sflag:s0], $0x2000  }
0x86: {  	s13 =	rddreg [dreg:$0x5];
	[sflag:s0] =	ssyncset.done $0x0  }
0x87: {  	s14 =	rddreg [dreg:$0x6];
	[sflag:s0] =	ssyncadd.s32 $0xFFFFE000;
	s13 =	sadd.s32 s12, s13  }
0x88: {  	[hbm4b:s13+s3] =	stream.linear.scatter [tilespmem:s24], [sflag:$0x6], $0x2000, $0x38;
	[tilespmem:$0x8200] =	vst v63  }
0x89: {  	s12 =	sadd.s32 s12, s14  }
0x8a: {  	[hbm4b:s12+s3] =	stream.linear.scatter [tilespmem:s25], [sflag:$0x8], $0x2000, $0x38;
	[tilespmem:$0x8200] =	vst v63  }
0x8b: {  	_ =	swait.ge [sflag:s2], $0x2000  }
0x8c: {  	[sflag:s2] =	ssyncset.done $0x0  }
0x8d: {  	[sflag:s2] =	ssyncadd.s32 $0xFFFFE000  }
0x8e: {  	_ =	swait.ge [sflag:s7], $0x2000  }
0x8f: {  	[sflag:s7] =	ssyncset.done $0x0  }
0x90: {  	s13 =	sadd.s32 s11, s16;
	[sflag:s7] =	ssyncadd.s32 $0xFFFFE000  }
0x91: {  	[tilespmem:s20], [sflag:$0x9] =	stream.linear.gather [hbm4b:s13+s3], $0x80, $0x38;
	[tilespmem:$0x8200] =	vst v63  }
0x92: {  	_ =	swait.ge [sflag:s18], $0x80  }
0x93: {  	[sflag:s18] =	ssyncset.done $0x0  }
0x94: {  	p0 =	sne.s32 s9, $0x4000;
	s14 =	sadd.s32 s10, s16;
	[sflag:s18] =	ssyncadd.s32 $0xFFFFFF80  }
0x95: {  	[tilespmem:s23], [sflag:$0x9] =	stream.linear.gather [hbm4b:s14+s3], $0x80, $0x38;
	[tilespmem:$0x8200] =	vst v63  }
.Ltmp0:
0x96: {  	_ = 	snop;
	(pc) =	sbr.rel @p0 .LBB2_2-.Ltmp0, $4  }
0x97: {  	_ =	swait.ge [sflag:s18], $0x80  }
0x98: {  	s9 =	sadd.s32 $0x800, s9;
	[sflag:s18] =	ssyncset.done $0x0  }
0x99: {  	s10 =	sadd.s32 $0x20, s10;
	s11 =	sadd.s32 $0x20, s11;
	[sflag:s18] =	ssyncadd.s32 $0xFFFFFF80  }
0x9a: {  	[tilespmem:s24], [sflag:$0x2] =	stream.indirect.gather [hbm4b:s4+s20], $0x40, s20, s20, $0xb8;
	[tilespmem:$0x8200] =	vst v63  }
0x9b: {  	[tilespmem:s25], [sflag:$0x4] =	stream.indirect.gather [hbm4b:s1+s20], $0x40, s23, s20, $0xb8;
	[tilespmem:$0x8200] =	vst v63  }
0x9c: {  	_ =	swait.ge [sflag:s26], $0x2000  }
0x9d: {  	[sflag:s26] =	ssyncset.done $0x0  }
0x9e: {  	[sflag:s26] =	ssyncadd.s32 $0xFFFFE000  }
0x9f: {  	_ =	swait.ge [sflag:s28], $0x2000  }
0xa0: {  	[sflag:s28] =	ssyncset.done $0x0  }
0xa1: {  	s9 =	rddreg [dreg:$0xb];
	[sflag:s28] =	ssyncadd.s32 $0xFFFFE000  }
0xa2: {  	[hbm4b:s9+s3] =	stream.linear.scatter [tilespmem:s21], [sflag:$0x5], $0x2000, $0x38;
	[tilespmem:$0x8200] =	vst v63  }
0xa3: {  	s12 =	rddreg [dreg:$0xc]  }
0xa4: {  	[hbm4b:s12+s3] =	stream.linear.scatter [tilespmem:s22], [sflag:$0x7], $0x2000, $0x38;
	[tilespmem:$0x8200] =	vst v63  }
0xa5: {  	_ =	swait.ge [sflag:s31], $0x2000  }
0xa6: {  	[sflag:s31] =	ssyncset.done $0x0  }
0xa7: {  	[sflag:s31] =	ssyncadd.s32 $0xFFFFE000  }
0xa8: {  	_ =	swait.ge [sflag:s0], $0x2000  }
0xa9: {  	[sflag:s0] =	ssyncset.done $0x0  }
0xaa: {  	s13 =	rddreg [dreg:$0xd];
	[sflag:s0] =	ssyncadd.s32 $0xFFFFE000  }
0xab: {  	[hbm4b:s13+s3] =	stream.linear.scatter [tilespmem:s24], [sflag:$0x6], $0x2000, $0x38;
	[tilespmem:$0x8200] =	vst v63  }
0xac: {  	s14 =	rddreg [dreg:$0xe]  }
0xad: {  	[hbm4b:s14+s3] =	stream.linear.scatter [tilespmem:s25], [sflag:$0x8], $0x2000, $0x38;
	[tilespmem:$0x8200] =	vst v63  }
0xae: {  	_ =	swait.ge [sflag:s29], $0x2000  }
0xaf: {  	[sflag:s29] =	ssyncset.done $0x0  }
0xb0: {  	[sflag:s29] =	ssyncadd.s32 $0xFFFFE000  }
0xb1: {  	_ =	swait.ge [sflag:s30], $0x2000  }
0xb2: {  	[sflag:s30] =	ssyncset.done $0x0  }
0xb3: {  	s8 =	sadd.s32 $0x1, s8;
	[sflag:s30] =	ssyncadd.s32 $0xFFFFE000  }
0xb4: {  	p0 =	sne.s32 s8, s15;
	_ =	swait.ge [sflag:s2], $0x2000  }
.Ltmp1:
0xb5: {  	[sflag:s2] =	ssyncset.done $0x0;
	(pc) =	sbr.rel @p0 .LBB2_1-.Ltmp1, $4  }
0xb6: {  	[sflag:s2] =	ssyncadd.s32 $0xFFFFE000  }
0xb7: {  	_ =	swait.ge [sflag:s7], $0x2000  }
0xb8: {  	[sflag:s7] =	ssyncset.done $0x0  }
0xb9: {  	[sflag:s7] =	ssyncadd.s32 $0xFFFFE000  }
0xba: {  	_ =	sfence.sel $0x180000  }
0xbb: {  	[bflag:$0x0] =	sbarrier.arrive $0xFFFF  }
0xbc: {  	_ =	strace $0x9000004A  }
0xbd: {  	s0 =	stileid.u32;
	[bflag:$0x2] =	sbarrier.arrive $0xFFFF  }
0xbe: {  	p0 =	sne.s32 s0, $0x0;
	s0 =	rddreg [dreg:$0x2]  }
0xbf: {  	s0 =	sadd.s32 @!p0 $0x100000, s0  }
0xc0: {  	[sflag:s0] =	ssyncadd.tile.s32 @!p0 $0x1;
	_ =	shalt  }
.Lfunc_end2:
_tile_overlayer_lowered:
.L_overlay_start_2:
0xc1: {  	(tag) =	ssettag $0x2  }
0xc2: {  	s0 =	rddreg [dreg:$0x0];
	s2 =	stileid.u32  }
0xc3: {  	s1 =	rddreg [dreg:$0x1];
	p0 =	sne.s32 s2, $0x0  }
0xc4: {  	s3 =	rddreg [dreg:$0x2];
	[bflag:$0x3] =	sbarrier.arrive $0xFFFF;
	s2 =	simm.s32 @!p0 $0x1C09  }
0xc5: {  	[timem:s3], [sflag:s2] =	dma.local @!p0 [hbm:s0], s1  }
0xc6: {  	s0 =	simm.s32 @!p0 $0x9  }
0xc7: {  	_ =	swait.ge @!p0 [sflag:s0], s1  }
0xc8: {  	s1 =	ssub.s32 @!p0 $0x0, s1;
	[sflag:s0] =	ssyncset.done @!p0 $0x0  }
0xc9: {  	[sflag:s0] =	ssyncadd.s32 @!p0 s1  }
0xca: {  	[bflag:$0x3] =	sbarrier.arrive $0xFFFF  }
0xcb: {  	_ =	shalt  }

// kernel: kernel.7.cloned.1.call-start
scs
__scs_entry_jumppad:
0x0: {  	(pc) =	sbr.rel $0x88, $3  }
0x1: {  	(tag) =	ssettag $0x0;
	lr =	simm.s32 $0x1  }
0x2: {  	[smem:$0x3F98] =	sst lr;
	_ =	strace $0xD0000000  }
0x3: {  	_ = 	snop  }
0x4: {  	_ = 	snop  }
0x5: {  	_ = 	snop  }
0x6: {  	_ = 	snop  }
0x7: {  	_ = 	snop  }
__scs_overlays_trampoline_lowered:
0x8: {  	[smem:$0x3FA7] =	sst s0  }
0x9: {  	[smem:$0x3FA8] =	sst s1  }
0xa: {  	[smem:$0x3FA9] =	sst s2  }
0xb: {  	[smem:$0x3FAA] =	sst s3  }
0xc: {  	[smem:$0x3FAB] =	sst s4  }
0xd: {  	[smem:$0x3FAC] =	sst s5  }
0xe: {  	[smem:$0x3FAD] =	sst s6  }
0xf: {  	[smem:$0x3FAE] =	sst s7  }
0x10: {  	[smem:$0x3FAF] =	sst s8  }
0x11: {  	[smem:$0x3FB0] =	sst s9;
	s0 =	simm.s32 @!p0 $0x0  }
0x12: {  	s1 =	sld [smem:$0x3F96];
	s0 =	simm.s32 @p0 $0x1  }
0x13: {  	[smem:$0x3FB1] =	sst s0;
	s0 =	simm.s32 @!p1 $0x0  }
0x14: {  	s2 =	sld [smem:$0x3F95];
	s0 =	simm.s32 @p1 $0x1  }
0x15: {  	[smem:$0x3FB2] =	sst s0;
	s0 =	simm.s32 @!p2 $0x0  }
0x16: {  	s3 =	sld [smem:$0x3FDB];
	s0 =	simm.s32 @p2 $0x1  }
0x17: {  	s4 =	simm.s32 $0x1BF5;
	[smem:$0x3FB4] =	sst s0  }
0x18: {  	s0 =	sld [smem:$0x3F97];
	_ =	swait.ge [sflag:s4], $0x0  }
0x19: {  	s7 =	sld [smem:$0x3F98]  }
0x1a: {  	s8 =	sadd.s32 $0xFFFFE003, lr  }
0x1b: {  	s9 =	sadd.s32 $0xFFFFFEF7, lr;
	s5 =	simm.s32 $0xFFFFFFFF;
	p2 =	slt.u32 s8, $0xFFFFF086  }
0x1c: {  	p1 =	slt.u32 s9, $0xF7A;
	s5 =	simm.s32 @!p2 $0x0  }
0x1d: {  	s5 =	simm.s32 @p1 $0x1;
	p0 =	seq.s32 s7, s2  }
0x1e: {  	s7 =	smul.u32 @!p0 $0xF7A, s2;
	p2 =	seq.s32 @!p0 s5, $0x0  }
0x1f: {  	s9 =	smul.u32 $0xF7A, s1;
	s8 =	simm.s32 @!p0 $0x1BF5;
	p2 =	por !p2, p0  }
0x20: {  	[sflag:s8] =	ssyncset.s32 @!p0 $0xFFFFF086;
	s6 =	sadd.s32 @!p0 s3, s7;
	s7 =	simm.s32 @!p0 $0x108  }
0x21: {  	s3 =	sadd.s32 s3, s9;
	s6 =	sadd.s32 @!p0 $0x88, s6;
	s7 =	simm.s32 @p2 $0x1082  }
0x22: {  	[simem:s7], [sflag:s8] =	dma.local @!p0 [hbm:s6], $0xF7A  }
0x23: {  	s9 =	sor.u32 $0xD0000000, s2;
	s6 =	simm.s32 $0x108;
	_ =	swait.ge @!p0 [sflag:s8], $0x0  }
0x24: {  	s3 =	sadd.s32 $0x88, s3;
	s6 =	simm.s32 @!p1 $0x1082;
	[sflag:s4] =	ssyncset.s32 $0xFFFFF086  }
0x25: {  	[simem:s6], [sflag:s4] =	dma.local [hbm:s3], $0xF7A  }
0x26: {  	[smem:$0x3F98] =	sst s1;
	(tag) =	ssettag s2;
	_ =	strace s9  }
0x27: {  	s1 =	sld [smem:$0x3FA8]  }
0x28: {  	s2 =	sld [smem:$0x3FA9]  }
0x29: {  	s4 =	sld [smem:$0x3FAB]  }
0x2a: {  	p0 =	seq.s32 s5, $0x0;
	s5 =	sld [smem:$0x3FAC]  }
0x2b: {  	s6 =	sld [smem:$0x3FAD]  }
0x2c: {  	s7 =	sld [smem:$0x3FAE]  }
0x2d: {  	s3 =	simm.s32 $0x108;
	s8 =	sld [smem:$0x3FAF]  }
0x2e: {  	s3 =	simm.s32 @!p0 $0x1082;
	s9 =	sld [smem:$0x3FB0]  }
0x2f: {  	lr =	sadd.s32 s0, s3;
	s0 =	sld [smem:$0x3FA7]  }
0x30: {  	s3 =	sld [smem:$0x3FAA]  }
0x31: {  	[smem:$0x3FB3] =	sst s10  }
0x32: {  	s10 =	sld [smem:$0x3FB1];
	_ =	sdelay $0x3  }
0x33: {  	p0 =	seq.s32 s10, $0x1;
	s10 =	sld [smem:$0x3FB3];
	_ =	sdelay $0x3  }
0x34: {  	[smem:$0x3FB3] =	sst s10  }
0x35: {  	s10 =	sld [smem:$0x3FB2];
	_ =	sdelay $0x3  }
0x36: {  	p1 =	seq.s32 s10, $0x1;
	s10 =	sld [smem:$0x3FB3];
	_ =	sdelay $0x3  }
0x37: {  	[smem:$0x3FB3] =	sst s10  }
0x38: {  	s10 =	sld [smem:$0x3FB4]  }
0x39: {  	_ = 	snop;
	(pc) =	sbr.ind lr, $3  }
0x3a: {  	_ = 	snop  }
0x3b: {  	_ = 	snop  }
0x3c: {  	p2 =	seq.s32 s10, $0x1;
	s10 =	sld [smem:$0x3FB3]  }
0x3d: {  	_ =	shalt  }
0x3e: {  	_ =	shalt  }
0x3f: {  	_ =	shalt  }
0x40: {  	_ =	shalt  }
0x41: {  	_ =	shalt  }
0x42: {  	_ =	shalt  }
0x43: {  	_ =	shalt  }
0x44: {  	_ =	shalt  }
0x45: {  	_ =	shalt  }
0x46: {  	_ =	shalt  }
0x47: {  	_ =	shalt  }
0x48: {  	_ =	shalt  }
0x49: {  	_ =	shalt  }
0x4a: {  	_ =	shalt  }
0x4b: {  	_ =	shalt  }
0x4c: {  	_ =	shalt  }
0x4d: {  	_ =	shalt  }
0x4e: {  	_ =	shalt  }
0x4f: {  	_ =	shalt  }
0x50: {  	_ =	shalt  }
0x51: {  	_ =	shalt  }
0x52: {  	_ =	shalt  }
0x53: {  	_ =	shalt  }
0x54: {  	_ =	shalt  }
0x55: {  	_ =	shalt  }
0x56: {  	_ =	shalt  }
0x57: {  	_ =	shalt  }
0x58: {  	_ =	shalt  }
0x59: {  	_ =	shalt  }
0x5a: {  	_ =	shalt  }
0x5b: {  	_ =	shalt  }
0x5c: {  	_ =	shalt  }
0x5d: {  	_ =	shalt  }
0x5e: {  	_ =	shalt  }
0x5f: {  	_ =	shalt  }
0x60: {  	_ =	shalt  }
0x61: {  	_ =	shalt  }
0x62: {  	_ =	shalt  }
0x63: {  	_ =	shalt  }
0x64: {  	_ =	shalt  }
0x65: {  	_ =	shalt  }
0x66: {  	_ =	shalt  }
0x67: {  	_ =	shalt  }
0x68: {  	_ =	shalt  }
0x69: {  	_ =	shalt  }
0x6a: {  	_ =	shalt  }
0x6b: {  	_ =	shalt  }
0x6c: {  	_ =	shalt  }
0x6d: {  	_ =	shalt  }
0x6e: {  	_ =	shalt  }
0x6f: {  	_ =	shalt  }
0x70: {  	_ =	shalt  }
0x71: {  	_ =	shalt  }
0x72: {  	_ =	shalt  }
0x73: {  	_ =	shalt  }
0x74: {  	_ =	shalt  }
0x75: {  	_ =	shalt  }
0x76: {  	_ =	shalt  }
0x77: {  	_ =	shalt  }
0x78: {  	_ =	shalt  }
0x79: {  	_ =	shalt  }
0x7a: {  	_ =	shalt  }
0x7b: {  	_ =	shalt  }
0x7c: {  	_ =	shalt  }
0x7d: {  	_ =	shalt  }
0x7e: {  	_ =	shalt  }
0x7f: {  	_ =	shalt  }
0x80: {  	_ =	shalt  }
0x81: {  	_ =	shalt  }
0x82: {  	_ =	shalt  }
0x83: {  	_ =	shalt  }
0x84: {  	_ =	shalt  }
0x85: {  	_ =	shalt  }
0x86: {  	_ =	shalt  }
0x87: {  	_ =	shalt  }
.Lfunc_end0:
.L_simem_size_0:
called_computation_lowered:
.L_overlay_start_0:
0x88: {  	s2 =	sld [smem:$0x3FD9]  }
0x89: {  	s3 =	sld [smem:$0x3FFE];
	_ =	sdelay $0x1  }
0x8a: {  	s1 =	srdreg.scid  }
0x8b: {  	s0 =	sand.u32 $0x1, s1  }
0x8c: {  	s17 =	sshll.u32 s0, $0xA;
	s2 =	sadd.s32 s3, s2  }
0x8d: {  	s2 =	sadd.s32 s2, s17  }
0x8e: {  	[smem:$0x3FBF] =	sst s2  }
0x8f: {  	_ = 	snop  }
0x90: {  	s2 =	sld [smem:$0x3FD0];
	(tm) =	ssettm $0x1  }
0x91: {  	s18 =	sld [smem:$0x3FFB];
	_ =	sdelay $0x3  }
0x92: {  	_ =	strace s18  }
0x93: {  	s3 =	sld [smem:$0x3FFC];
	_ =	sdelay $0x3  }
0x94: {  	_ =	strace s3  }
0x95: {  	s3 =	sld [smem:$0x3FFD];
	_ =	sdelay $0x3  }
0x96: {  	_ =	strace s3  }
0x97: {  	_ =	strace $0x8FFFFFFF  }
0x98: {  	s19 =	sld [smem:$0x3FDB];
	_ =	sdelay $0x1  }
0x99: {  	s4 =	simm.s32 $_scs_section_size  }
0x9a: {  	s5 =	simm.s32 $_size__tile_overlayer_lowered;
	s6 =	simm.s32 $_tile_overlayer_lowered  }
0x9b: {  	s22 =	simm.s32 $0x1BFF;
	s21 =	sshll.u32 s6, $0x1;
	s3 =	sadd.s32 s4, s19  }
0x9c: {  	s7 =	simm.s32 $0x0;
	s20 =	sshll.u32 s5, $0x1;
	s5 =	sadd.s32 s21, s3  }
0x9d: {  	[timem:s7], [sflag:s22] =	dma.local [hbm:s5], s20  }
0x9e: {  	_ =	swait.ge [sflag:s22], s20  }
0x9f: {  	s4 =	ssub.s32 $0x0, s20;
	[sflag:s22] =	ssyncset.done $0x0  }
0xa0: {  	[sflag:s22] =	ssyncadd.s32 s4;
	_ =	sdelay $0x1  }
0xa1: {  	s23 =	simm.s32 $0x1B8B  }
0xa2: {  	_ =	swait.ge [sflag:s23], $0x1  }
0xa3: {  	[sflag:s23] =	ssyncset.done $0x0  }
0xa4: {  	s25 =	simm.s32 $0x1B8E;
	s24 =	sld [smem:$0x3FFE];
	[sflag:s23] =	ssyncadd.s32 $0xFFFFFFFF  }
0xa5: {  	s26 =	simm.s32 $execute0_lowered;
	[smem:$0x3FD2] =	sst s25  }
0xa6: {  	s5 =	sshll.u32 s26, $0x1;
	_ =	strace $0x80000046;
	[dreg:$0x1] =	wrdreg $0xFFFFFFFF  }
0xa7: {  	s28 =	simm.s32 $_size_execute0_lowered;
	s3 =	sadd.s32 s3, s5;
	[dreg:$0x0] =	wrdreg $0x0  }
0xa8: {  	s5 =	sshll.u32 s28, $0x1;
	[dreg:$0x2] =	wrdreg s3  }
0xa9: {  	[dreg:$0x3] =	wrdreg s5  }
0xaa: {  	[dreg:$0x4] =	wrdreg $0xC0  }
0xab: {  	_ =	task [dreg:s7], $0x5FFFF  }
0xac: {  	[dreg:$0x1] =	wrdreg $0xFFFFFFFF  }
0xad: {  	[dreg:$0x0] =	wrdreg $0x60  }
0xae: {  	[dreg:$0x2] =	wrdreg s24  }
0xaf: {  	[dreg:$0x3] =	wrdreg s2  }
0xb0: {  	[dreg:$0x4] =	wrdreg $0x9  }
0xb1: {  	_ =	task.clear_ibuf [dreg:s7], $0x5FFFF;
	_ =	strace $0x90000046  }
0xb2: {  	s29 =	simm.s32 $0x9;
	_ =	strace $0x80000048  }
0xb3: {  	_ =	swait.ge [sflag:s29], $0x1  }
0xb4: {  	[sflag:s29] =	ssyncadd.s32 $0xFFFFFFFF  }
0xb5: {  	_ =	strace $0x90000048  }
0xb6: {  	_ =	sfence  }
0xb7: {  	s30 =	sld [smem:$0x0];
	_ =	sdelay $0x2  }
0xb8: {  	s31 =	sshll.u32 s1, $0xD;
	s1 =	sshrl.u32 s1, $0x2  }
0xb9: {  	s3 =	sand.u32 $0x4000, s31;
	s1 =	sadd.s32 s1, s30  }
0xba: {  	s0 =	sor.u32 s3, s0;
	s1 =	sshll.u32 s1, $0x11  }
0xbb: {  	s0 =	sor.u32 s1, s0  }
0xbc: {  	s0 =	sadd.s32 $0x8F2B, s0  }
0xbd: {  	[sflag:s0] =	ssyncadd.remote.s32 $0x1  }
0xbe: {  	_ =	sfence.sel $0xFFFF  }
0xbf: {  	[dreg:$0x0] =	wrdreg $0xFFFFFFFF;
	(pc) =	sbr.abs _section_cstart, $3  }
0xc0: {  	[dreg:$0x1] =	wrdreg $0xFFFFFFFF  }
0xc1: {  	_ =	task.clear_ibuf [dreg:s7], $0x2FFFF;
	_ =	strace $0x9FFFFFFF  }
0xc2: {  	(tm) =	ssettm $0x7FFFFFFF  }
0xc3: {  	_ =	shalt  }
tec
execute0_lowered:
.L_overlay_start_1:
0x0: {  	(tag) =	ssettag $0x1  }
0x1: {  	s0 =	rddreg [dreg:$0x0]  }
0x2: {  	s1 =	rddreg [dreg:$0x1]  }
0x3: {  	s3 =	simm.s32 $0x0;
	s2 =	srdreg.scid;
	s14 =	stileid.u32  }
0x4: {  	s28 =	simm.s32 $0x3;
	s29 =	simm.s32 $0x5;
	s30 =	simm.s32 $0x7  }
0x5: {  	s31 =	simm.s32 $0x2;
	[smem:$0x7FF] =	sst s3;
	s26 =	smul.u32 $0x50000, s14  }
0x6: {  	s2 =	sand.u32 $0x1, s2;
	s6 =	sshll.u32 s14, $0x1;
	s14 =	smul.u32 $0x1400, s14  }
0x7: {  	s4 =	sadd.s32 $0x2E00, s0;
	s5 =	sadd.s32 $0x19000, s0;
	s12 =	smul.u32 $0x28000, s2  }
0x8: {  	s7 =	sor.u32 s2, s6;
	s8 =	ssub.s32 $0x2, s2;
	s2 =	smul.u32 $0xA00, s2  }
0x9: {  	s10 =	sadd.s32 $0xBB800, s0;
	_ =	strace $0x80000047;
	s9 =	smul.u32 $0xA00, s7  }
0xa: {  	s6 =	sadd.s32 $0x16800, s0;
	s11 =	sshrl.u32 s8, $0x1;
	s7 =	smul.u32 $0x28000, s7  }
0xb: {  	s0 =	sadd.s32 $0x1B800, s0;
	s8 =	ssub.s32 s8, s11;
	s18 =	sadd.s32 s12, s26  }
0xc: {  	s2 =	sadd.s32 s2, s14;
	s9 =	sshrl.u32 s9, $0x3;
	s7 =	sshrl.u32 s7, $0x3  }
0xd: {  	s21 =	sshll.u32 s2, $0x3;
	s26 =	sor.u32 $0x100, s2;
	s24 =	sadd.s32 s5, s9  }
0xe: {  	s25 =	sadd.s32 s6, s9;
	s9 =	sor.u32 $0x10, s9;
	[dreg:$0x7] =	wrdreg s24  }
0xf: {  	s15 =	sadd.s32 $0x4800, s7;
	[dreg:$0x8] =	wrdreg s25;
	s13 =	sadd.s32 s5, s9  }
0x10: {  	s7 =	sadd.s32 $0x4C00, s7;
	s9 =	sadd.s32 s6, s9;
	[dreg:$0x9] =	wrdreg s13  }
0x11: {  	s23 =	sor.u32 $0x400, s21;
	s16 =	sadd.s32 s10, s15;
	[dreg:$0xa] =	wrdreg s9  }
0x12: {  	s21 =	simm.s32 $0x200;
	s17 =	sadd.s32 s0, s15;
	[dreg:$0xb] =	wrdreg s16  }
0x13: {  	s19 =	sadd.s32 s10, s7;
	s7 =	sadd.s32 s0, s7;
	[dreg:$0xc] =	wrdreg s17  }
0x14: {  	s15 =	smax.u32 s8, $0x1;
	s24 =	sadd.s32 s23, s10;
	[dreg:$0xd] =	wrdreg s19  }
0x15: {  	s25 =	sor.u32 $0x180, s2;
	s2 =	simm.s32 $0x6;
	[dreg:$0xe] =	wrdreg s7  }
0x16: {  	s8 =	simm.s32 $0x0;
	s9 =	sshrl.u32 s18, $0x3;
	[dreg:$0x5] =	wrdreg s24  }
0x17: {  	s16 =	sshrl.u32 s25, $0x3;
	s17 =	sshrl.u32 s26, $0x3;
	s18 =	simm.s32 $0x9  }
0x18: {  	s19 =	simm.s32 $0x100;
	s24 =	simm.s32 $0x2200;
	s20 =	sadd.s32 s9, s0  }
0x19: {  	s25 =	simm.s32 $0x6200;
	s22 =	sadd.s32 s9, s10;
	[dreg:$0x3] =	wrdreg s20  }
0x1a: {  	s26 =	simm.s32 $0x1;
	s0 =	sadd.s32 s23, s0;
	[dreg:$0x4] =	wrdreg s22  }
0x1b: {  	s7 =	simm.s32 $0x8;
	s23 =	simm.s32 $0x180;
	[dreg:$0x6] =	wrdreg s0  }
0x1c: {  	s20 =	simm.s32 $0x80;
	s22 =	simm.s32 $0x4200;
	s0 =	simm.s32 $0x4  }
.LBB2_1:
0x1d: {  	s9 =	rddreg [dreg:$0x7]  }
0x1e: {  	[tilespmem:s3], [sflag:$0x9] =	stream.linear.gather [hbm4b:s9+s3], $0x80, $0x38;
	[tilespmem:$0x8200] =	vst v63  }
0x1f: {  	_ =	swait.ge [sflag:s18], $0x80  }
0x20: {  	[sflag:s18] =	ssyncset.done $0x0  }
0x21: {  	s13 =	rddreg [dreg:$0x8];
	[sflag:s18] =	ssyncadd.s32 $0xFFFFFF80  }
0x22: {  	[tilespmem:s19], [sflag:$0x9] =	stream.linear.gather [hbm4b:s13+s3], $0x80, $0x38;
	[tilespmem:$0x8200] =	vst v63  }
0x23: {  	_ =	swait.ge [sflag:s18], $0x80  }
0x24: {  	[sflag:s18] =	ssyncset.done $0x0  }
0x25: {  	[sflag:s18] =	ssyncadd.s32 $0xFFFFFF80  }
0x26: {  	[tilespmem:s21], [sflag:$0x1] =	stream.indirect.gather [hbm4b:s4+s20], $0x40, s3, s20, $0xb8;
	[tilespmem:$0x8200] =	vst v63  }
0x27: {  	_ = 	snop  }
0x28: {  	[tilespmem:s22], [sflag:$0x3] =	stream.indirect.gather [hbm4b:s1+s20], $0x40, s19, s20, $0xb8;
	[tilespmem:$0x8200] =	vst v63  }
0x29: {  	s14 =	rddreg [dreg:$0x9]  }
0x2a: {  	[tilespmem:s20], [sflag:$0x9] =	stream.linear.gather [hbm4b:s14+s3], $0x80, $0x38;
	[tilespmem:$0x8200] =	vst v63  }
0x2b: {  	_ =	swait.ge [sflag:s18], $0x80  }
0x2c: {  	[sflag:s18] =	ssyncset.done $0x0  }
0x2d: {  	s10 =	rddreg [dreg:$0xa];
	[sflag:s18] =	ssyncadd.s32 $0xFFFFFF80  }
0x2e: {  	[tilespmem:s23], [sflag:$0x9] =	stream.linear.gather [hbm4b:s10+s3], $0x80, $0x38;
	[tilespmem:$0x8200] =	vst v63  }
0x2f: {  	_ =	swait.ge [sflag:s18], $0x80  }
0x30: {  	[sflag:s18] =	ssyncset.done $0x0  }
0x31: {  	[sflag:s18] =	ssyncadd.s32 $0xFFFFFF80  }
0x32: {  	[tilespmem:s24], [sflag:$0x2] =	stream.indirect.gather [hbm4b:s4+s20], $0x40, s20, s20, $0xb8;
	[tilespmem:$0x8200] =	vst v63  }
0x33: {  	_ = 	snop  }
0x34: {  	[tilespmem:s25], [sflag:$0x4] =	stream.indirect.gather [hbm4b:s1+s20], $0x40, s23, s20, $0xb8;
	[tilespmem:$0x8200] =	vst v63  }
0x35: {  	_ =	swait.ge [sflag:s26], $0x2000  }
0x36: {  	[sflag:s26] =	ssyncset.done $0x0  }
0x37: {  	[sflag:s26] =	ssyncadd.s32 $0xFFFFE000  }
0x38: {  	_ =	swait.ge [sflag:s28], $0x2000  }
0x39: {  	s11 =	rddreg [dreg:$0x4];
	[sflag:s28] =	ssyncset.done $0x0  }
0x3a: {  	s10 =	rddreg [dreg:$0x3];
	[sflag:s28] =	ssyncadd.s32 $0xFFFFE000;
	s9 =	sadd.s32 $0x0, s11  }
0x3b: {  	[hbm4b:s9+s3] =	stream.linear.scatter [tilespmem:s21], [sflag:$0x5], $0x2000, $0x38;
	[tilespmem:$0x8200] =	vst v63  }
0x3c: {  	s12 =	sadd.s32 $0x0, s10  }
0x3d: {  	[hbm4b:s12+s3] =	stream.linear.scatter [tilespmem:s22], [sflag:$0x7], $0x2000, $0x38;
	[tilespmem:$0x8200] =	vst v63  }
0x3e: {  	_ =	swait.ge [sflag:s29], $0x2000  }
0x3f: {  	[sflag:s29] =	ssyncset.done $0x0  }
0x40: {  	[sflag:s29] =	ssyncadd.s32 $0xFFFFE000  }
0x41: {  	_ =	swait.ge [sflag:s30], $0x2000  }
0x42: {  	[sflag:s30] =	ssyncset.done $0x0  }
0x43: {  	s13 =	sadd.s32 s5, s17;
	[sflag:s30] =	ssyncadd.s32 $0xFFFFE000  }
0x44: {  	[tilespmem:s3], [sflag:$0x9] =	stream.linear.gather [hbm4b:s13+s3], $0x80, $0x38;
	[tilespmem:$0x8200] =	vst v63  }
0x45: {  	_ =	swait.ge [sflag:s18], $0x80  }
0x46: {  	[sflag:s18] =	ssyncset.done $0x0  }
0x47: {  	s14 =	sadd.s32 s6, s17;
	[sflag:s18] =	ssyncadd.s32 $0xFFFFFF80  }
0x48: {  	[tilespmem:s19], [sflag:$0x9] =	stream.linear.gather [hbm4b:s14+s3], $0x80, $0x38;
	[tilespmem:$0x8200] =	vst v63  }
0x49: {  	_ =	swait.ge [sflag:s18], $0x80  }
0x4a: {  	[sflag:s18] =	ssyncset.done $0x0  }
0x4b: {  	[sflag:s18] =	ssyncadd.s32 $0xFFFFFF80  }
0x4c: {  	[tilespmem:s21], [sflag:$0x1] =	stream.indirect.gather [hbm4b:s4+s20], $0x40, s3, s20, $0xb8;
	[tilespmem:$0x8200] =	vst v63  }
0x4d: {  	_ = 	snop  }
0x4e: {  	[tilespmem:s22], [sflag:$0x3] =	stream.indirect.gather [hbm4b:s1+s20], $0x40, s19, s20, $0xb8;
	[tilespmem:$0x8200] =	vst v63  }
0x4f: {  	_ =	swait.ge [sflag:s31], $0x2000  }
0x50: {  	[sflag:s31] =	ssyncset.done $0x0  }
0x51: {  	[sflag:s31] =	ssyncadd.s32 $0xFFFFE000  }
0x52: {  	_ =	swait.ge [sflag:s0], $0x2000  }
0x53: {  	s10 =	rddreg [dreg:$0x5];
	[sflag:s0] =	ssyncset.done $0x0  }
0x54: {  	s11 =	rddreg [dreg:$0x6];
	[sflag:s0] =	ssyncadd.s32 $0xFFFFE000;
	s9 =	sadd.s32 $0x0, s10  }
0x55: {  	[hbm4b:s9+s3] =	stream.linear.scatter [tilespmem:s24], [sflag:$0x6], $0x2000, $0x38;
	[tilespmem:$0x8200] =	vst v63  }
0x56: {  	s12 =	sadd.s32 $0x0, s11  }
0x57: {  	[hbm4b:s12+s3] =	stream.linear.scatter [tilespmem:s25], [sflag:$0x8], $0x2000, $0x38;
	[tilespmem:$0x8200] =	vst v63  }
0x58: {  	_ =	swait.ge [sflag:s2], $0x2000  }
0x59: {  	[sflag:s2] =	ssyncset.done $0x0  }
0x5a: {  	[sflag:s2] =	ssyncadd.s32 $0xFFFFE000  }
0x5b: {  	_ =	swait.ge [sflag:s7], $0x2000  }
0x5c: {  	[sflag:s7] =	ssyncset.done $0x0  }
0x5d: {  	s13 =	sadd.s32 s5, s16;
	[sflag:s7] =	ssyncadd.s32 $0xFFFFE000  }
0x5e: {  	[tilespmem:s20], [sflag:$0x9] =	stream.linear.gather [hbm4b:s13+s3], $0x80, $0x38;
	[tilespmem:$0x8200] =	vst v63  }
0x5f: {  	_ =	swait.ge [sflag:s18], $0x80  }
0x60: {  	[sflag:s18] =	ssyncset.done $0x0  }
0x61: {  	s14 =	sadd.s32 s6, s16;
	[sflag:s18] =	ssyncadd.s32 $0xFFFFFF80  }
0x62: {  	[tilespmem:s23], [sflag:$0x9] =	stream.linear.gather [hbm4b:s14+s3], $0x80, $0x38;
	[tilespmem:$0x8200] =	vst v63  }
0x63: {  	_ =	swait.ge [sflag:s18], $0x80  }
0x64: {  	s10 =	sadd.s32 $0x20, s6;
	[sflag:s18] =	ssyncset.done $0x0  }
0x65: {  	s11 =	sadd.s32 $0x20, s5;
	s9 =	simm.s32 $0x800;
	[sflag:s18] =	ssyncadd.s32 $0xFFFFFF80  }
0x66: {  	[tilespmem:s24], [sflag:$0x2] =	stream.indirect.gather [hbm4b:s4+s20], $0x40, s20, s20, $0xb8;
	[tilespmem:$0x8200] =	vst v63  }
.LBB2_2:
0x67: {  	[tilespmem:s25], [sflag:$0x4] =	stream.indirect.gather [hbm4b:s1+s20], $0x40, s23, s20, $0xb8;
	[tilespmem:$0x8200] =	vst v63  }
0x68: {  	_ =	swait.ge [sflag:s26], $0x2000  }
0x69: {  	[sflag:s26] =	ssyncset.done $0x0  }
0x6a: {  	[sflag:s26] =	ssyncadd.s32 $0xFFFFE000  }
0x6b: {  	_ =	swait.ge [sflag:s28], $0x2000  }
0x6c: {  	s12 =	smov.u32 s9;
	s13 =	rddreg [dreg:$0x4];
	[sflag:s28] =	ssyncset.done $0x0  }
0x6d: {  	s14 =	rddreg [dreg:$0x3];
	[sflag:s28] =	ssyncadd.s32 $0xFFFFE000;
	s13 =	sadd.s32 s12, s13  }
0x6e: {  	[hbm4b:s13+s3] =	stream.linear.scatter [tilespmem:s21], [sflag:$0x5], $0x2000, $0x38;
	[tilespmem:$0x8200] =	vst v63  }
0x6f: {  	s14 =	sadd.s32 s12, s14  }
0x70: {  	[hbm4b:s14+s3] =	stream.linear.scatter [tilespmem:s22], [sflag:$0x7], $0x2000, $0x38;
	[tilespmem:$0x8200] =	vst v63  }
0x71: {  	_ =	swait.ge [sflag:s29], $0x2000  }
0x72: {  	[sflag:s29] =	ssyncset.done $0x0  }
0x73: {  	[sflag:s29] =	ssyncadd.s32 $0xFFFFE000  }
0x74: {  	_ =	swait.ge [sflag:s30], $0x2000  }
0x75: {  	[sflag:s30] =	ssyncset.done $0x0  }
0x76: {  	s14 =	sadd.s32 s11, s17;
	[sflag:s30] =	ssyncadd.s32 $0xFFFFE000  }
0x77: {  	[tilespmem:s3], [sflag:$0x9] =	stream.linear.gather [hbm4b:s14+s3], $0x80, $0x38;
	[tilespmem:$0x8200] =	vst v63  }
0x78: {  	_ =	swait.ge [sflag:s18], $0x80  }
0x79: {  	[sflag:s18] =	ssyncset.done $0x0  }
0x7a: {  	s14 =	sadd.s32 s10, s17;
	[sflag:s18] =	ssyncadd.s32 $0xFFFFFF80  }
0x7b: {  	[tilespmem:s19], [sflag:$0x9] =	stream.linear.gather [hbm4b:s14+s3], $0x80, $0x38;
	[tilespmem:$0x8200] =	vst v63  }
0x7c: {  	_ =	swait.ge [sflag:s18], $0x80  }
0x7d: {  	[sflag:s18] =	ssyncset.done $0x0  }
0x7e: {  	[sflag:s18] =	ssyncadd.s32 $0xFFFFFF80  }
0x7f: {  	[tilespmem:s21], [sflag:$0x1] =	stream.indirect.gather [hbm4b:s4+s20], $0x40, s3, s20, $0xb8;
	[tilespmem:$0x8200] =	vst v63  }
0x80: {  	_ = 	snop  }
0x81: {  	[tilespmem:s22], [sflag:$0x3] =	stream.indirect.gather [hbm4b:s1+s20], $0x40, s19, s20, $0xb8;
	[tilespmem:$0x8200] =	vst v63  }
0x82: {  	_ =	swait.ge [sflag:s31], $0x2000  }
0x83: {  	[sflag:s31] =	ssyncset.done $0x0  }
0x84: {  	[sflag:s31] =	ssyncadd.s32 $0xFFFFE000  }
0x85: {  	_ =	swait.ge [sflag:s0], $0x2000  }
0x86: {  	s13 =	rddreg [dreg:$0x5];
	[sflag:s0] =	ssyncset.done $0x0  }
0x87: {  	s14 =	rddreg [dreg:$0x6];
	[sflag:s0] =	ssyncadd.s32 $0xFFFFE000;
	s13 =	sadd.s32 s12, s13  }
0x88: {  	[hbm4b:s13+s3] =	stream.linear.scatter [tilespmem:s24], [sflag:$0x6], $0x2000, $0x38;
	[tilespmem:$0x8200] =	vst v63  }
0x89: {  	s12 =	sadd.s32 s12, s14  }
0x8a: {  	[hbm4b:s12+s3] =	stream.linear.scatter [tilespmem:s25], [sflag:$0x8], $0x2000, $0x38;
	[tilespmem:$0x8200] =	vst v63  }
0x8b: {  	_ =	swait.ge [sflag:s2], $0x2000  }
0x8c: {  	[sflag:s2] =	ssyncset.done $0x0  }
0x8d: {  	[sflag:s2] =	ssyncadd.s32 $0xFFFFE000  }
0x8e: {  	_ =	swait.ge [sflag:s7], $0x2000  }
0x8f: {  	[sflag:s7] =	ssyncset.done $0x0  }
0x90: {  	s13 =	sadd.s32 s11, s16;
	[sflag:s7] =	ssyncadd.s32 $0xFFFFE000  }
0x91: {  	[tilespmem:s20], [sflag:$0x9] =	stream.linear.gather [hbm4b:s13+s3], $0x80, $0x38;
	[tilespmem:$0x8200] =	vst v63  }
0x92: {  	_ =	swait.ge [sflag:s18], $0x80  }
0x93: {  	[sflag:s18] =	ssyncset.done $0x0  }
0x94: {  	p0 =	sne.s32 s9, $0x4000;
	s14 =	sadd.s32 s10, s16;
	[sflag:s18] =	ssyncadd.s32 $0xFFFFFF80  }
0x95: {  	[tilespmem:s23], [sflag:$0x9] =	stream.linear.gather [hbm4b:s14+s3], $0x80, $0x38;
	[tilespmem:$0x8200] =	vst v63  }
.Ltmp0:
0x96: {  	_ = 	snop;
	(pc) =	sbr.rel @p0 .LBB2_2-.Ltmp0, $4  }
0x97: {  	_ =	swait.ge [sflag:s18], $0x80  }
0x98: {  	s9 =	sadd.s32 $0x800, s9;
	[sflag:s18] =	ssyncset.done $0x0  }
0x99: {  	s10 =	sadd.s32 $0x20, s10;
	s11 =	sadd.s32 $0x20, s11;
	[sflag:s18] =	ssyncadd.s32 $0xFFFFFF80  }
0x9a: {  	[tilespmem:s24], [sflag:$0x2] =	stream.indirect.gather [hbm4b:s4+s20], $0x40, s20, s20, $0xb8;
	[tilespmem:$0x8200] =	vst v63  }
0x9b: {  	[tilespmem:s25], [sflag:$0x4] =	stream.indirect.gather [hbm4b:s1+s20], $0x40, s23, s20, $0xb8;
	[tilespmem:$0x8200] =	vst v63  }
0x9c: {  	_ =	swait.ge [sflag:s26], $0x2000  }
0x9d: {  	[sflag:s26] =	ssyncset.done $0x0  }
0x9e: {  	[sflag:s26] =	ssyncadd.s32 $0xFFFFE000  }
0x9f: {  	_ =	swait.ge [sflag:s28], $0x2000  }
0xa0: {  	[sflag:s28] =	ssyncset.done $0x0  }
0xa1: {  	s9 =	rddreg [dreg:$0xb];
	[sflag:s28] =	ssyncadd.s32 $0xFFFFE000  }
0xa2: {  	[hbm4b:s9+s3] =	stream.linear.scatter [tilespmem:s21], [sflag:$0x5], $0x2000, $0x38;
	[tilespmem:$0x8200] =	vst v63  }
0xa3: {  	s12 =	rddreg [dreg:$0xc]  }
0xa4: {  	[hbm4b:s12+s3] =	stream.linear.scatter [tilespmem:s22], [sflag:$0x7], $0x2000, $0x38;
	[tilespmem:$0x8200] =	vst v63  }
0xa5: {  	_ =	swait.ge [sflag:s31], $0x2000  }
0xa6: {  	[sflag:s31] =	ssyncset.done $0x0  }
0xa7: {  	[sflag:s31] =	ssyncadd.s32 $0xFFFFE000  }
0xa8: {  	_ =	swait.ge [sflag:s0], $0x2000  }
0xa9: {  	[sflag:s0] =	ssyncset.done $0x0  }
0xaa: {  	s13 =	rddreg [dreg:$0xd];
	[sflag:s0] =	ssyncadd.s32 $0xFFFFE000  }
0xab: {  	[hbm4b:s13+s3] =	stream.linear.scatter [tilespmem:s24], [sflag:$0x6], $0x2000, $0x38;
	[tilespmem:$0x8200] =	vst v63  }
0xac: {  	s14 =	rddreg [dreg:$0xe]  }
0xad: {  	[hbm4b:s14+s3] =	stream.linear.scatter [tilespmem:s25], [sflag:$0x8], $0x2000, $0x38;
	[tilespmem:$0x8200] =	vst v63  }
0xae: {  	_ =	swait.ge [sflag:s29], $0x2000  }
0xaf: {  	[sflag:s29] =	ssyncset.done $0x0  }
0xb0: {  	[sflag:s29] =	ssyncadd.s32 $0xFFFFE000  }
0xb1: {  	_ =	swait.ge [sflag:s30], $0x2000  }
0xb2: {  	[sflag:s30] =	ssyncset.done $0x0  }
0xb3: {  	s8 =	sadd.s32 $0x1, s8;
	[sflag:s30] =	ssyncadd.s32 $0xFFFFE000  }
0xb4: {  	p0 =	sne.s32 s8, s15;
	_ =	swait.ge [sflag:s2], $0x2000  }
.Ltmp1:
0xb5: {  	[sflag:s2] =	ssyncset.done $0x0;
	(pc) =	sbr.rel @p0 .LBB2_1-.Ltmp1, $4  }
0xb6: {  	[sflag:s2] =	ssyncadd.s32 $0xFFFFE000  }
0xb7: {  	_ =	swait.ge [sflag:s7], $0x2000  }
0xb8: {  	[sflag:s7] =	ssyncset.done $0x0  }
0xb9: {  	[sflag:s7] =	ssyncadd.s32 $0xFFFFE000  }
0xba: {  	_ =	sfence.sel $0x180000  }
0xbb: {  	[bflag:$0x0] =	sbarrier.arrive $0xFFFF  }
0xbc: {  	_ =	strace $0x90000047  }
0xbd: {  	s0 =	stileid.u32;
	[bflag:$0x2] =	sbarrier.arrive $0xFFFF  }
0xbe: {  	p0 =	sne.s32 s0, $0x0;
	s0 =	rddreg [dreg:$0x2]  }
0xbf: {  	s0 =	sadd.s32 @!p0 $0x100000, s0  }
0xc0: {  	[sflag:s0] =	ssyncadd.tile.s32 @!p0 $0x1;
	_ =	shalt  }
.Lfunc_end2:
_tile_overlayer_lowered:
.L_overlay_start_2:
0xc1: {  	(tag) =	ssettag $0x2  }
0xc2: {  	s0 =	rddreg [dreg:$0x0];
	s2 =	stileid.u32  }
0xc3: {  	s1 =	rddreg [dreg:$0x1];
	p0 =	sne.s32 s2, $0x0  }
0xc4: {  	s3 =	rddreg [dreg:$0x2];
	[bflag:$0x3] =	sbarrier.arrive $0xFFFF;
	s2 =	simm.s32 @!p0 $0x1C09  }
0xc5: {  	[timem:s3], [sflag:s2] =	dma.local @!p0 [hbm:s0], s1  }
0xc6: {  	s0 =	simm.s32 @!p0 $0x9  }
0xc7: {  	_ =	swait.ge @!p0 [sflag:s0], s1  }
0xc8: {  	s1 =	ssub.s32 @!p0 $0x0, s1;
	[sflag:s0] =	ssyncset.done @!p0 $0x0  }
0xc9: {  	[sflag:s0] =	ssyncadd.s32 @!p0 s1  }
0xca: {  	[bflag:$0x3] =	sbarrier.arrive $0xFFFF  }
0xcb: {  	_ =	shalt  }

</sc_bundles>
